<compile_context>
chip_gen: v7x
topology: tpu7x:2x2x1
jax: 0.10.2.dev20260603
libtpu: 0.0.44.dev20260713+nightly
codegen_flags: <defaults>
</compile_context>

<pallas_src>
import functools

import jax
import jax.numpy as jnp
from jax import lax
from jax.experimental import pallas as pl
from jax.experimental.pallas import tpu as pltpu
from jax.experimental.pallas import tpu_sc as plsc

N = 10000
E = 320000
D_IN = 128
HID = 128
HEADS = 8
DIM = HID // HEADS
OUT = 3

_BN = 1000


def _proj_body(x_ref, w_ref, b_ref, a_ref, hs_ref, adst_ref):
    h = jnp.dot(x_ref[...], w_ref[...], preferred_element_type=jnp.float32)
    h = h + b_ref[...]
    ah = jnp.dot(h, a_ref[0], preferred_element_type=jnp.float32)
    z8 = jnp.zeros((ah.shape[0], 8), jnp.float32)
    hs_ref[...] = jnp.concatenate([h, ah[:, 0:8], z8], axis=1)[None]
    adst_ref[...] = jnp.concatenate([ah[:, 8:16], z8], axis=1)[None]


def _project(x_pad, W, b2, A2):
    _BNP = 1024
    grid = (2, _NPAD // _BNP)
    return pl.pallas_call(
        _proj_body,
        grid=grid,
        in_specs=[
            pl.BlockSpec((_BNP, D_IN), lambda p, i: (i, 0)),
            pl.BlockSpec((D_IN, HID), lambda p, i: (0, 0)),
            pl.BlockSpec((1, HID), lambda p, i: (0, 0)),
            pl.BlockSpec((1, HID, 16), lambda p, i: (p, 0, 0)),
        ],
        out_specs=[
            pl.BlockSpec((1, _BNP, _W), lambda p, i: (p, i, 0)),
            pl.BlockSpec((1, _BNP, 16), lambda p, i: (p, i, 0)),
        ],
        out_shape=[
            jax.ShapeDtypeStruct((2, _NPAD, _W), jnp.float32),
            jax.ShapeDtypeStruct((2, _NPAD, 16), jnp.float32),
        ],
    )(x_pad, W, b2, A2)


def _blockdiag(att):
    eye = jnp.eye(HEADS, dtype=att.dtype)
    return (att[:, :, None] * eye[:, None, :]).reshape(HID, HEADS)


_NC = 2
_NS = 16
_NPAD = 10240
_RT = _NPAD // _NS
_NB = 64
_ECH = 72
_SUP = 6
_NSUPER = 47
_NCHT = _NSUPER * _SUP
_EPT = _NCHT * _ECH
_EPAD = _NS * _EPT
_W = HID + 16


def _sc_edge_pass(ei4, hs2, adst2):
    mesh = plsc.VectorSubcoreMesh(
        core_axis_name="c", subcore_axis_name="s",
        num_cores=_NC, num_subcores=_NS)

    @functools.partial(
        pl.kernel,
        compiler_params=pltpu.CompilerParams(use_tc_tiling_on_sc=False),
        out_type=jax.ShapeDtypeStruct((_NC, _NPAD, _W), jnp.float32),
        mesh=mesh,
        scratch_types=[
            pltpu.VMEM_SHARED((_NPAD, _W), jnp.float32),
            pltpu.VMEM((_SUP, 2, _ECH), jnp.int32),
            [pltpu.VMEM((_ECH, _W), jnp.float32)] * 3,
            [pltpu.VMEM((_ECH, 16), jnp.float32)] * 3,
            [pltpu.SemaphoreType.DMA] * 3,
            [pltpu.SemaphoreType.DMA] * 3,
            [pltpu.SemaphoreType.DMA] * 3,
        ],
    )
    def k(ei_hbm, hs_hbm, adst_hbm, outs_hbm,
          acc, ei_sc, hs, adst, sem_ga, sem_gh, sem_so):
        c = lax.axis_index("c")
        sid = lax.axis_index("s")
        zero16 = jnp.zeros((16,), jnp.float32)

        with jax.named_scope("zero_acc"):
            def zrow(i, _):
                for j in range(_W // 16):
                    hs[0][i, pl.ds(j * 16, 16)] = zero16
                return 0
            lax.fori_loop(0, _NB, zrow, 0)

            def zinit(kk, _):
                r0 = sid * _RT + kk * _NB
                pltpu.sync_copy(hs[0].at[pl.ds(0, _NB)], acc.at[pl.ds(r0, _NB)])
                return 0
            lax.fori_loop(0, _RT // _NB, zinit, 0)
            plsc.subcore_barrier()

        def issue_gathers(j, descs):
            b = j % 3
            descs['gh', j] = pltpu.async_copy(
                hs_hbm.at[c].at[ei_sc.at[j, 0]], hs[b], sem_gh[b])
            descs['ga', j] = pltpu.async_copy(
                adst_hbm.at[c].at[ei_sc.at[j, 1]], adst[b], sem_ga[b])

        def drain_scatter(b):
            pltpu.make_async_copy(
                hs_hbm.at[0, pl.ds(0, _ECH)], hs[b], sem_so[b]).wait()

        def super_chunk(t, _):
            row0 = sid * _NCHT + t * _SUP
            pltpu.sync_copy(ei_hbm.at[c, pl.ds(row0, _SUP)], ei_sc)
            descs = {}
            issue_gathers(0, descs)
            issue_gathers(1, descs)
            for j in range(_SUP):
                b = j % 3
                descs['gh', j].wait()
                descs['ga', j].wait()

                def edge(i, _):
                    a = hs[b][i, pl.ds(HID, 16)] + adst[b][i, :]
                    a = jnp.where(a >= 0.0, a, 0.2 * a)
                    ev = jnp.exp(a)
                    hs[b][i, pl.ds(HID, 16)] = ev
                    for hh in range(HEADS):
                        seg = hs[b][i, pl.ds(hh * 16, 16)]
                        hs[b][i, pl.ds(hh * 16, 16)] = seg * ev[hh]
                    return 0
                lax.fori_loop(0, _ECH, edge, 0)
                if j == 0:
                    @pl.when(t > 0)
                    def _():
                        drain_scatter(2)
                    issue_gathers(2, descs)
                else:
                    descs['so', j - 1].wait()
                    if j + 2 < _SUP:
                        issue_gathers(j + 2, descs)
                descs['so', j] = pltpu.async_copy(
                    hs[b], acc.at[ei_sc.at[j, 1]], sem_so[b], add=True)
            return 0
        with jax.named_scope("edge_pass"):
            lax.fori_loop(0, _NSUPER, super_chunk, 0)
            drain_scatter(2)
            plsc.subcore_barrier()

        nbase = sid * _RT

        def p3(kk, _):
            r0 = nbase + kk * _NB
            pltpu.sync_copy(acc.at[pl.ds(r0, _NB)], hs[0].at[pl.ds(0, _NB)])

            def row(i, _):
                rv = jnp.float32(1.0) / (hs[0][i, pl.ds(HID, 16)] + 1e-16)
                for hh in range(HEADS):
                    v = hs[0][i, pl.ds(hh * 16, 16)] * rv[hh]
                    hs[0][i, pl.ds(hh * 16, 16)] = jnp.maximum(v, 0.0)
                return 0
            lax.fori_loop(0, _NB, row, 0)
            pltpu.sync_copy(hs[0].at[pl.ds(0, _NB)], outs_hbm.at[c, pl.ds(r0, _NB)])
            return 0
        with jax.named_scope("normalize"):
            lax.fori_loop(0, _RT // _NB, p3, 0)

    return k(ei4, hs2, adst2)


def _sem_score_body(o_ref, kw_ref, kb_ref, q_ref, acc_ref):
    p = pl.program_id(0)
    i = pl.program_id(1)
    k = jnp.dot(o_ref[0, :, 0:HID], kw_ref[...], preferred_element_type=jnp.float32)
    k = jnp.tanh(k + kb_ref[...])
    u = jnp.sum(k * q_ref[...])

    @pl.when(jnp.logical_and(p == 0, i == 0))
    def _():
        acc_ref[...] = jnp.zeros_like(acc_ref)

    onehot = (jax.lax.broadcasted_iota(jnp.int32, (1, 2), 1) == p)
    acc_ref[...] = acc_ref[...] + jnp.where(onehot, u, 0.0)


def _sem_scores(outs, K_w, K_b2, q2):
    grid = (2, N // _BN)
    return pl.pallas_call(
        _sem_score_body,
        grid=grid,
        in_specs=[
            pl.BlockSpec((1, _BN, _W), lambda p, i: (p, i, 0)),
            pl.BlockSpec((HID, HID), lambda p, i: (0, 0)),
            pl.BlockSpec((1, HID), lambda p, i: (0, 0)),
            pl.BlockSpec((1, HID), lambda p, i: (0, 0)),
        ],
        out_specs=pl.BlockSpec((1, 2), lambda p, i: (0, 0)),
        out_shape=jax.ShapeDtypeStruct((1, 2), jnp.float32),
    )(outs, K_w, K_b2, q2)


def _final_body(score_ref, o_ref, lw_ref, lb_ref, out_ref):
    s0 = score_ref[0, 0]
    s1 = score_ref[0, 1]
    m = jnp.maximum(s0, s1)
    e0 = jnp.exp(s0 - m)
    e1 = jnp.exp(s1 - m)
    a0 = e0 / (e0 + e1)
    a1 = e1 / (e0 + e1)
    sem = a0 * o_ref[0, :, 0:HID] + a1 * o_ref[1, :, 0:HID]
    out_ref[...] = jnp.dot(sem, lw_ref[...], preferred_element_type=jnp.float32) + lb_ref[...]


def _final(score, outs_pad, L_w, L_b2):
    grid = (N // _BN,)
    return pl.pallas_call(
        _final_body,
        grid=grid,
        in_specs=[
            pl.BlockSpec(memory_space=pltpu.SMEM),
            pl.BlockSpec((2, _BN, _W), lambda i: (0, i, 0)),
            pl.BlockSpec((HID, OUT), lambda i: (0, 0)),
            pl.BlockSpec((1, OUT), lambda i: (0, 0)),
        ],
        out_specs=pl.BlockSpec((_BN, OUT), lambda i: (i, 0)),
        out_shape=jax.ShapeDtypeStruct((N, OUT), jnp.float32),
    )(score, outs_pad, L_w, L_b2)


def kernel(x_movie, edge_index_mp0, edge_index_mp1, W_proj, b_proj,
           att_src_0, att_dst_0, att_src_1, att_dst_1,
           K_w, K_b, q, L_w, L_b):
    A2 = jnp.stack([
        jnp.concatenate([_blockdiag(att_src_0), _blockdiag(att_dst_0)], axis=1),
        jnp.concatenate([_blockdiag(att_src_1), _blockdiag(att_dst_1)], axis=1)])
    x_pad = jnp.pad(x_movie, ((0, _NPAD - N), (0, 0)))
    hs2, a_dst2 = _project(x_pad, W_proj, b_proj.reshape(1, HID), A2)

    pad_e = _EPAD - E
    src2 = jnp.concatenate(
        [jnp.stack([edge_index_mp0[0], edge_index_mp1[0]]),
         jnp.full((2, pad_e), N, jnp.int32)], axis=1)
    dst2 = jnp.concatenate(
        [jnp.stack([edge_index_mp0[1], edge_index_mp1[1]]),
         jnp.full((2, pad_e), N, jnp.int32)], axis=1)
    ei4 = jnp.stack([src2.reshape(2, _NCHT * _NS, _ECH),
                     dst2.reshape(2, _NCHT * _NS, _ECH)], axis=2)

    outs_pad = _sc_edge_pass(ei4, hs2, a_dst2)
    score = _sem_scores(outs_pad, K_w, K_b.reshape(1, HID), q.reshape(1, HID))
    score = score / jnp.float32(N)
    return _final(score, outs_pad, L_w, L_b.reshape(1, OUT))

# --- scband reference (transcript-rebuilt; emitter-appended) ---
"""Pipeline reference for scband-han-13975823582297 (READ-ONLY COPY).

The authoritative reference and input builder live on the scoring server;
editing this copy changes nothing except your own understanding.
"""

import jax, jax.numpy as jnp
import numpy as np

N = 10000
E = 320000
D_IN = 128
HID = 128
HEADS = 8
DIM = HID // HEADS
OUT = 3


def setup_inputs(seed: int = 0) -> dict:
    key = jax.random.key(seed)
    ks = jax.random.split(key, 16)
    s_in = 1.0 / np.sqrt(D_IN)
    s_hid = 1.0 / np.sqrt(HID)
    s_dim = 1.0 / np.sqrt(DIM)
    return {
        "x_movie": jax.random.normal(ks[0], (N, D_IN), dtype=jnp.float32),
        "edge_index_mp0": jax.random.randint(ks[1], (2, E), 0, N, dtype=jnp.int32),
        "edge_index_mp1": jax.random.randint(ks[2], (2, E), 0, N, dtype=jnp.int32),
        "W_proj": jax.random.normal(ks[3], (D_IN, HID), dtype=jnp.float32) * s_in,
        "b_proj": jnp.zeros((HID,), dtype=jnp.float32),
        "att_src_0": jax.random.normal(ks[4], (HEADS, DIM), dtype=jnp.float32) * s_dim,
        "att_dst_0": jax.random.normal(ks[5], (HEADS, DIM), dtype=jnp.float32) * s_dim,
        "att_src_1": jax.random.normal(ks[6], (HEADS, DIM), dtype=jnp.float32) * s_dim,
        "att_dst_1": jax.random.normal(ks[7], (HEADS, DIM), dtype=jnp.float32) * s_dim,
        "K_w": jax.random.normal(ks[8], (HID, HID), dtype=jnp.float32) * s_hid,
        "K_b": jnp.zeros((HID,), dtype=jnp.float32),
        "q": jax.random.normal(ks[9], (HID,), dtype=jnp.float32) * s_hid,
        "L_w": jax.random.normal(ks[10], (HID, OUT), dtype=jnp.float32) * s_hid,
        "L_b": jnp.zeros((OUT,), dtype=jnp.float32),
    }


def _han_edge_conv(x_hd, edge_index, att_src, att_dst):
    # x_hd: [N, HEADS, DIM]; GAT-style per-edge-type attention (HANConv, eval mode: dropout off)
    src = edge_index[0]
    dst = edge_index[1]
    a_src = (x_hd * att_src[None, :, :]).sum(-1)  # [N, H]
    a_dst = (x_hd * att_dst[None, :, :]).sum(-1)  # [N, H]
    alpha = a_src[src] + a_dst[dst]               # [E, H]
    alpha = jax.nn.leaky_relu(alpha, negative_slope=0.2)
    m = jax.ops.segment_max(alpha, dst, num_segments=N)
    m = jnp.where(jnp.isfinite(m), m, 0.0)
    m = jax.lax.stop_gradient(m)
    e = jnp.exp(alpha - m[dst])                   # [E, H]
    s = jax.ops.segment_sum(e, dst, num_segments=N)
    coef = e / (s[dst] + 1e-16)                   # [E, H] softmax over incoming edges
    msg = x_hd[src] * coef[:, :, None]            # [E, H, DIM]
    out = jax.ops.segment_sum(msg, dst, num_segments=N)  # [N, H, DIM]
    return jax.nn.relu(out.reshape(N, HID))


def reference(x_movie, edge_index_mp0, edge_index_mp1, W_proj, b_proj,
              att_src_0, att_dst_0, att_src_1, att_dst_1,
              K_w, K_b, q, L_w, L_b):
    # node-type projection ('movie')
    h = x_movie @ W_proj + b_proj                 # [N, HID]
    h_hd = h.reshape(N, HEADS, DIM)
    # per-metapath (edge type) attention convolution
    o0 = _han_edge_conv(h_hd, edge_index_mp0, att_src_0, att_dst_0)
    o1 = _han_edge_conv(h_hd, edge_index_mp1, att_src_1, att_dst_1)
    outs = jnp.stack([o0, o1], axis=0)            # [2, N, HID]
    # semantic-level attention across metapaths (HANConv group)
    k = jnp.tanh(outs @ K_w + K_b)                # [2, N, HID]
    score = (k.mean(axis=1) * q[None, :]).sum(-1) # [2]
    attn = jax.nn.softmax(score, axis=0)
    sem = (attn[:, None, None] * outs).sum(axis=0)  # [N, HID]
    # final classifier on 'movie' nodes
    return sem @ L_w + L_b                        # [N, OUT]

if __name__ == "__main__":
    import jax
    _d = setup_inputs()
    print(jax.jit(kernel)(*tuple(_d.values())))

</pallas_src>

<mosaic_0001>
#map = affine_map<(d0, d1) -> (0, 0, 0, 0)>
#map1 = affine_map<(d0, d1) -> (0, 0, 0)>
module attributes {stable_mosaic.version = 14 : i64} {
  func.func @k(%arg0: i32, %arg1: i32, %arg2: memref<2x4512x2x72xi32, #tpu.memory_space<hbm>>, %arg3: memref<2x10240x144xf32, #tpu.memory_space<hbm>>, %arg4: memref<2x10240x16xf32, #tpu.memory_space<hbm>>, %arg5: memref<2x10240x144xf32, #tpu.memory_space<hbm>>, %arg6: memref<10240x144xf32, #tpu.memory_space<vmem_shared>>, %arg7: memref<6x2x72xi32, #tpu.memory_space<vmem>>, %arg8: memref<72x144xf32, #tpu.memory_space<vmem>>, %arg9: memref<72x144xf32, #tpu.memory_space<vmem>>, %arg10: memref<72x144xf32, #tpu.memory_space<vmem>>, %arg11: memref<72x16xf32, #tpu.memory_space<vmem>>, %arg12: memref<72x16xf32, #tpu.memory_space<vmem>>, %arg13: memref<72x16xf32, #tpu.memory_space<vmem>>, %arg14: memref<!tpu.dma_semaphore, #tpu.memory_space<semaphore_mem>>, %arg15: memref<!tpu.dma_semaphore, #tpu.memory_space<semaphore_mem>>, %arg16: memref<!tpu.dma_semaphore, #tpu.memory_space<semaphore_mem>>, %arg17: memref<!tpu.dma_semaphore, #tpu.memory_space<semaphore_mem>>, %arg18: memref<!tpu.dma_semaphore, #tpu.memory_space<semaphore_mem>>, %arg19: memref<!tpu.dma_semaphore, #tpu.memory_space<semaphore_mem>>, %arg20: memref<!tpu.dma_semaphore, #tpu.memory_space<semaphore_mem>>, %arg21: memref<!tpu.dma_semaphore, #tpu.memory_space<semaphore_mem>>, %arg22: memref<!tpu.dma_semaphore, #tpu.memory_space<semaphore_mem>>) attributes {dimension_semantics = [#tpu.dimension_semantics<core_parallel>, #tpu.dimension_semantics<subcore_parallel>], iteration_bounds = array<i64: 2, 16>, scalar_prefetch = 0 : i64, scratch_operands = 17 : i64, tpu.core_type = #tpu.core_type<sc_vector_subcore>, window_params = [{transform_indices = #map}, {transform_indices = #map1}, {transform_indices = #map1}, {transform_indices = #map1}]} {
    %broadcast_in_dim3A = arith.constant 0.000000e+00 : f32
    %broadcast_in_dim3A_0 = vector.broadcast %broadcast_in_dim3A : f32 to vector<16xf32>
    "tpu.trace_start"() <{level = 10 : i32, message = "zero_acc"}> : () -> ()
    %scan3A = arith.constant 0 : i32
    %scan3A_1 = arith.constant 0 : i32
    %scan3A_2 = arith.constant 64 : i32
    %scan3A_3 = arith.addi %scan3A_1, %scan3A_2 : i32
    %scan3A_4 = arith.constant 1 : i32
    %scan3A_5 = scf.for %scan3A_38 = %scan3A_1 to %scan3A_3 step %scan3A_4 iter_args(%scan3A_39 = %scan3A) -> (i32)  : i32 {
      %swap3A = arith.index_cast %scan3A_38 : i32 to index
      %swap3A_40 = arith.constant 0 : index
      %swap3A_41 = tpu.vector_load %arg8[%swap3A, %swap3A_40] {strides = array<i32>} : memref<72x144xf32, #tpu.memory_space<vmem>>, vector<1x16xf32>,
      %swap3A_42 = vector.shape_cast %swap3A_41 : vector<1x16xf32> to vector<16xf32>
      %swap3A_43 = vector.shape_cast %broadcast_in_dim3A_0 : vector<16xf32> to vector<1x16xf32>
      tpu.vector_store %arg8[%swap3A, %swap3A_40], %swap3A_43 {strides = array<i32>} : memref<72x144xf32, #tpu.memory_space<vmem>>, vector<1x16xf32>,
      %swap3A_44 = arith.index_cast %scan3A_38 : i32 to index
      %swap3A_45 = arith.constant 16 : index
      %swap3A_46 = tpu.vector_load %arg8[%swap3A_44, %swap3A_45] {strides = array<i32>} : memref<72x144xf32, #tpu.memory_space<vmem>>, vector<1x16xf32>,
      %swap3A_47 = vector.shape_cast %swap3A_46 : vector<1x16xf32> to vector<16xf32>
      %swap3A_48 = vector.shape_cast %broadcast_in_dim3A_0 : vector<16xf32> to vector<1x16xf32>
      tpu.vector_store %arg8[%swap3A_44, %swap3A_45], %swap3A_48 {strides = array<i32>} : memref<72x144xf32, #tpu.memory_space<vmem>>, vector<1x16xf32>,
      %swap3A_49 = arith.index_cast %scan3A_38 : i32 to index
      %swap3A_50 = arith.constant 32 : index
      %swap3A_51 = tpu.vector_load %arg8[%swap3A_49, %swap3A_50] {strides = array<i32>} : memref<72x144xf32, #tpu.memory_space<vmem>>, vector<1x16xf32>,
      %swap3A_52 = vector.shape_cast %swap3A_51 : vector<1x16xf32> to vector<16xf32>
      %swap3A_53 = vector.shape_cast %broadcast_in_dim3A_0 : vector<16xf32> to vector<1x16xf32>
      tpu.vector_store %arg8[%swap3A_49, %swap3A_50], %swap3A_53 {strides = array<i32>} : memref<72x144xf32, #tpu.memory_space<vmem>>, vector<1x16xf32>,
      %swap3A_54 = arith.index_cast %scan3A_38 : i32 to index
      %swap3A_55 = arith.constant 48 : index
      %swap3A_56 = tpu.vector_load %arg8[%swap3A_54, %swap3A_55] {strides = array<i32>} : memref<72x144xf32, #tpu.memory_space<vmem>>, vector<1x16xf32>,
      %swap3A_57 = vector.shape_cast %swap3A_56 : vector<1x16xf32> to vector<16xf32>
      %swap3A_58 = vector.shape_cast %broadcast_in_dim3A_0 : vector<16xf32> to vector<1x16xf32>
      tpu.vector_store %arg8[%swap3A_54, %swap3A_55], %swap3A_58 {strides = array<i32>} : memref<72x144xf32, #tpu.memory_space<vmem>>, vector<1x16xf32>,
      %swap3A_59 = arith.index_cast %scan3A_38 : i32 to index
      %swap3A_60 = arith.constant 64 : index
      %swap3A_61 = tpu.vector_load %arg8[%swap3A_59, %swap3A_60] {strides = array<i32>} : memref<72x144xf32, #tpu.memory_space<vmem>>, vector<1x16xf32>,
      %swap3A_62 = vector.shape_cast %swap3A_61 : vector<1x16xf32> to vector<16xf32>
      %swap3A_63 = vector.shape_cast %broadcast_in_dim3A_0 : vector<16xf32> to vector<1x16xf32>
      tpu.vector_store %arg8[%swap3A_59, %swap3A_60], %swap3A_63 {strides = array<i32>} : memref<72x144xf32, #tpu.memory_space<vmem>>, vector<1x16xf32>,
      %swap3A_64 = arith.index_cast %scan3A_38 : i32 to index
      %swap3A_65 = arith.constant 80 : index
      %swap3A_66 = tpu.vector_load %arg8[%swap3A_64, %swap3A_65] {strides = array<i32>} : memref<72x144xf32, #tpu.memory_space<vmem>>, vector<1x16xf32>,
      %swap3A_67 = vector.shape_cast %swap3A_66 : vector<1x16xf32> to vector<16xf32>
      %swap3A_68 = vector.shape_cast %broadcast_in_dim3A_0 : vector<16xf32> to vector<1x16xf32>
      tpu.vector_store %arg8[%swap3A_64, %swap3A_65], %swap3A_68 {strides = array<i32>} : memref<72x144xf32, #tpu.memory_space<vmem>>, vector<1x16xf32>,
      %swap3A_69 = arith.index_cast %scan3A_38 : i32 to index
      %swap3A_70 = arith.constant 96 : index
      %swap3A_71 = tpu.vector_load %arg8[%swap3A_69, %swap3A_70] {strides = array<i32>} : memref<72x144xf32, #tpu.memory_space<vmem>>, vector<1x16xf32>,
      %swap3A_72 = vector.shape_cast %swap3A_71 : vector<1x16xf32> to vector<16xf32>
      %swap3A_73 = vector.shape_cast %broadcast_in_dim3A_0 : vector<16xf32> to vector<1x16xf32>
      tpu.vector_store %arg8[%swap3A_69, %swap3A_70], %swap3A_73 {strides = array<i32>} : memref<72x144xf32, #tpu.memory_space<vmem>>, vector<1x16xf32>,
      %swap3A_74 = arith.index_cast %scan3A_38 : i32 to index
      %swap3A_75 = arith.constant 112 : index
      %swap3A_76 = tpu.vector_load %arg8[%swap3A_74, %swap3A_75] {strides = array<i32>} : memref<72x144xf32, #tpu.memory_space<vmem>>, vector<1x16xf32>,
      %swap3A_77 = vector.shape_cast %swap3A_76 : vector<1x16xf32> to vector<16xf32>
      %swap3A_78 = vector.shape_cast %broadcast_in_dim3A_0 : vector<16xf32> to vector<1x16xf32>
      tpu.vector_store %arg8[%swap3A_74, %swap3A_75], %swap3A_78 {strides = array<i32>} : memref<72x144xf32, #tpu.memory_space<vmem>>, vector<1x16xf32>,
      %swap3A_79 = arith.index_cast %scan3A_38 : i32 to index
      %swap3A_80 = arith.constant 128 : index
      %swap3A_81 = tpu.vector_load %arg8[%swap3A_79, %swap3A_80] {strides = array<i32>} : memref<72x144xf32, #tpu.memory_space<vmem>>, vector<1x16xf32>,
      %swap3A_82 = vector.shape_cast %swap3A_81 : vector<1x16xf32> to vector<16xf32>
      %swap3A_83 = vector.shape_cast %broadcast_in_dim3A_0 : vector<16xf32> to vector<1x16xf32>
      tpu.vector_store %arg8[%swap3A_79, %swap3A_80], %swap3A_83 {strides = array<i32>} : memref<72x144xf32, #tpu.memory_space<vmem>>, vector<1x16xf32>,
      %scan3A_84 = arith.constant 0 : i32
      scf.yield %scan3A_84 : i32
    }
    %scan3A_6 = arith.constant 64 : i32
    %scan3A_7 = arith.constant 0 : i32
    %scan3A_8 = arith.constant 0 : i32
    %scan3A_9 = arith.constant 10 : i32
    %scan3A_10 = arith.addi %scan3A_8, %scan3A_9 : i32
    %scan3A_11 = arith.constant 1 : i32
    %scan3A_12 = scf.for %scan3A_38 = %scan3A_8 to %scan3A_10 step %scan3A_11 iter_args(%scan3A_39 = %scan3A_7) -> (i32)  : i32 {
      %mul3A_40 = arith.constant 640 : i32
      %mul3A_41 = arith.muli %arg1, %mul3A_40 : i32
      %mul3A_42 = arith.constant 64 : i32
      %mul3A_43 = arith.muli %scan3A_38, %mul3A_42 : i32
      %add3A = arith.addi %mul3A_41, %mul3A_43 : i32
      "tpu.region"() ({
        %run_scoped3A = tpu.sem_alloc : memref<!tpu.dma_semaphore, #tpu.memory_space<semaphore_mem>>
        %dma_start3A = arith.constant 0 : i32
        %dma_start3A_45 = arith.constant 0 : i32
        %dma_start3A_46 = tpu.memref_slice %arg8[%dma_start3A, %dma_start3A_45] : memref<72x144xf32, #tpu.memory_space<vmem>> -> memref<64x144xf32, #tpu.memory_space<vmem>>
        %dma_start3A_47 = arith.constant 0 : i32
        %dma_start3A_48 = tpu.memref_slice %arg6[%add3A, %dma_start3A_47] : memref<10240x144xf32, #tpu.memory_space<vmem_shared>> -> memref<64x144xf32, #tpu.memory_space<vmem_shared>>
        %dma_start3A_49 = arith.constant 0 : i32
        %dma_start3A_50 = tpu.memref_slice %arg6[%add3A, %dma_start3A_49] : memref<10240x144xf32, #tpu.memory_space<vmem_shared>> -> memref<64x144xf32, #tpu.memory_space<vmem_shared>>
        %dma_start3A_51 = arith.constant 0 : i32
        %dma_start3A_52 = arith.constant 0 : i32
        %dma_start3A_53 = tpu.memref_slice %arg8[%dma_start3A_51, %dma_start3A_52] : memref<72x144xf32, #tpu.memory_space<vmem>> -> memref<64x144xf32, #tpu.memory_space<vmem>>
        tpu.enqueue_dma source(%dma_start3A_53 : memref<64x144xf32, #tpu.memory_space<vmem>>) target(%dma_start3A_50 : memref<64x144xf32, #tpu.memory_space<vmem_shared>>) target_semaphore(%run_scoped3A : memref<!tpu.dma_semaphore, #tpu.memory_space<semaphore_mem>>)
        %dma_wait3A_54 = arith.constant 0 : i32
        %dma_wait3A_55 = arith.constant 0 : i32
        %dma_wait3A_56 = tpu.memref_slice %arg8[%dma_wait3A_54, %dma_wait3A_55] : memref<72x144xf32, #tpu.memory_space<vmem>> -> memref<64x144xf32, #tpu.memory_space<vmem>>
        %dma_wait3A_57 = arith.constant 0 : i32
        %dma_wait3A_58 = tpu.memref_slice %arg6[%add3A, %dma_wait3A_57] : memref<10240x144xf32, #tpu.memory_space<vmem_shared>> -> memref<64x144xf32, #tpu.memory_space<vmem_shared>>
        %dma_wait3A_59 = arith.constant 0 : i32
        %dma_wait3A_60 = tpu.memref_slice %arg6[%add3A, %dma_wait3A_59] : memref<10240x144xf32, #tpu.memory_space<vmem_shared>> -> memref<64x144xf32, #tpu.memory_space<vmem_shared>>
        %dma_wait3A_61 = arith.constant 0 : i32
        %dma_wait3A_62 = arith.constant 0 : i32
        %dma_wait3A_63 = tpu.memref_slice %arg8[%dma_wait3A_61, %dma_wait3A_62] : memref<72x144xf32, #tpu.memory_space<vmem>> -> memref<64x144xf32, #tpu.memory_space<vmem>>
        tpu.wait_dma2 semaphore(%run_scoped3A : memref<!tpu.dma_semaphore, #tpu.memory_space<semaphore_mem>>) src(%dma_wait3A_63 : memref<64x144xf32, #tpu.memory_space<vmem>>) dst(%dma_wait3A_60 : memref<64x144xf32, #tpu.memory_space<vmem_shared>>)
        tpu.yield
      }) : () -> ()
      %scan3A_44 = arith.constant 0 : i32
      scf.yield %scan3A_44 : i32
    }
    %scan3A_13 = arith.constant 10 : i32
    %barrier3A = arith.constant 0 : index
    tpu.barrier barrier_id(%barrier3A)
    "tpu.trace_stop"() : () -> ()
    "tpu.trace_start"() <{level = 10 : i32, message = "edge_pass"}> : () -> ()
    %scan3A_14 = arith.constant 0 : i32
    %scan3A_15 = arith.constant 0 : i32
    %scan3A_16 = arith.constant 47 : i32
    %scan3A_17 = arith.addi %scan3A_15, %scan3A_16 : i32
    %scan3A_18 = arith.constant 1 : i32
    %scan3A_19 = scf.for %scan3A_38 = %scan3A_15 to %scan3A_17 step %scan3A_18 iter_args(%scan3A_39 = %scan3A_14) -> (i32)  : i32 {
      %mul3A_40 = arith.constant 282 : i32
      %mul3A_41 = arith.muli %arg1, %mul3A_40 : i32
      %mul3A_42 = arith.constant 6 : i32
      %mul3A_43 = arith.muli %scan3A_38, %mul3A_42 : i32
      %add3A = arith.addi %mul3A_41, %mul3A_43 : i32
      "tpu.region"() ({
        %run_scoped3A = tpu.sem_alloc : memref<!tpu.dma_semaphore, #tpu.memory_space<semaphore_mem>>
        %dma_start3A_464 = arith.constant 0 : i32
        %dma_start3A_465 = arith.constant 0 : i32
        %dma_start3A_466 = tpu.memref_slice %arg2[%arg0, %add3A, %dma_start3A_464, %dma_start3A_465] : memref<2x4512x2x72xi32, #tpu.memory_space<hbm>> -> memref<1x6x2x72xi32, #tpu.memory_space<hbm>>
        %dma_start3A_467 = tpu.memref_squeeze %dma_start3A_466 : memref<1x6x2x72xi32, #tpu.memory_space<hbm>> -> memref<6x2x72xi32, #tpu.memory_space<hbm>>
        %dma_start3A_468 = arith.constant 0 : i32
        %dma_start3A_469 = arith.constant 0 : i32
        %dma_start3A_470 = tpu.memref_slice %arg2[%arg0, %add3A, %dma_start3A_468, %dma_start3A_469] : memref<2x4512x2x72xi32, #tpu.memory_space<hbm>> -> memref<1x6x2x72xi32, #tpu.memory_space<hbm>>
        %dma_start3A_471 = tpu.memref_squeeze %dma_start3A_470 : memref<1x6x2x72xi32, #tpu.memory_space<hbm>> -> memref<6x2x72xi32, #tpu.memory_space<hbm>>
        tpu.enqueue_dma source(%dma_start3A_471 : memref<6x2x72xi32, #tpu.memory_space<hbm>>) target(%arg7 : memref<6x2x72xi32, #tpu.memory_space<vmem>>) target_semaphore(%run_scoped3A : memref<!tpu.dma_semaphore, #tpu.memory_space<semaphore_mem>>)
        %dma_wait3A_472 = arith.constant 0 : i32
        %dma_wait3A_473 = arith.constant 0 : i32
        %dma_wait3A_474 = tpu.memref_slice %arg2[%arg0, %add3A, %dma_wait3A_472, %dma_wait3A_473] : memref<2x4512x2x72xi32, #tpu.memory_space<hbm>> -> memref<1x6x2x72xi32, #tpu.memory_space<hbm>>
        %dma_wait3A_475 = tpu.memref_squeeze %dma_wait3A_474 : memref<1x6x2x72xi32, #tpu.memory_space<hbm>> -> memref<6x2x72xi32, #tpu.memory_space<hbm>>
        %dma_wait3A_476 = arith.constant 0 : i32
        %dma_wait3A_477 = arith.constant 0 : i32
        %dma_wait3A_478 = tpu.memref_slice %arg2[%arg0, %add3A, %dma_wait3A_476, %dma_wait3A_477] : memref<2x4512x2x72xi32, #tpu.memory_space<hbm>> -> memref<1x6x2x72xi32, #tpu.memory_space<hbm>>
        %dma_wait3A_479 = tpu.memref_squeeze %dma_wait3A_478 : memref<1x6x2x72xi32, #tpu.memory_space<hbm>> -> memref<6x2x72xi32, #tpu.memory_space<hbm>>
        tpu.wait_dma2 semaphore(%run_scoped3A : memref<!tpu.dma_semaphore, #tpu.memory_space<semaphore_mem>>) src(%dma_wait3A_479 : memref<6x2x72xi32, #tpu.memory_space<hbm>>) dst(%arg7 : memref<6x2x72xi32, #tpu.memory_space<vmem>>)
        tpu.yield
      }) : () -> ()
      %dma_start3A = arith.constant 0 : i32
      %dma_start3A_44 = arith.constant 0 : i32
      %dma_start3A_45 = arith.constant 0 : i32
      %dma_start3A_46 = tpu.memref_slice %arg7[%dma_start3A, %dma_start3A_44, %dma_start3A_45] : memref<6x2x72xi32, #tpu.memory_space<vmem>> -> memref<1x1x72xi32, #tpu.memory_space<vmem>>
      %dma_start3A_47 = tpu.memref_squeeze %dma_start3A_46 : memref<1x1x72xi32, #tpu.memory_space<vmem>> -> memref<72xi32, #tpu.memory_space<vmem>>
      %dma_start3A_48 = arith.constant 0 : i32
      %dma_start3A_49 = arith.constant 0 : i32
      %dma_start3A_50 = tpu.memref_slice %arg3[%arg0, %dma_start3A_48, %dma_start3A_49] : memref<2x10240x144xf32, #tpu.memory_space<hbm>> -> memref<1x10240x144xf32, #tpu.memory_space<hbm>>
      %dma_start3A_51 = tpu.memref_squeeze %dma_start3A_50 : memref<1x10240x144xf32, #tpu.memory_space<hbm>> -> memref<10240x144xf32, #tpu.memory_space<hbm>>
      %dma_start3A_52 = arith.constant 0 : i32
      %dma_start3A_53 = arith.constant 0 : i32
      %dma_start3A_54 = tpu.memref_slice %dma_start3A_51[%dma_start3A_52, %dma_start3A_53] : memref<10240x144xf32, #tpu.memory_space<hbm>> -> memref<10240x144xf32, #tpu.memory_space<hbm>>
      tpu.enqueue_indirect_dma source(%dma_start3A_54 : memref<10240x144xf32, #tpu.memory_space<hbm>>) target(%arg8 : memref<72x144xf32, #tpu.memory_space<vmem>>) offsets(%dma_start3A_47 : memref<72xi32, #tpu.memory_space<vmem>>) semaphore(%arg17 : memref<!tpu.dma_semaphore, #tpu.memory_space<semaphore_mem>>)
      %dma_start3A_55 = arith.constant 0 : i32
      %dma_start3A_56 = arith.constant 1 : i32
      %dma_start3A_57 = arith.constant 0 : i32
      %dma_start3A_58 = tpu.memref_slice %arg7[%dma_start3A_55, %dma_start3A_56, %dma_start3A_57] : memref<6x2x72xi32, #tpu.memory_space<vmem>> -> memref<1x1x72xi32, #tpu.memory_space<vmem>>
      %dma_start3A_59 = tpu.memref_squeeze %dma_start3A_58 : memref<1x1x72xi32, #tpu.memory_space<vmem>> -> memref<72xi32, #tpu.memory_space<vmem>>
      %dma_start3A_60 = arith.constant 0 : i32
      %dma_start3A_61 = arith.constant 0 : i32
      %dma_start3A_62 = tpu.memref_slice %arg4[%arg0, %dma_start3A_60, %dma_start3A_61] : memref<2x10240x16xf32, #tpu.memory_space<hbm>> -> memref<1x10240x16xf32, #tpu.memory_space<hbm>>
      %dma_start3A_63 = tpu.memref_squeeze %dma_start3A_62 : memref<1x10240x16xf32, #tpu.memory_space<hbm>> -> memref<10240x16xf32, #tpu.memory_space<hbm>>
      %dma_start3A_64 = arith.constant 0 : i32
      %dma_start3A_65 = arith.constant 0 : i32
      %dma_start3A_66 = tpu.memref_slice %dma_start3A_63[%dma_start3A_64, %dma_start3A_65] : memref<10240x16xf32, #tpu.memory_space<hbm>> -> memref<10240x16xf32, #tpu.memory_space<hbm>>
      tpu.enqueue_indirect_dma source(%dma_start3A_66 : memref<10240x16xf32, #tpu.memory_space<hbm>>) target(%arg11 : memref<72x16xf32, #tpu.memory_space<vmem>>) offsets(%dma_start3A_59 : memref<72xi32, #tpu.memory_space<vmem>>) semaphore(%arg14 : memref<!tpu.dma_semaphore, #tpu.memory_space<semaphore_mem>>)
      %dma_start3A_67 = arith.constant 1 : i32
      %dma_start3A_68 = arith.constant 0 : i32
      %dma_start3A_69 = arith.constant 0 : i32
      %dma_start3A_70 = tpu.memref_slice %arg7[%dma_start3A_67, %dma_start3A_68, %dma_start3A_69] : memref<6x2x72xi32, #tpu.memory_space<vmem>> -> memref<1x1x72xi32, #tpu.memory_space<vmem>>
      %dma_start3A_71 = tpu.memref_squeeze %dma_start3A_70 : memref<1x1x72xi32, #tpu.memory_space<vmem>> -> memref<72xi32, #tpu.memory_space<vmem>>
      %dma_start3A_72 = arith.constant 0 : i32
      %dma_start3A_73 = arith.constant 0 : i32
      %dma_start3A_74 = tpu.memref_slice %arg3[%arg0, %dma_start3A_72, %dma_start3A_73] : memref<2x10240x144xf32, #tpu.memory_space<hbm>> -> memref<1x10240x144xf32, #tpu.memory_space<hbm>>
      %dma_start3A_75 = tpu.memref_squeeze %dma_start3A_74 : memref<1x10240x144xf32, #tpu.memory_space<hbm>> -> memref<10240x144xf32, #tpu.memory_space<hbm>>
      %dma_start3A_76 = arith.constant 0 : i32
      %dma_start3A_77 = arith.constant 0 : i32
      %dma_start3A_78 = tpu.memref_slice %dma_start3A_75[%dma_start3A_76, %dma_start3A_77] : memref<10240x144xf32, #tpu.memory_space<hbm>> -> memref<10240x144xf32, #tpu.memory_space<hbm>>
      tpu.enqueue_indirect_dma source(%dma_start3A_78 : memref<10240x144xf32, #tpu.memory_space<hbm>>) target(%arg9 : memref<72x144xf32, #tpu.memory_space<vmem>>) offsets(%dma_start3A_71 : memref<72xi32, #tpu.memory_space<vmem>>) semaphore(%arg18 : memref<!tpu.dma_semaphore, #tpu.memory_space<semaphore_mem>>)
      %dma_start3A_79 = arith.constant 1 : i32
      %dma_start3A_80 = arith.constant 1 : i32
      %dma_start3A_81 = arith.constant 0 : i32
      %dma_start3A_82 = tpu.memref_slice %arg7[%dma_start3A_79, %dma_start3A_80, %dma_start3A_81] : memref<6x2x72xi32, #tpu.memory_space<vmem>> -> memref<1x1x72xi32, #tpu.memory_space<vmem>>
      %dma_start3A_83 = tpu.memref_squeeze %dma_start3A_82 : memref<1x1x72xi32, #tpu.memory_space<vmem>> -> memref<72xi32, #tpu.memory_space<vmem>>
      %dma_start3A_84 = arith.constant 0 : i32
      %dma_start3A_85 = arith.constant 0 : i32
      %dma_start3A_86 = tpu.memref_slice %arg4[%arg0, %dma_start3A_84, %dma_start3A_85] : memref<2x10240x16xf32, #tpu.memory_space<hbm>> -> memref<1x10240x16xf32, #tpu.memory_space<hbm>>
      %dma_start3A_87 = tpu.memref_squeeze %dma_start3A_86 : memref<1x10240x16xf32, #tpu.memory_space<hbm>> -> memref<10240x16xf32, #tpu.memory_space<hbm>>
      %dma_start3A_88 = arith.constant 0 : i32
      %dma_start3A_89 = arith.constant 0 : i32
      %dma_start3A_90 = tpu.memref_slice %dma_start3A_87[%dma_start3A_88, %dma_start3A_89] : memref<10240x16xf32, #tpu.memory_space<hbm>> -> memref<10240x16xf32, #tpu.memory_space<hbm>>
      tpu.enqueue_indirect_dma source(%dma_start3A_90 : memref<10240x16xf32, #tpu.memory_space<hbm>>) target(%arg12 : memref<72x16xf32, #tpu.memory_space<vmem>>) offsets(%dma_start3A_83 : memref<72xi32, #tpu.memory_space<vmem>>) semaphore(%arg15 : memref<!tpu.dma_semaphore, #tpu.memory_space<semaphore_mem>>)
      %dma_wait3A_91 = arith.constant 0 : i32
      %dma_wait3A_92 = arith.constant 0 : i32
      %dma_wait3A_93 = arith.constant 0 : i32
      %dma_wait3A_94 = tpu.memref_slice %arg7[%dma_wait3A_91, %dma_wait3A_92, %dma_wait3A_93] : memref<6x2x72xi32, #tpu.memory_space<vmem>> -> memref<1x1x72xi32, #tpu.memory_space<vmem>>
      %dma_wait3A_95 = tpu.memref_squeeze %dma_wait3A_94 : memref<1x1x72xi32, #tpu.memory_space<vmem>> -> memref<72xi32, #tpu.memory_space<vmem>>
      %dma_wait3A_96 = arith.constant 0 : i32
      %dma_wait3A_97 = arith.constant 0 : i32
      %dma_wait3A_98 = tpu.memref_slice %arg3[%arg0, %dma_wait3A_96, %dma_wait3A_97] : memref<2x10240x144xf32, #tpu.memory_space<hbm>> -> memref<1x10240x144xf32, #tpu.memory_space<hbm>>
      %dma_wait3A_99 = tpu.memref_squeeze %dma_wait3A_98 : memref<1x10240x144xf32, #tpu.memory_space<hbm>> -> memref<10240x144xf32, #tpu.memory_space<hbm>>
      %dma_wait3A_100 = arith.constant 0 : i32
      %dma_wait3A_101 = arith.constant 0 : i32
      %dma_wait3A_102 = tpu.memref_slice %dma_wait3A_99[%dma_wait3A_100, %dma_wait3A_101] : memref<10240x144xf32, #tpu.memory_space<hbm>> -> memref<10240x144xf32, #tpu.memory_space<hbm>>
      tpu.wait_indirect_dma semaphore(%arg17 : memref<!tpu.dma_semaphore, #tpu.memory_space<semaphore_mem>>) src(%dma_wait3A_102 : memref<10240x144xf32, #tpu.memory_space<hbm>>) dst(%arg8 : memref<72x144xf32, #tpu.memory_space<vmem>>)
      %dma_wait3A_103 = arith.constant 0 : i32
      %dma_wait3A_104 = arith.constant 1 : i32
      %dma_wait3A_105 = arith.constant 0 : i32
      %dma_wait3A_106 = tpu.memref_slice %arg7[%dma_wait3A_103, %dma_wait3A_104, %dma_wait3A_105] : memref<6x2x72xi32, #tpu.memory_space<vmem>> -> memref<1x1x72xi32, #tpu.memory_space<vmem>>
      %dma_wait3A_107 = tpu.memref_squeeze %dma_wait3A_106 : memref<1x1x72xi32, #tpu.memory_space<vmem>> -> memref<72xi32, #tpu.memory_space<vmem>>
      %dma_wait3A_108 = arith.constant 0 : i32
      %dma_wait3A_109 = arith.constant 0 : i32
      %dma_wait3A_110 = tpu.memref_slice %arg4[%arg0, %dma_wait3A_108, %dma_wait3A_109] : memref<2x10240x16xf32, #tpu.memory_space<hbm>> -> memref<1x10240x16xf32, #tpu.memory_space<hbm>>
      %dma_wait3A_111 = tpu.memref_squeeze %dma_wait3A_110 : memref<1x10240x16xf32, #tpu.memory_space<hbm>> -> memref<10240x16xf32, #tpu.memory_space<hbm>>
      %dma_wait3A_112 = arith.constant 0 : i32
      %dma_wait3A_113 = arith.constant 0 : i32
      %dma_wait3A_114 = tpu.memref_slice %dma_wait3A_111[%dma_wait3A_112, %dma_wait3A_113] : memref<10240x16xf32, #tpu.memory_space<hbm>> -> memref<10240x16xf32, #tpu.memory_space<hbm>>
      tpu.wait_indirect_dma semaphore(%arg14 : memref<!tpu.dma_semaphore, #tpu.memory_space<semaphore_mem>>) src(%dma_wait3A_114 : memref<10240x16xf32, #tpu.memory_space<hbm>>) dst(%arg11 : memref<72x16xf32, #tpu.memory_space<vmem>>)
      %scan3A_115 = arith.constant 0 : i32
      %scan3A_116 = arith.constant 0 : i32
      %scan3A_117 = arith.constant 72 : i32
      %scan3A_118 = arith.addi %scan3A_116, %scan3A_117 : i32
      %scan3A_119 = arith.constant 1 : i32
      %scan3A_120 = scf.for %scan3A_464 = %scan3A_116 to %scan3A_118 step %scan3A_119 iter_args(%scan3A_465 = %scan3A_115) -> (i32)  : i32 {
        %get3A = arith.index_cast %scan3A_464 : i32 to index
        %get3A_466 = arith.constant 128 : index
        %get3A_467 = tpu.vector_load %arg8[%get3A, %get3A_466] {strides = array<i32>} : memref<72x144xf32, #tpu.memory_space<vmem>>, vector<1x16xf32>,
        %get3A_468 = vector.shape_cast %get3A_467 : vector<1x16xf32> to vector<16xf32>
        %get3A_469 = arith.index_cast %scan3A_464 : i32 to index
        %get3A_470 = arith.constant 0 : index
        %get3A_471 = tpu.vector_load %arg11[%get3A_469, %get3A_470] {strides = array<i32>} : memref<72x16xf32, #tpu.memory_space<vmem>>, vector<1x16xf32>,
        %get3A_472 = vector.shape_cast %get3A_471 : vector<1x16xf32> to vector<16xf32>
        %add3A_473 = arith.addf %get3A_468, %get3A_472 : vector<16xf32>
        %ge3A = arith.constant 0.000000e+00 : f32
        %ge3A_474 = vector.broadcast %ge3A : f32 to vector<16xf32>
        %ge3A_475 = arith.cmpf oge, %add3A_473, %ge3A_474 : vector<16xf32>
        %mul3A_476 = arith.constant 2.000000e-01 : f32
        %mul3A_477 = vector.broadcast %mul3A_476 : f32 to vector<16xf32>
        %mul3A_478 = arith.mulf %mul3A_477, %add3A_473 : vector<16xf32>
        %select_n3A = arith.select %ge3A_475, %add3A_473, %mul3A_478 : vector<16xi1>, vector<16xf32>
        %exp3A = math.exp %select_n3A : vector<16xf32>
        %swap3A = arith.index_cast %scan3A_464 : i32 to index
        %swap3A_479 = arith.constant 128 : index
        %swap3A_480 = tpu.vector_load %arg8[%swap3A, %swap3A_479] {strides = array<i32>} : memref<72x144xf32, #tpu.memory_space<vmem>>, vector<1x16xf32>,
        %swap3A_481 = vector.shape_cast %swap3A_480 : vector<1x16xf32> to vector<16xf32>
        %swap3A_482 = vector.shape_cast %exp3A : vector<16xf32> to vector<1x16xf32>
        tpu.vector_store %arg8[%swap3A, %swap3A_479], %swap3A_482 {strides = array<i32>} : memref<72x144xf32, #tpu.memory_space<vmem>>, vector<1x16xf32>,
        %get3A_483 = arith.index_cast %scan3A_464 : i32 to index
        %get3A_484 = arith.constant 0 : index
        %get3A_485 = tpu.vector_load %arg8[%get3A_483, %get3A_484] {strides = array<i32>} : memref<72x144xf32, #tpu.memory_space<vmem>>, vector<1x16xf32>,
        %get3A_486 = vector.shape_cast %get3A_485 : vector<1x16xf32> to vector<16xf32>
        %slice3A = vector.extract_strided_slice %exp3A {offsets = [0], sizes = [1], strides = [1]} : vector<16xf32> to vector<1xf32>
        %squeeze3A = vector.extract %slice3A[0] : f32 from vector<1xf32>
        %mul3A_487 = vector.broadcast %squeeze3A : f32 to vector<16xf32>
        %mul3A_488 = arith.mulf %get3A_486, %mul3A_487 : vector<16xf32>
        %swap3A_489 = arith.index_cast %scan3A_464 : i32 to index
        %swap3A_490 = arith.constant 0 : index
        %swap3A_491 = tpu.vector_load %arg8[%swap3A_489, %swap3A_490] {strides = array<i32>} : memref<72x144xf32, #tpu.memory_space<vmem>>, vector<1x16xf32>,
        %swap3A_492 = vector.shape_cast %swap3A_491 : vector<1x16xf32> to vector<16xf32>
        %swap3A_493 = vector.shape_cast %mul3A_488 : vector<16xf32> to vector<1x16xf32>
        tpu.vector_store %arg8[%swap3A_489, %swap3A_490], %swap3A_493 {strides = array<i32>} : memref<72x144xf32, #tpu.memory_space<vmem>>, vector<1x16xf32>,
        %get3A_494 = arith.index_cast %scan3A_464 : i32 to index
        %get3A_495 = arith.constant 16 : index
        %get3A_496 = tpu.vector_load %arg8[%get3A_494, %get3A_495] {strides = array<i32>} : memref<72x144xf32, #tpu.memory_space<vmem>>, vector<1x16xf32>,
        %get3A_497 = vector.shape_cast %get3A_496 : vector<1x16xf32> to vector<16xf32>
        %slice3A_498 = vector.extract_strided_slice %exp3A {offsets = [1], sizes = [1], strides = [1]} : vector<16xf32> to vector<1xf32>
        %squeeze3A_499 = vector.extract %slice3A_498[0] : f32 from vector<1xf32>
        %mul3A_500 = vector.broadcast %squeeze3A_499 : f32 to vector<16xf32>
        %mul3A_501 = arith.mulf %get3A_497, %mul3A_500 : vector<16xf32>
        %swap3A_502 = arith.index_cast %scan3A_464 : i32 to index
        %swap3A_503 = arith.constant 16 : index
        %swap3A_504 = tpu.vector_load %arg8[%swap3A_502, %swap3A_503] {strides = array<i32>} : memref<72x144xf32, #tpu.memory_space<vmem>>, vector<1x16xf32>,
        %swap3A_505 = vector.shape_cast %swap3A_504 : vector<1x16xf32> to vector<16xf32>
        %swap3A_506 = vector.shape_cast %mul3A_501 : vector<16xf32> to vector<1x16xf32>
        tpu.vector_store %arg8[%swap3A_502, %swap3A_503], %swap3A_506 {strides = array<i32>} : memref<72x144xf32, #tpu.memory_space<vmem>>, vector<1x16xf32>,
        %get3A_507 = arith.index_cast %scan3A_464 : i32 to index
        %get3A_508 = arith.constant 32 : index
        %get3A_509 = tpu.vector_load %arg8[%get3A_507, %get3A_508] {strides = array<i32>} : memref<72x144xf32, #tpu.memory_space<vmem>>, vector<1x16xf32>,
        %get3A_510 = vector.shape_cast %get3A_509 : vector<1x16xf32> to vector<16xf32>
        %slice3A_511 = vector.extract_strided_slice %exp3A {offsets = [2], sizes = [1], strides = [1]} : vector<16xf32> to vector<1xf32>
        %squeeze3A_512 = vector.extract %slice3A_511[0] : f32 from vector<1xf32>
        %mul3A_513 = vector.broadcast %squeeze3A_512 : f32 to vector<16xf32>
        %mul3A_514 = arith.mulf %get3A_510, %mul3A_513 : vector<16xf32>
        %swap3A_515 = arith.index_cast %scan3A_464 : i32 to index
        %swap3A_516 = arith.constant 32 : index
        %swap3A_517 = tpu.vector_load %arg8[%swap3A_515, %swap3A_516] {strides = array<i32>} : memref<72x144xf32, #tpu.memory_space<vmem>>, vector<1x16xf32>,
        %swap3A_518 = vector.shape_cast %swap3A_517 : vector<1x16xf32> to vector<16xf32>
        %swap3A_519 = vector.shape_cast %mul3A_514 : vector<16xf32> to vector<1x16xf32>
        tpu.vector_store %arg8[%swap3A_515, %swap3A_516], %swap3A_519 {strides = array<i32>} : memref<72x144xf32, #tpu.memory_space<vmem>>, vector<1x16xf32>,
        %get3A_520 = arith.index_cast %scan3A_464 : i32 to index
        %get3A_521 = arith.constant 48 : index
        %get3A_522 = tpu.vector_load %arg8[%get3A_520, %get3A_521] {strides = array<i32>} : memref<72x144xf32, #tpu.memory_space<vmem>>, vector<1x16xf32>,
        %get3A_523 = vector.shape_cast %get3A_522 : vector<1x16xf32> to vector<16xf32>
        %slice3A_524 = vector.extract_strided_slice %exp3A {offsets = [3], sizes = [1], strides = [1]} : vector<16xf32> to vector<1xf32>
        %squeeze3A_525 = vector.extract %slice3A_524[0] : f32 from vector<1xf32>
        %mul3A_526 = vector.broadcast %squeeze3A_525 : f32 to vector<16xf32>
        %mul3A_527 = arith.mulf %get3A_523, %mul3A_526 : vector<16xf32>
        %swap3A_528 = arith.index_cast %scan3A_464 : i32 to index
        %swap3A_529 = arith.constant 48 : index
        %swap3A_530 = tpu.vector_load %arg8[%swap3A_528, %swap3A_529] {strides = array<i32>} : memref<72x144xf32, #tpu.memory_space<vmem>>, vector<1x16xf32>,
        %swap3A_531 = vector.shape_cast %swap3A_530 : vector<1x16xf32> to vector<16xf32>
        %swap3A_532 = vector.shape_cast %mul3A_527 : vector<16xf32> to vector<1x16xf32>
        tpu.vector_store %arg8[%swap3A_528, %swap3A_529], %swap3A_532 {strides = array<i32>} : memref<72x144xf32, #tpu.memory_space<vmem>>, vector<1x16xf32>,
        %get3A_533 = arith.index_cast %scan3A_464 : i32 to index
        %get3A_534 = arith.constant 64 : index
        %get3A_535 = tpu.vector_load %arg8[%get3A_533, %get3A_534] {strides = array<i32>} : memref<72x144xf32, #tpu.memory_space<vmem>>, vector<1x16xf32>,
        %get3A_536 = vector.shape_cast %get3A_535 : vector<1x16xf32> to vector<16xf32>
        %slice3A_537 = vector.extract_strided_slice %exp3A {offsets = [4], sizes = [1], strides = [1]} : vector<16xf32> to vector<1xf32>
        %squeeze3A_538 = vector.extract %slice3A_537[0] : f32 from vector<1xf32>
        %mul3A_539 = vector.broadcast %squeeze3A_538 : f32 to vector<16xf32>
        %mul3A_540 = arith.mulf %get3A_536, %mul3A_539 : vector<16xf32>
        %swap3A_541 = arith.index_cast %scan3A_464 : i32 to index
        %swap3A_542 = arith.constant 64 : index
        %swap3A_543 = tpu.vector_load %arg8[%swap3A_541, %swap3A_542] {strides = array<i32>} : memref<72x144xf32, #tpu.memory_space<vmem>>, vector<1x16xf32>,
        %swap3A_544 = vector.shape_cast %swap3A_543 : vector<1x16xf32> to vector<16xf32>
        %swap3A_545 = vector.shape_cast %mul3A_540 : vector<16xf32> to vector<1x16xf32>
        tpu.vector_store %arg8[%swap3A_541, %swap3A_542], %swap3A_545 {strides = array<i32>} : memref<72x144xf32, #tpu.memory_space<vmem>>, vector<1x16xf32>,
        %get3A_546 = arith.index_cast %scan3A_464 : i32 to index
        %get3A_547 = arith.constant 80 : index
        %get3A_548 = tpu.vector_load %arg8[%get3A_546, %get3A_547] {strides = array<i32>} : memref<72x144xf32, #tpu.memory_space<vmem>>, vector<1x16xf32>,
        %get3A_549 = vector.shape_cast %get3A_548 : vector<1x16xf32> to vector<16xf32>
        %slice3A_550 = vector.extract_strided_slice %exp3A {offsets = [5], sizes = [1], strides = [1]} : vector<16xf32> to vector<1xf32>
        %squeeze3A_551 = vector.extract %slice3A_550[0] : f32 from vector<1xf32>
        %mul3A_552 = vector.broadcast %squeeze3A_551 : f32 to vector<16xf32>
        %mul3A_553 = arith.mulf %get3A_549, %mul3A_552 : vector<16xf32>
        %swap3A_554 = arith.index_cast %scan3A_464 : i32 to index
        %swap3A_555 = arith.constant 80 : index
        %swap3A_556 = tpu.vector_load %arg8[%swap3A_554, %swap3A_555] {strides = array<i32>} : memref<72x144xf32, #tpu.memory_space<vmem>>, vector<1x16xf32>,
        %swap3A_557 = vector.shape_cast %swap3A_556 : vector<1x16xf32> to vector<16xf32>
        %swap3A_558 = vector.shape_cast %mul3A_553 : vector<16xf32> to vector<1x16xf32>
        tpu.vector_store %arg8[%swap3A_554, %swap3A_555], %swap3A_558 {strides = array<i32>} : memref<72x144xf32, #tpu.memory_space<vmem>>, vector<1x16xf32>,
        %get3A_559 = arith.index_cast %scan3A_464 : i32 to index
        %get3A_560 = arith.constant 96 : index
        %get3A_561 = tpu.vector_load %arg8[%get3A_559, %get3A_560] {strides = array<i32>} : memref<72x144xf32, #tpu.memory_space<vmem>>, vector<1x16xf32>,
        %get3A_562 = vector.shape_cast %get3A_561 : vector<1x16xf32> to vector<16xf32>
        %slice3A_563 = vector.extract_strided_slice %exp3A {offsets = [6], sizes = [1], strides = [1]} : vector<16xf32> to vector<1xf32>
        %squeeze3A_564 = vector.extract %slice3A_563[0] : f32 from vector<1xf32>
        %mul3A_565 = vector.broadcast %squeeze3A_564 : f32 to vector<16xf32>
        %mul3A_566 = arith.mulf %get3A_562, %mul3A_565 : vector<16xf32>
        %swap3A_567 = arith.index_cast %scan3A_464 : i32 to index
        %swap3A_568 = arith.constant 96 : index
        %swap3A_569 = tpu.vector_load %arg8[%swap3A_567, %swap3A_568] {strides = array<i32>} : memref<72x144xf32, #tpu.memory_space<vmem>>, vector<1x16xf32>,
        %swap3A_570 = vector.shape_cast %swap3A_569 : vector<1x16xf32> to vector<16xf32>
        %swap3A_571 = vector.shape_cast %mul3A_566 : vector<16xf32> to vector<1x16xf32>
        tpu.vector_store %arg8[%swap3A_567, %swap3A_568], %swap3A_571 {strides = array<i32>} : memref<72x144xf32, #tpu.memory_space<vmem>>, vector<1x16xf32>,
        %get3A_572 = arith.index_cast %scan3A_464 : i32 to index
        %get3A_573 = arith.constant 112 : index
        %get3A_574 = tpu.vector_load %arg8[%get3A_572, %get3A_573] {strides = array<i32>} : memref<72x144xf32, #tpu.memory_space<vmem>>, vector<1x16xf32>,
        %get3A_575 = vector.shape_cast %get3A_574 : vector<1x16xf32> to vector<16xf32>
        %slice3A_576 = vector.extract_strided_slice %exp3A {offsets = [7], sizes = [1], strides = [1]} : vector<16xf32> to vector<1xf32>
        %squeeze3A_577 = vector.extract %slice3A_576[0] : f32 from vector<1xf32>
        %mul3A_578 = vector.broadcast %squeeze3A_577 : f32 to vector<16xf32>
        %mul3A_579 = arith.mulf %get3A_575, %mul3A_578 : vector<16xf32>
        %swap3A_580 = arith.index_cast %scan3A_464 : i32 to index
        %swap3A_581 = arith.constant 112 : index
        %swap3A_582 = tpu.vector_load %arg8[%swap3A_580, %swap3A_581] {strides = array<i32>} : memref<72x144xf32, #tpu.memory_space<vmem>>, vector<1x16xf32>,
        %swap3A_583 = vector.shape_cast %swap3A_582 : vector<1x16xf32> to vector<16xf32>
        %swap3A_584 = vector.shape_cast %mul3A_579 : vector<16xf32> to vector<1x16xf32>
        tpu.vector_store %arg8[%swap3A_580, %swap3A_581], %swap3A_584 {strides = array<i32>} : memref<72x144xf32, #tpu.memory_space<vmem>>, vector<1x16xf32>,
        %scan3A_585 = arith.constant 0 : i32
        scf.yield %scan3A_585 : i32
      }
      %scan3A_121 = arith.constant 72 : i32
      %gt3A = arith.constant 0 : i32
      %gt3A_122 = arith.cmpi sgt, %scan3A_38, %gt3A : i32
      %convert_element_type3A = arith.extui %gt3A_122 : i1 to i32
      %cond3A = arith.constant 0 : i32
      %cond3A_123 = arith.cmpi ne, %convert_element_type3A, %cond3A : i32
      scf.if %cond3A_123 {
        %dma_wait3A_464 = arith.constant 0 : i32
        %dma_wait3A_465 = arith.constant 0 : i32
        %dma_wait3A_466 = arith.constant 0 : i32
        %dma_wait3A_467 = tpu.memref_slice %arg3[%dma_wait3A_464, %dma_wait3A_465, %dma_wait3A_466] : memref<2x10240x144xf32, #tpu.memory_space<hbm>> -> memref<1x72x144xf32, #tpu.memory_space<hbm>>
        %dma_wait3A_468 = tpu.memref_squeeze %dma_wait3A_467 : memref<1x72x144xf32, #tpu.memory_space<hbm>> -> memref<72x144xf32, #tpu.memory_space<hbm>>
        %dma_wait3A_469 = arith.constant 0 : i32
        %dma_wait3A_470 = arith.constant 0 : i32
        %dma_wait3A_471 = tpu.memref_slice %arg3[%dma_wait3A_464, %dma_wait3A_469, %dma_wait3A_470] : memref<2x10240x144xf32, #tpu.memory_space<hbm>> -> memref<1x72x144xf32, #tpu.memory_space<hbm>>
        %dma_wait3A_472 = tpu.memref_squeeze %dma_wait3A_471 : memref<1x72x144xf32, #tpu.memory_space<hbm>> -> memref<72x144xf32, #tpu.memory_space<hbm>>
        tpu.wait_dma2 semaphore(%arg22 : memref<!tpu.dma_semaphore, #tpu.memory_space<semaphore_mem>>) src(%dma_wait3A_472 : memref<72x144xf32, #tpu.memory_space<hbm>>) dst(%arg10 : memref<72x144xf32, #tpu.memory_space<vmem>>)
      } else {
      }
      %dma_start3A_124 = arith.constant 2 : i32
      %dma_start3A_125 = arith.constant 0 : i32
      %dma_start3A_126 = arith.constant 0 : i32
      %dma_start3A_127 = tpu.memref_slice %arg7[%dma_start3A_124, %dma_start3A_125, %dma_start3A_126] : memref<6x2x72xi32, #tpu.memory_space<vmem>> -> memref<1x1x72xi32, #tpu.memory_space<vmem>>
      %dma_start3A_128 = tpu.memref_squeeze %dma_start3A_127 : memref<1x1x72xi32, #tpu.memory_space<vmem>> -> memref<72xi32, #tpu.memory_space<vmem>>
      %dma_start3A_129 = arith.constant 0 : i32
      %dma_start3A_130 = arith.constant 0 : i32
      %dma_start3A_131 = tpu.memref_slice %arg3[%arg0, %dma_start3A_129, %dma_start3A_130] : memref<2x10240x144xf32, #tpu.memory_space<hbm>> -> memref<1x10240x144xf32, #tpu.memory_space<hbm>>
      %dma_start3A_132 = tpu.memref_squeeze %dma_start3A_131 : memref<1x10240x144xf32, #tpu.memory_space<hbm>> -> memref<10240x144xf32, #tpu.memory_space<hbm>>
      %dma_start3A_133 = arith.constant 0 : i32
      %dma_start3A_134 = arith.constant 0 : i32
      %dma_start3A_135 = tpu.memref_slice %dma_start3A_132[%dma_start3A_133, %dma_start3A_134] : memref<10240x144xf32, #tpu.memory_space<hbm>> -> memref<10240x144xf32, #tpu.memory_space<hbm>>
      tpu.enqueue_indirect_dma source(%dma_start3A_135 : memref<10240x144xf32, #tpu.memory_space<hbm>>) target(%arg10 : memref<72x144xf32, #tpu.memory_space<vmem>>) offsets(%dma_start3A_128 : memref<72xi32, #tpu.memory_space<vmem>>) semaphore(%arg19 : memref<!tpu.dma_semaphore, #tpu.memory_space<semaphore_mem>>)
      %dma_start3A_136 = arith.constant 2 : i32
      %dma_start3A_137 = arith.constant 1 : i32
      %dma_start3A_138 = arith.constant 0 : i32
      %dma_start3A_139 = tpu.memref_slice %arg7[%dma_start3A_136, %dma_start3A_137, %dma_start3A_138] : memref<6x2x72xi32, #tpu.memory_space<vmem>> -> memref<1x1x72xi32, #tpu.memory_space<vmem>>
      %dma_start3A_140 = tpu.memref_squeeze %dma_start3A_139 : memref<1x1x72xi32, #tpu.memory_space<vmem>> -> memref<72xi32, #tpu.memory_space<vmem>>
      %dma_start3A_141 = arith.constant 0 : i32
      %dma_start3A_142 = arith.constant 0 : i32
      %dma_start3A_143 = tpu.memref_slice %arg4[%arg0, %dma_start3A_141, %dma_start3A_142] : memref<2x10240x16xf32, #tpu.memory_space<hbm>> -> memref<1x10240x16xf32, #tpu.memory_space<hbm>>
      %dma_start3A_144 = tpu.memref_squeeze %dma_start3A_143 : memref<1x10240x16xf32, #tpu.memory_space<hbm>> -> memref<10240x16xf32, #tpu.memory_space<hbm>>
      %dma_start3A_145 = arith.constant 0 : i32
      %dma_start3A_146 = arith.constant 0 : i32
      %dma_start3A_147 = tpu.memref_slice %dma_start3A_144[%dma_start3A_145, %dma_start3A_146] : memref<10240x16xf32, #tpu.memory_space<hbm>> -> memref<10240x16xf32, #tpu.memory_space<hbm>>
      tpu.enqueue_indirect_dma source(%dma_start3A_147 : memref<10240x16xf32, #tpu.memory_space<hbm>>) target(%arg13 : memref<72x16xf32, #tpu.memory_space<vmem>>) offsets(%dma_start3A_140 : memref<72xi32, #tpu.memory_space<vmem>>) semaphore(%arg16 : memref<!tpu.dma_semaphore, #tpu.memory_space<semaphore_mem>>)
      %dma_start3A_148 = arith.constant 0 : i32
      %dma_start3A_149 = arith.constant 1 : i32
      %dma_start3A_150 = arith.constant 0 : i32
      %dma_start3A_151 = tpu.memref_slice %arg7[%dma_start3A_148, %dma_start3A_149, %dma_start3A_150] : memref<6x2x72xi32, #tpu.memory_space<vmem>> -> memref<1x1x72xi32, #tpu.memory_space<vmem>>
      %dma_start3A_152 = tpu.memref_squeeze %dma_start3A_151 : memref<1x1x72xi32, #tpu.memory_space<vmem>> -> memref<72xi32, #tpu.memory_space<vmem>>
      %dma_start3A_153 = arith.constant 0 : i32
      %dma_start3A_154 = arith.constant 0 : i32
      %dma_start3A_155 = tpu.memref_slice %arg6[%dma_start3A_153, %dma_start3A_154] : memref<10240x144xf32, #tpu.memory_space<vmem_shared>> -> memref<10240x144xf32, #tpu.memory_space<vmem_shared>>
      tpu.enqueue_indirect_dma source(%arg8 : memref<72x144xf32, #tpu.memory_space<vmem>>) target(%dma_start3A_155 : memref<10240x144xf32, #tpu.memory_space<vmem_shared>>) offsets(%dma_start3A_152 : memref<72xi32, #tpu.memory_space<vmem>>) semaphore(%arg20 : memref<!tpu.dma_semaphore, #tpu.memory_space<semaphore_mem>>) {add = true}
      %dma_wait3A_156 = arith.constant 1 : i32
      %dma_wait3A_157 = arith.constant 0 : i32
      %dma_wait3A_158 = arith.constant 0 : i32
      %dma_wait3A_159 = tpu.memref_slice %arg7[%dma_wait3A_156, %dma_wait3A_157, %dma_wait3A_158] : memref<6x2x72xi32, #tpu.memory_space<vmem>> -> memref<1x1x72xi32, #tpu.memory_space<vmem>>
      %dma_wait3A_160 = tpu.memref_squeeze %dma_wait3A_159 : memref<1x1x72xi32, #tpu.memory_space<vmem>> -> memref<72xi32, #tpu.memory_space<vmem>>
      %dma_wait3A_161 = arith.constant 0 : i32
      %dma_wait3A_162 = arith.constant 0 : i32
      %dma_wait3A_163 = tpu.memref_slice %arg3[%arg0, %dma_wait3A_161, %dma_wait3A_162] : memref<2x10240x144xf32, #tpu.memory_space<hbm>> -> memref<1x10240x144xf32, #tpu.memory_space<hbm>>
      %dma_wait3A_164 = tpu.memref_squeeze %dma_wait3A_163 : memref<1x10240x144xf32, #tpu.memory_space<hbm>> -> memref<10240x144xf32, #tpu.memory_space<hbm>>
      %dma_wait3A_165 = arith.constant 0 : i32
      %dma_wait3A_166 = arith.constant 0 : i32
      %dma_wait3A_167 = tpu.memref_slice %dma_wait3A_164[%dma_wait3A_165, %dma_wait3A_166] : memref<10240x144xf32, #tpu.memory_space<hbm>> -> memref<10240x144xf32, #tpu.memory_space<hbm>>
      tpu.wait_indirect_dma semaphore(%arg18 : memref<!tpu.dma_semaphore, #tpu.memory_space<semaphore_mem>>) src(%dma_wait3A_167 : memref<10240x144xf32, #tpu.memory_space<hbm>>) dst(%arg9 : memref<72x144xf32, #tpu.memory_space<vmem>>)
      %dma_wait3A_168 = arith.constant 1 : i32
      %dma_wait3A_169 = arith.constant 1 : i32
      %dma_wait3A_170 = arith.constant 0 : i32
      %dma_wait3A_171 = tpu.memref_slice %arg7[%dma_wait3A_168, %dma_wait3A_169, %dma_wait3A_170] : memref<6x2x72xi32, #tpu.memory_space<vmem>> -> memref<1x1x72xi32, #tpu.memory_space<vmem>>
      %dma_wait3A_172 = tpu.memref_squeeze %dma_wait3A_171 : memref<1x1x72xi32, #tpu.memory_space<vmem>> -> memref<72xi32, #tpu.memory_space<vmem>>
      %dma_wait3A_173 = arith.constant 0 : i32
      %dma_wait3A_174 = arith.constant 0 : i32
      %dma_wait3A_175 = tpu.memref_slice %arg4[%arg0, %dma_wait3A_173, %dma_wait3A_174] : memref<2x10240x16xf32, #tpu.memory_space<hbm>> -> memref<1x10240x16xf32, #tpu.memory_space<hbm>>
      %dma_wait3A_176 = tpu.memref_squeeze %dma_wait3A_175 : memref<1x10240x16xf32, #tpu.memory_space<hbm>> -> memref<10240x16xf32, #tpu.memory_space<hbm>>
      %dma_wait3A_177 = arith.constant 0 : i32
      %dma_wait3A_178 = arith.constant 0 : i32
      %dma_wait3A_179 = tpu.memref_slice %dma_wait3A_176[%dma_wait3A_177, %dma_wait3A_178] : memref<10240x16xf32, #tpu.memory_space<hbm>> -> memref<10240x16xf32, #tpu.memory_space<hbm>>
      tpu.wait_indirect_dma semaphore(%arg15 : memref<!tpu.dma_semaphore, #tpu.memory_space<semaphore_mem>>) src(%dma_wait3A_179 : memref<10240x16xf32, #tpu.memory_space<hbm>>) dst(%arg12 : memref<72x16xf32, #tpu.memory_space<vmem>>)
      %scan3A_180 = arith.constant 0 : i32
      %scan3A_181 = arith.constant 0 : i32
      %scan3A_182 = arith.constant 72 : i32
      %scan3A_183 = arith.addi %scan3A_181, %scan3A_182 : i32
      %scan3A_184 = arith.constant 1 : i32
      %scan3A_185 = scf.for %scan3A_464 = %scan3A_181 to %scan3A_183 step %scan3A_184 iter_args(%scan3A_465 = %scan3A_180) -> (i32)  : i32 {
        %get3A = arith.index_cast %scan3A_464 : i32 to index
        %get3A_466 = arith.constant 128 : index
        %get3A_467 = tpu.vector_load %arg9[%get3A, %get3A_466] {strides = array<i32>} : memref<72x144xf32, #tpu.memory_space<vmem>>, vector<1x16xf32>,
        %get3A_468 = vector.shape_cast %get3A_467 : vector<1x16xf32> to vector<16xf32>
        %get3A_469 = arith.index_cast %scan3A_464 : i32 to index
        %get3A_470 = arith.constant 0 : index
        %get3A_471 = tpu.vector_load %arg12[%get3A_469, %get3A_470] {strides = array<i32>} : memref<72x16xf32, #tpu.memory_space<vmem>>, vector<1x16xf32>,
        %get3A_472 = vector.shape_cast %get3A_471 : vector<1x16xf32> to vector<16xf32>
        %add3A_473 = arith.addf %get3A_468, %get3A_472 : vector<16xf32>
        %ge3A = arith.constant 0.000000e+00 : f32
        %ge3A_474 = vector.broadcast %ge3A : f32 to vector<16xf32>
        %ge3A_475 = arith.cmpf oge, %add3A_473, %ge3A_474 : vector<16xf32>
        %mul3A_476 = arith.constant 2.000000e-01 : f32
        %mul3A_477 = vector.broadcast %mul3A_476 : f32 to vector<16xf32>
        %mul3A_478 = arith.mulf %mul3A_477, %add3A_473 : vector<16xf32>
        %select_n3A = arith.select %ge3A_475, %add3A_473, %mul3A_478 : vector<16xi1>, vector<16xf32>
        %exp3A = math.exp %select_n3A : vector<16xf32>
        %swap3A = arith.index_cast %scan3A_464 : i32 to index
        %swap3A_479 = arith.constant 128 : index
        %swap3A_480 = tpu.vector_load %arg9[%swap3A, %swap3A_479] {strides = array<i32>} : memref<72x144xf32, #tpu.memory_space<vmem>>, vector<1x16xf32>,
        %swap3A_481 = vector.shape_cast %swap3A_480 : vector<1x16xf32> to vector<16xf32>
        %swap3A_482 = vector.shape_cast %exp3A : vector<16xf32> to vector<1x16xf32>
        tpu.vector_store %arg9[%swap3A, %swap3A_479], %swap3A_482 {strides = array<i32>} : memref<72x144xf32, #tpu.memory_space<vmem>>, vector<1x16xf32>,
        %get3A_483 = arith.index_cast %scan3A_464 : i32 to index
        %get3A_484 = arith.constant 0 : index
        %get3A_485 = tpu.vector_load %arg9[%get3A_483, %get3A_484] {strides = array<i32>} : memref<72x144xf32, #tpu.memory_space<vmem>>, vector<1x16xf32>,
        %get3A_486 = vector.shape_cast %get3A_485 : vector<1x16xf32> to vector<16xf32>
        %slice3A = vector.extract_strided_slice %exp3A {offsets = [0], sizes = [1], strides = [1]} : vector<16xf32> to vector<1xf32>
        %squeeze3A = vector.extract %slice3A[0] : f32 from vector<1xf32>
        %mul3A_487 = vector.broadcast %squeeze3A : f32 to vector<16xf32>
        %mul3A_488 = arith.mulf %get3A_486, %mul3A_487 : vector<16xf32>
        %swap3A_489 = arith.index_cast %scan3A_464 : i32 to index
        %swap3A_490 = arith.constant 0 : index
        %swap3A_491 = tpu.vector_load %arg9[%swap3A_489, %swap3A_490] {strides = array<i32>} : memref<72x144xf32, #tpu.memory_space<vmem>>, vector<1x16xf32>,
        %swap3A_492 = vector.shape_cast %swap3A_491 : vector<1x16xf32> to vector<16xf32>
        %swap3A_493 = vector.shape_cast %mul3A_488 : vector<16xf32> to vector<1x16xf32>
        tpu.vector_store %arg9[%swap3A_489, %swap3A_490], %swap3A_493 {strides = array<i32>} : memref<72x144xf32, #tpu.memory_space<vmem>>, vector<1x16xf32>,
        %get3A_494 = arith.index_cast %scan3A_464 : i32 to index
        %get3A_495 = arith.constant 16 : index
        %get3A_496 = tpu.vector_load %arg9[%get3A_494, %get3A_495] {strides = array<i32>} : memref<72x144xf32, #tpu.memory_space<vmem>>, vector<1x16xf32>,
        %get3A_497 = vector.shape_cast %get3A_496 : vector<1x16xf32> to vector<16xf32>
        %slice3A_498 = vector.extract_strided_slice %exp3A {offsets = [1], sizes = [1], strides = [1]} : vector<16xf32> to vector<1xf32>
        %squeeze3A_499 = vector.extract %slice3A_498[0] : f32 from vector<1xf32>
        %mul3A_500 = vector.broadcast %squeeze3A_499 : f32 to vector<16xf32>
        %mul3A_501 = arith.mulf %get3A_497, %mul3A_500 : vector<16xf32>
        %swap3A_502 = arith.index_cast %scan3A_464 : i32 to index
        %swap3A_503 = arith.constant 16 : index
        %swap3A_504 = tpu.vector_load %arg9[%swap3A_502, %swap3A_503] {strides = array<i32>} : memref<72x144xf32, #tpu.memory_space<vmem>>, vector<1x16xf32>,
        %swap3A_505 = vector.shape_cast %swap3A_504 : vector<1x16xf32> to vector<16xf32>
        %swap3A_506 = vector.shape_cast %mul3A_501 : vector<16xf32> to vector<1x16xf32>
        tpu.vector_store %arg9[%swap3A_502, %swap3A_503], %swap3A_506 {strides = array<i32>} : memref<72x144xf32, #tpu.memory_space<vmem>>, vector<1x16xf32>,
        %get3A_507 = arith.index_cast %scan3A_464 : i32 to index
        %get3A_508 = arith.constant 32 : index
        %get3A_509 = tpu.vector_load %arg9[%get3A_507, %get3A_508] {strides = array<i32>} : memref<72x144xf32, #tpu.memory_space<vmem>>, vector<1x16xf32>,
        %get3A_510 = vector.shape_cast %get3A_509 : vector<1x16xf32> to vector<16xf32>
        %slice3A_511 = vector.extract_strided_slice %exp3A {offsets = [2], sizes = [1], strides = [1]} : vector<16xf32> to vector<1xf32>
        %squeeze3A_512 = vector.extract %slice3A_511[0] : f32 from vector<1xf32>
        %mul3A_513 = vector.broadcast %squeeze3A_512 : f32 to vector<16xf32>
        %mul3A_514 = arith.mulf %get3A_510, %mul3A_513 : vector<16xf32>
        %swap3A_515 = arith.index_cast %scan3A_464 : i32 to index
        %swap3A_516 = arith.constant 32 : index
        %swap3A_517 = tpu.vector_load %arg9[%swap3A_515, %swap3A_516] {strides = array<i32>} : memref<72x144xf32, #tpu.memory_space<vmem>>, vector<1x16xf32>,
        %swap3A_518 = vector.shape_cast %swap3A_517 : vector<1x16xf32> to vector<16xf32>
        %swap3A_519 = vector.shape_cast %mul3A_514 : vector<16xf32> to vector<1x16xf32>
        tpu.vector_store %arg9[%swap3A_515, %swap3A_516], %swap3A_519 {strides = array<i32>} : memref<72x144xf32, #tpu.memory_space<vmem>>, vector<1x16xf32>,
        %get3A_520 = arith.index_cast %scan3A_464 : i32 to index
        %get3A_521 = arith.constant 48 : index
        %get3A_522 = tpu.vector_load %arg9[%get3A_520, %get3A_521] {strides = array<i32>} : memref<72x144xf32, #tpu.memory_space<vmem>>, vector<1x16xf32>,
        %get3A_523 = vector.shape_cast %get3A_522 : vector<1x16xf32> to vector<16xf32>
        %slice3A_524 = vector.extract_strided_slice %exp3A {offsets = [3], sizes = [1], strides = [1]} : vector<16xf32> to vector<1xf32>
        %squeeze3A_525 = vector.extract %slice3A_524[0] : f32 from vector<1xf32>
        %mul3A_526 = vector.broadcast %squeeze3A_525 : f32 to vector<16xf32>
        %mul3A_527 = arith.mulf %get3A_523, %mul3A_526 : vector<16xf32>
        %swap3A_528 = arith.index_cast %scan3A_464 : i32 to index
        %swap3A_529 = arith.constant 48 : index
        %swap3A_530 = tpu.vector_load %arg9[%swap3A_528, %swap3A_529] {strides = array<i32>} : memref<72x144xf32, #tpu.memory_space<vmem>>, vector<1x16xf32>,
        %swap3A_531 = vector.shape_cast %swap3A_530 : vector<1x16xf32> to vector<16xf32>
        %swap3A_532 = vector.shape_cast %mul3A_527 : vector<16xf32> to vector<1x16xf32>
        tpu.vector_store %arg9[%swap3A_528, %swap3A_529], %swap3A_532 {strides = array<i32>} : memref<72x144xf32, #tpu.memory_space<vmem>>, vector<1x16xf32>,
        %get3A_533 = arith.index_cast %scan3A_464 : i32 to index
        %get3A_534 = arith.constant 64 : index
        %get3A_535 = tpu.vector_load %arg9[%get3A_533, %get3A_534] {strides = array<i32>} : memref<72x144xf32, #tpu.memory_space<vmem>>, vector<1x16xf32>,
        %get3A_536 = vector.shape_cast %get3A_535 : vector<1x16xf32> to vector<16xf32>
        %slice3A_537 = vector.extract_strided_slice %exp3A {offsets = [4], sizes = [1], strides = [1]} : vector<16xf32> to vector<1xf32>
        %squeeze3A_538 = vector.extract %slice3A_537[0] : f32 from vector<1xf32>
        %mul3A_539 = vector.broadcast %squeeze3A_538 : f32 to vector<16xf32>
        %mul3A_540 = arith.mulf %get3A_536, %mul3A_539 : vector<16xf32>
        %swap3A_541 = arith.index_cast %scan3A_464 : i32 to index
        %swap3A_542 = arith.constant 64 : index
        %swap3A_543 = tpu.vector_load %arg9[%swap3A_541, %swap3A_542] {strides = array<i32>} : memref<72x144xf32, #tpu.memory_space<vmem>>, vector<1x16xf32>,
        %swap3A_544 = vector.shape_cast %swap3A_543 : vector<1x16xf32> to vector<16xf32>
        %swap3A_545 = vector.shape_cast %mul3A_540 : vector<16xf32> to vector<1x16xf32>
        tpu.vector_store %arg9[%swap3A_541, %swap3A_542], %swap3A_545 {strides = array<i32>} : memref<72x144xf32, #tpu.memory_space<vmem>>, vector<1x16xf32>,
        %get3A_546 = arith.index_cast %scan3A_464 : i32 to index
        %get3A_547 = arith.constant 80 : index
        %get3A_548 = tpu.vector_load %arg9[%get3A_546, %get3A_547] {strides = array<i32>} : memref<72x144xf32, #tpu.memory_space<vmem>>, vector<1x16xf32>,
        %get3A_549 = vector.shape_cast %get3A_548 : vector<1x16xf32> to vector<16xf32>
        %slice3A_550 = vector.extract_strided_slice %exp3A {offsets = [5], sizes = [1], strides = [1]} : vector<16xf32> to vector<1xf32>
        %squeeze3A_551 = vector.extract %slice3A_550[0] : f32 from vector<1xf32>
        %mul3A_552 = vector.broadcast %squeeze3A_551 : f32 to vector<16xf32>
        %mul3A_553 = arith.mulf %get3A_549, %mul3A_552 : vector<16xf32>
        %swap3A_554 = arith.index_cast %scan3A_464 : i32 to index
        %swap3A_555 = arith.constant 80 : index
        %swap3A_556 = tpu.vector_load %arg9[%swap3A_554, %swap3A_555] {strides = array<i32>} : memref<72x144xf32, #tpu.memory_space<vmem>>, vector<1x16xf32>,
        %swap3A_557 = vector.shape_cast %swap3A_556 : vector<1x16xf32> to vector<16xf32>
        %swap3A_558 = vector.shape_cast %mul3A_553 : vector<16xf32> to vector<1x16xf32>
        tpu.vector_store %arg9[%swap3A_554, %swap3A_555], %swap3A_558 {strides = array<i32>} : memref<72x144xf32, #tpu.memory_space<vmem>>, vector<1x16xf32>,
        %get3A_559 = arith.index_cast %scan3A_464 : i32 to index
        %get3A_560 = arith.constant 96 : index
        %get3A_561 = tpu.vector_load %arg9[%get3A_559, %get3A_560] {strides = array<i32>} : memref<72x144xf32, #tpu.memory_space<vmem>>, vector<1x16xf32>,
        %get3A_562 = vector.shape_cast %get3A_561 : vector<1x16xf32> to vector<16xf32>
        %slice3A_563 = vector.extract_strided_slice %exp3A {offsets = [6], sizes = [1], strides = [1]} : vector<16xf32> to vector<1xf32>
        %squeeze3A_564 = vector.extract %slice3A_563[0] : f32 from vector<1xf32>
        %mul3A_565 = vector.broadcast %squeeze3A_564 : f32 to vector<16xf32>
        %mul3A_566 = arith.mulf %get3A_562, %mul3A_565 : vector<16xf32>
        %swap3A_567 = arith.index_cast %scan3A_464 : i32 to index
        %swap3A_568 = arith.constant 96 : index
        %swap3A_569 = tpu.vector_load %arg9[%swap3A_567, %swap3A_568] {strides = array<i32>} : memref<72x144xf32, #tpu.memory_space<vmem>>, vector<1x16xf32>,
        %swap3A_570 = vector.shape_cast %swap3A_569 : vector<1x16xf32> to vector<16xf32>
        %swap3A_571 = vector.shape_cast %mul3A_566 : vector<16xf32> to vector<1x16xf32>
        tpu.vector_store %arg9[%swap3A_567, %swap3A_568], %swap3A_571 {strides = array<i32>} : memref<72x144xf32, #tpu.memory_space<vmem>>, vector<1x16xf32>,
        %get3A_572 = arith.index_cast %scan3A_464 : i32 to index
        %get3A_573 = arith.constant 112 : index
        %get3A_574 = tpu.vector_load %arg9[%get3A_572, %get3A_573] {strides = array<i32>} : memref<72x144xf32, #tpu.memory_space<vmem>>, vector<1x16xf32>,
        %get3A_575 = vector.shape_cast %get3A_574 : vector<1x16xf32> to vector<16xf32>
        %slice3A_576 = vector.extract_strided_slice %exp3A {offsets = [7], sizes = [1], strides = [1]} : vector<16xf32> to vector<1xf32>
        %squeeze3A_577 = vector.extract %slice3A_576[0] : f32 from vector<1xf32>
        %mul3A_578 = vector.broadcast %squeeze3A_577 : f32 to vector<16xf32>
        %mul3A_579 = arith.mulf %get3A_575, %mul3A_578 : vector<16xf32>
        %swap3A_580 = arith.index_cast %scan3A_464 : i32 to index
        %swap3A_581 = arith.constant 112 : index
        %swap3A_582 = tpu.vector_load %arg9[%swap3A_580, %swap3A_581] {strides = array<i32>} : memref<72x144xf32, #tpu.memory_space<vmem>>, vector<1x16xf32>,
        %swap3A_583 = vector.shape_cast %swap3A_582 : vector<1x16xf32> to vector<16xf32>
        %swap3A_584 = vector.shape_cast %mul3A_579 : vector<16xf32> to vector<1x16xf32>
        tpu.vector_store %arg9[%swap3A_580, %swap3A_581], %swap3A_584 {strides = array<i32>} : memref<72x144xf32, #tpu.memory_space<vmem>>, vector<1x16xf32>,
        %scan3A_585 = arith.constant 0 : i32
        scf.yield %scan3A_585 : i32
      }
      %scan3A_186 = arith.constant 72 : i32
      %dma_wait3A_187 = arith.constant 0 : i32
      %dma_wait3A_188 = arith.constant 1 : i32
      %dma_wait3A_189 = arith.constant 0 : i32
      %dma_wait3A_190 = tpu.memref_slice %arg7[%dma_wait3A_187, %dma_wait3A_188, %dma_wait3A_189] : memref<6x2x72xi32, #tpu.memory_space<vmem>> -> memref<1x1x72xi32, #tpu.memory_space<vmem>>
      %dma_wait3A_191 = tpu.memref_squeeze %dma_wait3A_190 : memref<1x1x72xi32, #tpu.memory_space<vmem>> -> memref<72xi32, #tpu.memory_space<vmem>>
      %dma_wait3A_192 = arith.constant 0 : i32
      %dma_wait3A_193 = arith.constant 0 : i32
      %dma_wait3A_194 = tpu.memref_slice %arg6[%dma_wait3A_192, %dma_wait3A_193] : memref<10240x144xf32, #tpu.memory_space<vmem_shared>> -> memref<10240x144xf32, #tpu.memory_space<vmem_shared>>
      tpu.wait_indirect_dma semaphore(%arg20 : memref<!tpu.dma_semaphore, #tpu.memory_space<semaphore_mem>>) src(%arg8 : memref<72x144xf32, #tpu.memory_space<vmem>>) dst(%dma_wait3A_194 : memref<10240x144xf32, #tpu.memory_space<vmem_shared>>)
      %dma_start3A_195 = arith.constant 3 : i32
      %dma_start3A_196 = arith.constant 0 : i32
      %dma_start3A_197 = arith.constant 0 : i32
      %dma_start3A_198 = tpu.memref_slice %arg7[%dma_start3A_195, %dma_start3A_196, %dma_start3A_197] : memref<6x2x72xi32, #tpu.memory_space<vmem>> -> memref<1x1x72xi32, #tpu.memory_space<vmem>>
      %dma_start3A_199 = tpu.memref_squeeze %dma_start3A_198 : memref<1x1x72xi32, #tpu.memory_space<vmem>> -> memref<72xi32, #tpu.memory_space<vmem>>
      %dma_start3A_200 = arith.constant 0 : i32
      %dma_start3A_201 = arith.constant 0 : i32
      %dma_start3A_202 = tpu.memref_slice %arg3[%arg0, %dma_start3A_200, %dma_start3A_201] : memref<2x10240x144xf32, #tpu.memory_space<hbm>> -> memref<1x10240x144xf32, #tpu.memory_space<hbm>>
      %dma_start3A_203 = tpu.memref_squeeze %dma_start3A_202 : memref<1x10240x144xf32, #tpu.memory_space<hbm>> -> memref<10240x144xf32, #tpu.memory_space<hbm>>
      %dma_start3A_204 = arith.constant 0 : i32
      %dma_start3A_205 = arith.constant 0 : i32
      %dma_start3A_206 = tpu.memref_slice %dma_start3A_203[%dma_start3A_204, %dma_start3A_205] : memref<10240x144xf32, #tpu.memory_space<hbm>> -> memref<10240x144xf32, #tpu.memory_space<hbm>>
      tpu.enqueue_indirect_dma source(%dma_start3A_206 : memref<10240x144xf32, #tpu.memory_space<hbm>>) target(%arg8 : memref<72x144xf32, #tpu.memory_space<vmem>>) offsets(%dma_start3A_199 : memref<72xi32, #tpu.memory_space<vmem>>) semaphore(%arg17 : memref<!tpu.dma_semaphore, #tpu.memory_space<semaphore_mem>>)
      %dma_start3A_207 = arith.constant 3 : i32
      %dma_start3A_208 = arith.constant 1 : i32
      %dma_start3A_209 = arith.constant 0 : i32
      %dma_start3A_210 = tpu.memref_slice %arg7[%dma_start3A_207, %dma_start3A_208, %dma_start3A_209] : memref<6x2x72xi32, #tpu.memory_space<vmem>> -> memref<1x1x72xi32, #tpu.memory_space<vmem>>
      %dma_start3A_211 = tpu.memref_squeeze %dma_start3A_210 : memref<1x1x72xi32, #tpu.memory_space<vmem>> -> memref<72xi32, #tpu.memory_space<vmem>>
      %dma_start3A_212 = arith.constant 0 : i32
      %dma_start3A_213 = arith.constant 0 : i32
      %dma_start3A_214 = tpu.memref_slice %arg4[%arg0, %dma_start3A_212, %dma_start3A_213] : memref<2x10240x16xf32, #tpu.memory_space<hbm>> -> memref<1x10240x16xf32, #tpu.memory_space<hbm>>
      %dma_start3A_215 = tpu.memref_squeeze %dma_start3A_214 : memref<1x10240x16xf32, #tpu.memory_space<hbm>> -> memref<10240x16xf32, #tpu.memory_space<hbm>>
      %dma_start3A_216 = arith.constant 0 : i32
      %dma_start3A_217 = arith.constant 0 : i32
      %dma_start3A_218 = tpu.memref_slice %dma_start3A_215[%dma_start3A_216, %dma_start3A_217] : memref<10240x16xf32, #tpu.memory_space<hbm>> -> memref<10240x16xf32, #tpu.memory_space<hbm>>
      tpu.enqueue_indirect_dma source(%dma_start3A_218 : memref<10240x16xf32, #tpu.memory_space<hbm>>) target(%arg11 : memref<72x16xf32, #tpu.memory_space<vmem>>) offsets(%dma_start3A_211 : memref<72xi32, #tpu.memory_space<vmem>>) semaphore(%arg14 : memref<!tpu.dma_semaphore, #tpu.memory_space<semaphore_mem>>)
      %dma_start3A_219 = arith.constant 1 : i32
      %dma_start3A_220 = arith.constant 1 : i32
      %dma_start3A_221 = arith.constant 0 : i32
      %dma_start3A_222 = tpu.memref_slice %arg7[%dma_start3A_219, %dma_start3A_220, %dma_start3A_221] : memref<6x2x72xi32, #tpu.memory_space<vmem>> -> memref<1x1x72xi32, #tpu.memory_space<vmem>>
      %dma_start3A_223 = tpu.memref_squeeze %dma_start3A_222 : memref<1x1x72xi32, #tpu.memory_space<vmem>> -> memref<72xi32, #tpu.memory_space<vmem>>
      %dma_start3A_224 = arith.constant 0 : i32
      %dma_start3A_225 = arith.constant 0 : i32
      %dma_start3A_226 = tpu.memref_slice %arg6[%dma_start3A_224, %dma_start3A_225] : memref<10240x144xf32, #tpu.memory_space<vmem_shared>> -> memref<10240x144xf32, #tpu.memory_space<vmem_shared>>
      tpu.enqueue_indirect_dma source(%arg9 : memref<72x144xf32, #tpu.memory_space<vmem>>) target(%dma_start3A_226 : memref<10240x144xf32, #tpu.memory_space<vmem_shared>>) offsets(%dma_start3A_223 : memref<72xi32, #tpu.memory_space<vmem>>) semaphore(%arg21 : memref<!tpu.dma_semaphore, #tpu.memory_space<semaphore_mem>>) {add = true}
      %dma_wait3A_227 = arith.constant 2 : i32
      %dma_wait3A_228 = arith.constant 0 : i32
      %dma_wait3A_229 = arith.constant 0 : i32
      %dma_wait3A_230 = tpu.memref_slice %arg7[%dma_wait3A_227, %dma_wait3A_228, %dma_wait3A_229] : memref<6x2x72xi32, #tpu.memory_space<vmem>> -> memref<1x1x72xi32, #tpu.memory_space<vmem>>
      %dma_wait3A_231 = tpu.memref_squeeze %dma_wait3A_230 : memref<1x1x72xi32, #tpu.memory_space<vmem>> -> memref<72xi32, #tpu.memory_space<vmem>>
      %dma_wait3A_232 = arith.constant 0 : i32
      %dma_wait3A_233 = arith.constant 0 : i32
      %dma_wait3A_234 = tpu.memref_slice %arg3[%arg0, %dma_wait3A_232, %dma_wait3A_233] : memref<2x10240x144xf32, #tpu.memory_space<hbm>> -> memref<1x10240x144xf32, #tpu.memory_space<hbm>>
      %dma_wait3A_235 = tpu.memref_squeeze %dma_wait3A_234 : memref<1x10240x144xf32, #tpu.memory_space<hbm>> -> memref<10240x144xf32, #tpu.memory_space<hbm>>
      %dma_wait3A_236 = arith.constant 0 : i32
      %dma_wait3A_237 = arith.constant 0 : i32
      %dma_wait3A_238 = tpu.memref_slice %dma_wait3A_235[%dma_wait3A_236, %dma_wait3A_237] : memref<10240x144xf32, #tpu.memory_space<hbm>> -> memref<10240x144xf32, #tpu.memory_space<hbm>>
      tpu.wait_indirect_dma semaphore(%arg19 : memref<!tpu.dma_semaphore, #tpu.memory_space<semaphore_mem>>) src(%dma_wait3A_238 : memref<10240x144xf32, #tpu.memory_space<hbm>>) dst(%arg10 : memref<72x144xf32, #tpu.memory_space<vmem>>)
      %dma_wait3A_239 = arith.constant 2 : i32
      %dma_wait3A_240 = arith.constant 1 : i32
      %dma_wait3A_241 = arith.constant 0 : i32
      %dma_wait3A_242 = tpu.memref_slice %arg7[%dma_wait3A_239, %dma_wait3A_240, %dma_wait3A_241] : memref<6x2x72xi32, #tpu.memory_space<vmem>> -> memref<1x1x72xi32, #tpu.memory_space<vmem>>
      %dma_wait3A_243 = tpu.memref_squeeze %dma_wait3A_242 : memref<1x1x72xi32, #tpu.memory_space<vmem>> -> memref<72xi32, #tpu.memory_space<vmem>>
      %dma_wait3A_244 = arith.constant 0 : i32
      %dma_wait3A_245 = arith.constant 0 : i32
      %dma_wait3A_246 = tpu.memref_slice %arg4[%arg0, %dma_wait3A_244, %dma_wait3A_245] : memref<2x10240x16xf32, #tpu.memory_space<hbm>> -> memref<1x10240x16xf32, #tpu.memory_space<hbm>>
      %dma_wait3A_247 = tpu.memref_squeeze %dma_wait3A_246 : memref<1x10240x16xf32, #tpu.memory_space<hbm>> -> memref<10240x16xf32, #tpu.memory_space<hbm>>
      %dma_wait3A_248 = arith.constant 0 : i32
      %dma_wait3A_249 = arith.constant 0 : i32
      %dma_wait3A_250 = tpu.memref_slice %dma_wait3A_247[%dma_wait3A_248, %dma_wait3A_249] : memref<10240x16xf32, #tpu.memory_space<hbm>> -> memref<10240x16xf32, #tpu.memory_space<hbm>>
      tpu.wait_indirect_dma semaphore(%arg16 : memref<!tpu.dma_semaphore, #tpu.memory_space<semaphore_mem>>) src(%dma_wait3A_250 : memref<10240x16xf32, #tpu.memory_space<hbm>>) dst(%arg13 : memref<72x16xf32, #tpu.memory_space<vmem>>)
      %scan3A_251 = arith.constant 0 : i32
      %scan3A_252 = arith.constant 0 : i32
      %scan3A_253 = arith.constant 72 : i32
      %scan3A_254 = arith.addi %scan3A_252, %scan3A_253 : i32
      %scan3A_255 = arith.constant 1 : i32
      %scan3A_256 = scf.for %scan3A_464 = %scan3A_252 to %scan3A_254 step %scan3A_255 iter_args(%scan3A_465 = %scan3A_251) -> (i32)  : i32 {
        %get3A = arith.index_cast %scan3A_464 : i32 to index
        %get3A_466 = arith.constant 128 : index
        %get3A_467 = tpu.vector_load %arg10[%get3A, %get3A_466] {strides = array<i32>} : memref<72x144xf32, #tpu.memory_space<vmem>>, vector<1x16xf32>,
        %get3A_468 = vector.shape_cast %get3A_467 : vector<1x16xf32> to vector<16xf32>
        %get3A_469 = arith.index_cast %scan3A_464 : i32 to index
        %get3A_470 = arith.constant 0 : index
        %get3A_471 = tpu.vector_load %arg13[%get3A_469, %get3A_470] {strides = array<i32>} : memref<72x16xf32, #tpu.memory_space<vmem>>, vector<1x16xf32>,
        %get3A_472 = vector.shape_cast %get3A_471 : vector<1x16xf32> to vector<16xf32>
        %add3A_473 = arith.addf %get3A_468, %get3A_472 : vector<16xf32>
        %ge3A = arith.constant 0.000000e+00 : f32
        %ge3A_474 = vector.broadcast %ge3A : f32 to vector<16xf32>
        %ge3A_475 = arith.cmpf oge, %add3A_473, %ge3A_474 : vector<16xf32>
        %mul3A_476 = arith.constant 2.000000e-01 : f32
        %mul3A_477 = vector.broadcast %mul3A_476 : f32 to vector<16xf32>
        %mul3A_478 = arith.mulf %mul3A_477, %add3A_473 : vector<16xf32>
        %select_n3A = arith.select %ge3A_475, %add3A_473, %mul3A_478 : vector<16xi1>, vector<16xf32>
        %exp3A = math.exp %select_n3A : vector<16xf32>
        %swap3A = arith.index_cast %scan3A_464 : i32 to index
        %swap3A_479 = arith.constant 128 : index
        %swap3A_480 = tpu.vector_load %arg10[%swap3A, %swap3A_479] {strides = array<i32>} : memref<72x144xf32, #tpu.memory_space<vmem>>, vector<1x16xf32>,
        %swap3A_481 = vector.shape_cast %swap3A_480 : vector<1x16xf32> to vector<16xf32>
        %swap3A_482 = vector.shape_cast %exp3A : vector<16xf32> to vector<1x16xf32>
        tpu.vector_store %arg10[%swap3A, %swap3A_479], %swap3A_482 {strides = array<i32>} : memref<72x144xf32, #tpu.memory_space<vmem>>, vector<1x16xf32>,
        %get3A_483 = arith.index_cast %scan3A_464 : i32 to index
        %get3A_484 = arith.constant 0 : index
        %get3A_485 = tpu.vector_load %arg10[%get3A_483, %get3A_484] {strides = array<i32>} : memref<72x144xf32, #tpu.memory_space<vmem>>, vector<1x16xf32>,
        %get3A_486 = vector.shape_cast %get3A_485 : vector<1x16xf32> to vector<16xf32>
        %slice3A = vector.extract_strided_slice %exp3A {offsets = [0], sizes = [1], strides = [1]} : vector<16xf32> to vector<1xf32>
        %squeeze3A = vector.extract %slice3A[0] : f32 from vector<1xf32>
        %mul3A_487 = vector.broadcast %squeeze3A : f32 to vector<16xf32>
        %mul3A_488 = arith.mulf %get3A_486, %mul3A_487 : vector<16xf32>
        %swap3A_489 = arith.index_cast %scan3A_464 : i32 to index
        %swap3A_490 = arith.constant 0 : index
        %swap3A_491 = tpu.vector_load %arg10[%swap3A_489, %swap3A_490] {strides = array<i32>} : memref<72x144xf32, #tpu.memory_space<vmem>>, vector<1x16xf32>,
        %swap3A_492 = vector.shape_cast %swap3A_491 : vector<1x16xf32> to vector<16xf32>
        %swap3A_493 = vector.shape_cast %mul3A_488 : vector<16xf32> to vector<1x16xf32>
        tpu.vector_store %arg10[%swap3A_489, %swap3A_490], %swap3A_493 {strides = array<i32>} : memref<72x144xf32, #tpu.memory_space<vmem>>, vector<1x16xf32>,
        %get3A_494 = arith.index_cast %scan3A_464 : i32 to index
        %get3A_495 = arith.constant 16 : index
        %get3A_496 = tpu.vector_load %arg10[%get3A_494, %get3A_495] {strides = array<i32>} : memref<72x144xf32, #tpu.memory_space<vmem>>, vector<1x16xf32>,
        %get3A_497 = vector.shape_cast %get3A_496 : vector<1x16xf32> to vector<16xf32>
        %slice3A_498 = vector.extract_strided_slice %exp3A {offsets = [1], sizes = [1], strides = [1]} : vector<16xf32> to vector<1xf32>
        %squeeze3A_499 = vector.extract %slice3A_498[0] : f32 from vector<1xf32>
        %mul3A_500 = vector.broadcast %squeeze3A_499 : f32 to vector<16xf32>
        %mul3A_501 = arith.mulf %get3A_497, %mul3A_500 : vector<16xf32>
        %swap3A_502 = arith.index_cast %scan3A_464 : i32 to index
        %swap3A_503 = arith.constant 16 : index
        %swap3A_504 = tpu.vector_load %arg10[%swap3A_502, %swap3A_503] {strides = array<i32>} : memref<72x144xf32, #tpu.memory_space<vmem>>, vector<1x16xf32>,
        %swap3A_505 = vector.shape_cast %swap3A_504 : vector<1x16xf32> to vector<16xf32>
        %swap3A_506 = vector.shape_cast %mul3A_501 : vector<16xf32> to vector<1x16xf32>
        tpu.vector_store %arg10[%swap3A_502, %swap3A_503], %swap3A_506 {strides = array<i32>} : memref<72x144xf32, #tpu.memory_space<vmem>>, vector<1x16xf32>,
        %get3A_507 = arith.index_cast %scan3A_464 : i32 to index
        %get3A_508 = arith.constant 32 : index
        %get3A_509 = tpu.vector_load %arg10[%get3A_507, %get3A_508] {strides = array<i32>} : memref<72x144xf32, #tpu.memory_space<vmem>>, vector<1x16xf32>,
        %get3A_510 = vector.shape_cast %get3A_509 : vector<1x16xf32> to vector<16xf32>
        %slice3A_511 = vector.extract_strided_slice %exp3A {offsets = [2], sizes = [1], strides = [1]} : vector<16xf32> to vector<1xf32>
        %squeeze3A_512 = vector.extract %slice3A_511[0] : f32 from vector<1xf32>
        %mul3A_513 = vector.broadcast %squeeze3A_512 : f32 to vector<16xf32>
        %mul3A_514 = arith.mulf %get3A_510, %mul3A_513 : vector<16xf32>
        %swap3A_515 = arith.index_cast %scan3A_464 : i32 to index
        %swap3A_516 = arith.constant 32 : index
        %swap3A_517 = tpu.vector_load %arg10[%swap3A_515, %swap3A_516] {strides = array<i32>} : memref<72x144xf32, #tpu.memory_space<vmem>>, vector<1x16xf32>,
        %swap3A_518 = vector.shape_cast %swap3A_517 : vector<1x16xf32> to vector<16xf32>
        %swap3A_519 = vector.shape_cast %mul3A_514 : vector<16xf32> to vector<1x16xf32>
        tpu.vector_store %arg10[%swap3A_515, %swap3A_516], %swap3A_519 {strides = array<i32>} : memref<72x144xf32, #tpu.memory_space<vmem>>, vector<1x16xf32>,
        %get3A_520 = arith.index_cast %scan3A_464 : i32 to index
        %get3A_521 = arith.constant 48 : index
        %get3A_522 = tpu.vector_load %arg10[%get3A_520, %get3A_521] {strides = array<i32>} : memref<72x144xf32, #tpu.memory_space<vmem>>, vector<1x16xf32>,
        %get3A_523 = vector.shape_cast %get3A_522 : vector<1x16xf32> to vector<16xf32>
        %slice3A_524 = vector.extract_strided_slice %exp3A {offsets = [3], sizes = [1], strides = [1]} : vector<16xf32> to vector<1xf32>
        %squeeze3A_525 = vector.extract %slice3A_524[0] : f32 from vector<1xf32>
        %mul3A_526 = vector.broadcast %squeeze3A_525 : f32 to vector<16xf32>
        %mul3A_527 = arith.mulf %get3A_523, %mul3A_526 : vector<16xf32>
        %swap3A_528 = arith.index_cast %scan3A_464 : i32 to index
        %swap3A_529 = arith.constant 48 : index
        %swap3A_530 = tpu.vector_load %arg10[%swap3A_528, %swap3A_529] {strides = array<i32>} : memref<72x144xf32, #tpu.memory_space<vmem>>, vector<1x16xf32>,
        %swap3A_531 = vector.shape_cast %swap3A_530 : vector<1x16xf32> to vector<16xf32>
        %swap3A_532 = vector.shape_cast %mul3A_527 : vector<16xf32> to vector<1x16xf32>
        tpu.vector_store %arg10[%swap3A_528, %swap3A_529], %swap3A_532 {strides = array<i32>} : memref<72x144xf32, #tpu.memory_space<vmem>>, vector<1x16xf32>,
        %get3A_533 = arith.index_cast %scan3A_464 : i32 to index
        %get3A_534 = arith.constant 64 : index
        %get3A_535 = tpu.vector_load %arg10[%get3A_533, %get3A_534] {strides = array<i32>} : memref<72x144xf32, #tpu.memory_space<vmem>>, vector<1x16xf32>,
        %get3A_536 = vector.shape_cast %get3A_535 : vector<1x16xf32> to vector<16xf32>
        %slice3A_537 = vector.extract_strided_slice %exp3A {offsets = [4], sizes = [1], strides = [1]} : vector<16xf32> to vector<1xf32>
        %squeeze3A_538 = vector.extract %slice3A_537[0] : f32 from vector<1xf32>
        %mul3A_539 = vector.broadcast %squeeze3A_538 : f32 to vector<16xf32>
        %mul3A_540 = arith.mulf %get3A_536, %mul3A_539 : vector<16xf32>
        %swap3A_541 = arith.index_cast %scan3A_464 : i32 to index
        %swap3A_542 = arith.constant 64 : index
        %swap3A_543 = tpu.vector_load %arg10[%swap3A_541, %swap3A_542] {strides = array<i32>} : memref<72x144xf32, #tpu.memory_space<vmem>>, vector<1x16xf32>,
        %swap3A_544 = vector.shape_cast %swap3A_543 : vector<1x16xf32> to vector<16xf32>
        %swap3A_545 = vector.shape_cast %mul3A_540 : vector<16xf32> to vector<1x16xf32>
        tpu.vector_store %arg10[%swap3A_541, %swap3A_542], %swap3A_545 {strides = array<i32>} : memref<72x144xf32, #tpu.memory_space<vmem>>, vector<1x16xf32>,
        %get3A_546 = arith.index_cast %scan3A_464 : i32 to index
        %get3A_547 = arith.constant 80 : index
        %get3A_548 = tpu.vector_load %arg10[%get3A_546, %get3A_547] {strides = array<i32>} : memref<72x144xf32, #tpu.memory_space<vmem>>, vector<1x16xf32>,
        %get3A_549 = vector.shape_cast %get3A_548 : vector<1x16xf32> to vector<16xf32>
        %slice3A_550 = vector.extract_strided_slice %exp3A {offsets = [5], sizes = [1], strides = [1]} : vector<16xf32> to vector<1xf32>
        %squeeze3A_551 = vector.extract %slice3A_550[0] : f32 from vector<1xf32>
        %mul3A_552 = vector.broadcast %squeeze3A_551 : f32 to vector<16xf32>
        %mul3A_553 = arith.mulf %get3A_549, %mul3A_552 : vector<16xf32>
        %swap3A_554 = arith.index_cast %scan3A_464 : i32 to index
        %swap3A_555 = arith.constant 80 : index
        %swap3A_556 = tpu.vector_load %arg10[%swap3A_554, %swap3A_555] {strides = array<i32>} : memref<72x144xf32, #tpu.memory_space<vmem>>, vector<1x16xf32>,
        %swap3A_557 = vector.shape_cast %swap3A_556 : vector<1x16xf32> to vector<16xf32>
        %swap3A_558 = vector.shape_cast %mul3A_553 : vector<16xf32> to vector<1x16xf32>
        tpu.vector_store %arg10[%swap3A_554, %swap3A_555], %swap3A_558 {strides = array<i32>} : memref<72x144xf32, #tpu.memory_space<vmem>>, vector<1x16xf32>,
        %get3A_559 = arith.index_cast %scan3A_464 : i32 to index
        %get3A_560 = arith.constant 96 : index
        %get3A_561 = tpu.vector_load %arg10[%get3A_559, %get3A_560] {strides = array<i32>} : memref<72x144xf32, #tpu.memory_space<vmem>>, vector<1x16xf32>,
        %get3A_562 = vector.shape_cast %get3A_561 : vector<1x16xf32> to vector<16xf32>
        %slice3A_563 = vector.extract_strided_slice %exp3A {offsets = [6], sizes = [1], strides = [1]} : vector<16xf32> to vector<1xf32>
        %squeeze3A_564 = vector.extract %slice3A_563[0] : f32 from vector<1xf32>
        %mul3A_565 = vector.broadcast %squeeze3A_564 : f32 to vector<16xf32>
        %mul3A_566 = arith.mulf %get3A_562, %mul3A_565 : vector<16xf32>
        %swap3A_567 = arith.index_cast %scan3A_464 : i32 to index
        %swap3A_568 = arith.constant 96 : index
        %swap3A_569 = tpu.vector_load %arg10[%swap3A_567, %swap3A_568] {strides = array<i32>} : memref<72x144xf32, #tpu.memory_space<vmem>>, vector<1x16xf32>,
        %swap3A_570 = vector.shape_cast %swap3A_569 : vector<1x16xf32> to vector<16xf32>
        %swap3A_571 = vector.shape_cast %mul3A_566 : vector<16xf32> to vector<1x16xf32>
        tpu.vector_store %arg10[%swap3A_567, %swap3A_568], %swap3A_571 {strides = array<i32>} : memref<72x144xf32, #tpu.memory_space<vmem>>, vector<1x16xf32>,
        %get3A_572 = arith.index_cast %scan3A_464 : i32 to index
        %get3A_573 = arith.constant 112 : index
        %get3A_574 = tpu.vector_load %arg10[%get3A_572, %get3A_573] {strides = array<i32>} : memref<72x144xf32, #tpu.memory_space<vmem>>, vector<1x16xf32>,
        %get3A_575 = vector.shape_cast %get3A_574 : vector<1x16xf32> to vector<16xf32>
        %slice3A_576 = vector.extract_strided_slice %exp3A {offsets = [7], sizes = [1], strides = [1]} : vector<16xf32> to vector<1xf32>
        %squeeze3A_577 = vector.extract %slice3A_576[0] : f32 from vector<1xf32>
        %mul3A_578 = vector.broadcast %squeeze3A_577 : f32 to vector<16xf32>
        %mul3A_579 = arith.mulf %get3A_575, %mul3A_578 : vector<16xf32>
        %swap3A_580 = arith.index_cast %scan3A_464 : i32 to index
        %swap3A_581 = arith.constant 112 : index
        %swap3A_582 = tpu.vector_load %arg10[%swap3A_580, %swap3A_581] {strides = array<i32>} : memref<72x144xf32, #tpu.memory_space<vmem>>, vector<1x16xf32>,
        %swap3A_583 = vector.shape_cast %swap3A_582 : vector<1x16xf32> to vector<16xf32>
        %swap3A_584 = vector.shape_cast %mul3A_579 : vector<16xf32> to vector<1x16xf32>
        tpu.vector_store %arg10[%swap3A_580, %swap3A_581], %swap3A_584 {strides = array<i32>} : memref<72x144xf32, #tpu.memory_space<vmem>>, vector<1x16xf32>,
        %scan3A_585 = arith.constant 0 : i32
        scf.yield %scan3A_585 : i32
      }
      %scan3A_257 = arith.constant 72 : i32
      %dma_wait3A_258 = arith.constant 1 : i32
      %dma_wait3A_259 = arith.constant 1 : i32
      %dma_wait3A_260 = arith.constant 0 : i32
      %dma_wait3A_261 = tpu.memref_slice %arg7[%dma_wait3A_258, %dma_wait3A_259, %dma_wait3A_260] : memref<6x2x72xi32, #tpu.memory_space<vmem>> -> memref<1x1x72xi32, #tpu.memory_space<vmem>>
      %dma_wait3A_262 = tpu.memref_squeeze %dma_wait3A_261 : memref<1x1x72xi32, #tpu.memory_space<vmem>> -> memref<72xi32, #tpu.memory_space<vmem>>
      %dma_wait3A_263 = arith.constant 0 : i32
      %dma_wait3A_264 = arith.constant 0 : i32
      %dma_wait3A_265 = tpu.memref_slice %arg6[%dma_wait3A_263, %dma_wait3A_264] : memref<10240x144xf32, #tpu.memory_space<vmem_shared>> -> memref<10240x144xf32, #tpu.memory_space<vmem_shared>>
      tpu.wait_indirect_dma semaphore(%arg21 : memref<!tpu.dma_semaphore, #tpu.memory_space<semaphore_mem>>) src(%arg9 : memref<72x144xf32, #tpu.memory_space<vmem>>) dst(%dma_wait3A_265 : memref<10240x144xf32, #tpu.memory_space<vmem_shared>>)
      %dma_start3A_266 = arith.constant 4 : i32
      %dma_start3A_267 = arith.constant 0 : i32
      %dma_start3A_268 = arith.constant 0 : i32
      %dma_start3A_269 = tpu.memref_slice %arg7[%dma_start3A_266, %dma_start3A_267, %dma_start3A_268] : memref<6x2x72xi32, #tpu.memory_space<vmem>> -> memref<1x1x72xi32, #tpu.memory_space<vmem>>
      %dma_start3A_270 = tpu.memref_squeeze %dma_start3A_269 : memref<1x1x72xi32, #tpu.memory_space<vmem>> -> memref<72xi32, #tpu.memory_space<vmem>>
      %dma_start3A_271 = arith.constant 0 : i32
      %dma_start3A_272 = arith.constant 0 : i32
      %dma_start3A_273 = tpu.memref_slice %arg3[%arg0, %dma_start3A_271, %dma_start3A_272] : memref<2x10240x144xf32, #tpu.memory_space<hbm>> -> memref<1x10240x144xf32, #tpu.memory_space<hbm>>
      %dma_start3A_274 = tpu.memref_squeeze %dma_start3A_273 : memref<1x10240x144xf32, #tpu.memory_space<hbm>> -> memref<10240x144xf32, #tpu.memory_space<hbm>>
      %dma_start3A_275 = arith.constant 0 : i32
      %dma_start3A_276 = arith.constant 0 : i32
      %dma_start3A_277 = tpu.memref_slice %dma_start3A_274[%dma_start3A_275, %dma_start3A_276] : memref<10240x144xf32, #tpu.memory_space<hbm>> -> memref<10240x144xf32, #tpu.memory_space<hbm>>
      tpu.enqueue_indirect_dma source(%dma_start3A_277 : memref<10240x144xf32, #tpu.memory_space<hbm>>) target(%arg9 : memref<72x144xf32, #tpu.memory_space<vmem>>) offsets(%dma_start3A_270 : memref<72xi32, #tpu.memory_space<vmem>>) semaphore(%arg18 : memref<!tpu.dma_semaphore, #tpu.memory_space<semaphore_mem>>)
      %dma_start3A_278 = arith.constant 4 : i32
      %dma_start3A_279 = arith.constant 1 : i32
      %dma_start3A_280 = arith.constant 0 : i32
      %dma_start3A_281 = tpu.memref_slice %arg7[%dma_start3A_278, %dma_start3A_279, %dma_start3A_280] : memref<6x2x72xi32, #tpu.memory_space<vmem>> -> memref<1x1x72xi32, #tpu.memory_space<vmem>>
      %dma_start3A_282 = tpu.memref_squeeze %dma_start3A_281 : memref<1x1x72xi32, #tpu.memory_space<vmem>> -> memref<72xi32, #tpu.memory_space<vmem>>
      %dma_start3A_283 = arith.constant 0 : i32
      %dma_start3A_284 = arith.constant 0 : i32
      %dma_start3A_285 = tpu.memref_slice %arg4[%arg0, %dma_start3A_283, %dma_start3A_284] : memref<2x10240x16xf32, #tpu.memory_space<hbm>> -> memref<1x10240x16xf32, #tpu.memory_space<hbm>>
      %dma_start3A_286 = tpu.memref_squeeze %dma_start3A_285 : memref<1x10240x16xf32, #tpu.memory_space<hbm>> -> memref<10240x16xf32, #tpu.memory_space<hbm>>
      %dma_start3A_287 = arith.constant 0 : i32
      %dma_start3A_288 = arith.constant 0 : i32
      %dma_start3A_289 = tpu.memref_slice %dma_start3A_286[%dma_start3A_287, %dma_start3A_288] : memref<10240x16xf32, #tpu.memory_space<hbm>> -> memref<10240x16xf32, #tpu.memory_space<hbm>>
      tpu.enqueue_indirect_dma source(%dma_start3A_289 : memref<10240x16xf32, #tpu.memory_space<hbm>>) target(%arg12 : memref<72x16xf32, #tpu.memory_space<vmem>>) offsets(%dma_start3A_282 : memref<72xi32, #tpu.memory_space<vmem>>) semaphore(%arg15 : memref<!tpu.dma_semaphore, #tpu.memory_space<semaphore_mem>>)
      %dma_start3A_290 = arith.constant 2 : i32
      %dma_start3A_291 = arith.constant 1 : i32
      %dma_start3A_292 = arith.constant 0 : i32
      %dma_start3A_293 = tpu.memref_slice %arg7[%dma_start3A_290, %dma_start3A_291, %dma_start3A_292] : memref<6x2x72xi32, #tpu.memory_space<vmem>> -> memref<1x1x72xi32, #tpu.memory_space<vmem>>
      %dma_start3A_294 = tpu.memref_squeeze %dma_start3A_293 : memref<1x1x72xi32, #tpu.memory_space<vmem>> -> memref<72xi32, #tpu.memory_space<vmem>>
      %dma_start3A_295 = arith.constant 0 : i32
      %dma_start3A_296 = arith.constant 0 : i32
      %dma_start3A_297 = tpu.memref_slice %arg6[%dma_start3A_295, %dma_start3A_296] : memref<10240x144xf32, #tpu.memory_space<vmem_shared>> -> memref<10240x144xf32, #tpu.memory_space<vmem_shared>>
      tpu.enqueue_indirect_dma source(%arg10 : memref<72x144xf32, #tpu.memory_space<vmem>>) target(%dma_start3A_297 : memref<10240x144xf32, #tpu.memory_space<vmem_shared>>) offsets(%dma_start3A_294 : memref<72xi32, #tpu.memory_space<vmem>>) semaphore(%arg22 : memref<!tpu.dma_semaphore, #tpu.memory_space<semaphore_mem>>) {add = true}
      %dma_wait3A_298 = arith.constant 3 : i32
      %dma_wait3A_299 = arith.constant 0 : i32
      %dma_wait3A_300 = arith.constant 0 : i32
      %dma_wait3A_301 = tpu.memref_slice %arg7[%dma_wait3A_298, %dma_wait3A_299, %dma_wait3A_300] : memref<6x2x72xi32, #tpu.memory_space<vmem>> -> memref<1x1x72xi32, #tpu.memory_space<vmem>>
      %dma_wait3A_302 = tpu.memref_squeeze %dma_wait3A_301 : memref<1x1x72xi32, #tpu.memory_space<vmem>> -> memref<72xi32, #tpu.memory_space<vmem>>
      %dma_wait3A_303 = arith.constant 0 : i32
      %dma_wait3A_304 = arith.constant 0 : i32
      %dma_wait3A_305 = tpu.memref_slice %arg3[%arg0, %dma_wait3A_303, %dma_wait3A_304] : memref<2x10240x144xf32, #tpu.memory_space<hbm>> -> memref<1x10240x144xf32, #tpu.memory_space<hbm>>
      %dma_wait3A_306 = tpu.memref_squeeze %dma_wait3A_305 : memref<1x10240x144xf32, #tpu.memory_space<hbm>> -> memref<10240x144xf32, #tpu.memory_space<hbm>>
      %dma_wait3A_307 = arith.constant 0 : i32
      %dma_wait3A_308 = arith.constant 0 : i32
      %dma_wait3A_309 = tpu.memref_slice %dma_wait3A_306[%dma_wait3A_307, %dma_wait3A_308] : memref<10240x144xf32, #tpu.memory_space<hbm>> -> memref<10240x144xf32, #tpu.memory_space<hbm>>
      tpu.wait_indirect_dma semaphore(%arg17 : memref<!tpu.dma_semaphore, #tpu.memory_space<semaphore_mem>>) src(%dma_wait3A_309 : memref<10240x144xf32, #tpu.memory_space<hbm>>) dst(%arg8 : memref<72x144xf32, #tpu.memory_space<vmem>>)
      %dma_wait3A_310 = arith.constant 3 : i32
      %dma_wait3A_311 = arith.constant 1 : i32
      %dma_wait3A_312 = arith.constant 0 : i32
      %dma_wait3A_313 = tpu.memref_slice %arg7[%dma_wait3A_310, %dma_wait3A_311, %dma_wait3A_312] : memref<6x2x72xi32, #tpu.memory_space<vmem>> -> memref<1x1x72xi32, #tpu.memory_space<vmem>>
      %dma_wait3A_314 = tpu.memref_squeeze %dma_wait3A_313 : memref<1x1x72xi32, #tpu.memory_space<vmem>> -> memref<72xi32, #tpu.memory_space<vmem>>
      %dma_wait3A_315 = arith.constant 0 : i32
      %dma_wait3A_316 = arith.constant 0 : i32
      %dma_wait3A_317 = tpu.memref_slice %arg4[%arg0, %dma_wait3A_315, %dma_wait3A_316] : memref<2x10240x16xf32, #tpu.memory_space<hbm>> -> memref<1x10240x16xf32, #tpu.memory_space<hbm>>
      %dma_wait3A_318 = tpu.memref_squeeze %dma_wait3A_317 : memref<1x10240x16xf32, #tpu.memory_space<hbm>> -> memref<10240x16xf32, #tpu.memory_space<hbm>>
      %dma_wait3A_319 = arith.constant 0 : i32
      %dma_wait3A_320 = arith.constant 0 : i32
      %dma_wait3A_321 = tpu.memref_slice %dma_wait3A_318[%dma_wait3A_319, %dma_wait3A_320] : memref<10240x16xf32, #tpu.memory_space<hbm>> -> memref<10240x16xf32, #tpu.memory_space<hbm>>
      tpu.wait_indirect_dma semaphore(%arg14 : memref<!tpu.dma_semaphore, #tpu.memory_space<semaphore_mem>>) src(%dma_wait3A_321 : memref<10240x16xf32, #tpu.memory_space<hbm>>) dst(%arg11 : memref<72x16xf32, #tpu.memory_space<vmem>>)
      %scan3A_322 = arith.constant 0 : i32
      %scan3A_323 = arith.constant 0 : i32
      %scan3A_324 = arith.constant 72 : i32
      %scan3A_325 = arith.addi %scan3A_323, %scan3A_324 : i32
      %scan3A_326 = arith.constant 1 : i32
      %scan3A_327 = scf.for %scan3A_464 = %scan3A_323 to %scan3A_325 step %scan3A_326 iter_args(%scan3A_465 = %scan3A_322) -> (i32)  : i32 {
        %get3A = arith.index_cast %scan3A_464 : i32 to index
        %get3A_466 = arith.constant 128 : index
        %get3A_467 = tpu.vector_load %arg8[%get3A, %get3A_466] {strides = array<i32>} : memref<72x144xf32, #tpu.memory_space<vmem>>, vector<1x16xf32>,
        %get3A_468 = vector.shape_cast %get3A_467 : vector<1x16xf32> to vector<16xf32>
        %get3A_469 = arith.index_cast %scan3A_464 : i32 to index
        %get3A_470 = arith.constant 0 : index
        %get3A_471 = tpu.vector_load %arg11[%get3A_469, %get3A_470] {strides = array<i32>} : memref<72x16xf32, #tpu.memory_space<vmem>>, vector<1x16xf32>,
        %get3A_472 = vector.shape_cast %get3A_471 : vector<1x16xf32> to vector<16xf32>
        %add3A_473 = arith.addf %get3A_468, %get3A_472 : vector<16xf32>
        %ge3A = arith.constant 0.000000e+00 : f32
        %ge3A_474 = vector.broadcast %ge3A : f32 to vector<16xf32>
        %ge3A_475 = arith.cmpf oge, %add3A_473, %ge3A_474 : vector<16xf32>
        %mul3A_476 = arith.constant 2.000000e-01 : f32
        %mul3A_477 = vector.broadcast %mul3A_476 : f32 to vector<16xf32>
        %mul3A_478 = arith.mulf %mul3A_477, %add3A_473 : vector<16xf32>
        %select_n3A = arith.select %ge3A_475, %add3A_473, %mul3A_478 : vector<16xi1>, vector<16xf32>
        %exp3A = math.exp %select_n3A : vector<16xf32>
        %swap3A = arith.index_cast %scan3A_464 : i32 to index
        %swap3A_479 = arith.constant 128 : index
        %swap3A_480 = tpu.vector_load %arg8[%swap3A, %swap3A_479] {strides = array<i32>} : memref<72x144xf32, #tpu.memory_space<vmem>>, vector<1x16xf32>,
        %swap3A_481 = vector.shape_cast %swap3A_480 : vector<1x16xf32> to vector<16xf32>
        %swap3A_482 = vector.shape_cast %exp3A : vector<16xf32> to vector<1x16xf32>
        tpu.vector_store %arg8[%swap3A, %swap3A_479], %swap3A_482 {strides = array<i32>} : memref<72x144xf32, #tpu.memory_space<vmem>>, vector<1x16xf32>,
        %get3A_483 = arith.index_cast %scan3A_464 : i32 to index
        %get3A_484 = arith.constant 0 : index
        %get3A_485 = tpu.vector_load %arg8[%get3A_483, %get3A_484] {strides = array<i32>} : memref<72x144xf32, #tpu.memory_space<vmem>>, vector<1x16xf32>,
        %get3A_486 = vector.shape_cast %get3A_485 : vector<1x16xf32> to vector<16xf32>
        %slice3A = vector.extract_strided_slice %exp3A {offsets = [0], sizes = [1], strides = [1]} : vector<16xf32> to vector<1xf32>
        %squeeze3A = vector.extract %slice3A[0] : f32 from vector<1xf32>
        %mul3A_487 = vector.broadcast %squeeze3A : f32 to vector<16xf32>
        %mul3A_488 = arith.mulf %get3A_486, %mul3A_487 : vector<16xf32>
        %swap3A_489 = arith.index_cast %scan3A_464 : i32 to index
        %swap3A_490 = arith.constant 0 : index
        %swap3A_491 = tpu.vector_load %arg8[%swap3A_489, %swap3A_490] {strides = array<i32>} : memref<72x144xf32, #tpu.memory_space<vmem>>, vector<1x16xf32>,
        %swap3A_492 = vector.shape_cast %swap3A_491 : vector<1x16xf32> to vector<16xf32>
        %swap3A_493 = vector.shape_cast %mul3A_488 : vector<16xf32> to vector<1x16xf32>
        tpu.vector_store %arg8[%swap3A_489, %swap3A_490], %swap3A_493 {strides = array<i32>} : memref<72x144xf32, #tpu.memory_space<vmem>>, vector<1x16xf32>,
        %get3A_494 = arith.index_cast %scan3A_464 : i32 to index
        %get3A_495 = arith.constant 16 : index
        %get3A_496 = tpu.vector_load %arg8[%get3A_494, %get3A_495] {strides = array<i32>} : memref<72x144xf32, #tpu.memory_space<vmem>>, vector<1x16xf32>,
        %get3A_497 = vector.shape_cast %get3A_496 : vector<1x16xf32> to vector<16xf32>
        %slice3A_498 = vector.extract_strided_slice %exp3A {offsets = [1], sizes = [1], strides = [1]} : vector<16xf32> to vector<1xf32>
        %squeeze3A_499 = vector.extract %slice3A_498[0] : f32 from vector<1xf32>
        %mul3A_500 = vector.broadcast %squeeze3A_499 : f32 to vector<16xf32>
        %mul3A_501 = arith.mulf %get3A_497, %mul3A_500 : vector<16xf32>
        %swap3A_502 = arith.index_cast %scan3A_464 : i32 to index
        %swap3A_503 = arith.constant 16 : index
        %swap3A_504 = tpu.vector_load %arg8[%swap3A_502, %swap3A_503] {strides = array<i32>} : memref<72x144xf32, #tpu.memory_space<vmem>>, vector<1x16xf32>,
        %swap3A_505 = vector.shape_cast %swap3A_504 : vector<1x16xf32> to vector<16xf32>
        %swap3A_506 = vector.shape_cast %mul3A_501 : vector<16xf32> to vector<1x16xf32>
        tpu.vector_store %arg8[%swap3A_502, %swap3A_503], %swap3A_506 {strides = array<i32>} : memref<72x144xf32, #tpu.memory_space<vmem>>, vector<1x16xf32>,
        %get3A_507 = arith.index_cast %scan3A_464 : i32 to index
        %get3A_508 = arith.constant 32 : index
        %get3A_509 = tpu.vector_load %arg8[%get3A_507, %get3A_508] {strides = array<i32>} : memref<72x144xf32, #tpu.memory_space<vmem>>, vector<1x16xf32>,
        %get3A_510 = vector.shape_cast %get3A_509 : vector<1x16xf32> to vector<16xf32>
        %slice3A_511 = vector.extract_strided_slice %exp3A {offsets = [2], sizes = [1], strides = [1]} : vector<16xf32> to vector<1xf32>
        %squeeze3A_512 = vector.extract %slice3A_511[0] : f32 from vector<1xf32>
        %mul3A_513 = vector.broadcast %squeeze3A_512 : f32 to vector<16xf32>
        %mul3A_514 = arith.mulf %get3A_510, %mul3A_513 : vector<16xf32>
        %swap3A_515 = arith.index_cast %scan3A_464 : i32 to index
        %swap3A_516 = arith.constant 32 : index
        %swap3A_517 = tpu.vector_load %arg8[%swap3A_515, %swap3A_516] {strides = array<i32>} : memref<72x144xf32, #tpu.memory_space<vmem>>, vector<1x16xf32>,
        %swap3A_518 = vector.shape_cast %swap3A_517 : vector<1x16xf32> to vector<16xf32>
        %swap3A_519 = vector.shape_cast %mul3A_514 : vector<16xf32> to vector<1x16xf32>
        tpu.vector_store %arg8[%swap3A_515, %swap3A_516], %swap3A_519 {strides = array<i32>} : memref<72x144xf32, #tpu.memory_space<vmem>>, vector<1x16xf32>,
        %get3A_520 = arith.index_cast %scan3A_464 : i32 to index
        %get3A_521 = arith.constant 48 : index
        %get3A_522 = tpu.vector_load %arg8[%get3A_520, %get3A_521] {strides = array<i32>} : memref<72x144xf32, #tpu.memory_space<vmem>>, vector<1x16xf32>,
        %get3A_523 = vector.shape_cast %get3A_522 : vector<1x16xf32> to vector<16xf32>
        %slice3A_524 = vector.extract_strided_slice %exp3A {offsets = [3], sizes = [1], strides = [1]} : vector<16xf32> to vector<1xf32>
        %squeeze3A_525 = vector.extract %slice3A_524[0] : f32 from vector<1xf32>
        %mul3A_526 = vector.broadcast %squeeze3A_525 : f32 to vector<16xf32>
        %mul3A_527 = arith.mulf %get3A_523, %mul3A_526 : vector<16xf32>
        %swap3A_528 = arith.index_cast %scan3A_464 : i32 to index
        %swap3A_529 = arith.constant 48 : index
        %swap3A_530 = tpu.vector_load %arg8[%swap3A_528, %swap3A_529] {strides = array<i32>} : memref<72x144xf32, #tpu.memory_space<vmem>>, vector<1x16xf32>,
        %swap3A_531 = vector.shape_cast %swap3A_530 : vector<1x16xf32> to vector<16xf32>
        %swap3A_532 = vector.shape_cast %mul3A_527 : vector<16xf32> to vector<1x16xf32>
        tpu.vector_store %arg8[%swap3A_528, %swap3A_529], %swap3A_532 {strides = array<i32>} : memref<72x144xf32, #tpu.memory_space<vmem>>, vector<1x16xf32>,
        %get3A_533 = arith.index_cast %scan3A_464 : i32 to index
        %get3A_534 = arith.constant 64 : index
        %get3A_535 = tpu.vector_load %arg8[%get3A_533, %get3A_534] {strides = array<i32>} : memref<72x144xf32, #tpu.memory_space<vmem>>, vector<1x16xf32>,
        %get3A_536 = vector.shape_cast %get3A_535 : vector<1x16xf32> to vector<16xf32>
        %slice3A_537 = vector.extract_strided_slice %exp3A {offsets = [4], sizes = [1], strides = [1]} : vector<16xf32> to vector<1xf32>
        %squeeze3A_538 = vector.extract %slice3A_537[0] : f32 from vector<1xf32>
        %mul3A_539 = vector.broadcast %squeeze3A_538 : f32 to vector<16xf32>
        %mul3A_540 = arith.mulf %get3A_536, %mul3A_539 : vector<16xf32>
        %swap3A_541 = arith.index_cast %scan3A_464 : i32 to index
        %swap3A_542 = arith.constant 64 : index
        %swap3A_543 = tpu.vector_load %arg8[%swap3A_541, %swap3A_542] {strides = array<i32>} : memref<72x144xf32, #tpu.memory_space<vmem>>, vector<1x16xf32>,
        %swap3A_544 = vector.shape_cast %swap3A_543 : vector<1x16xf32> to vector<16xf32>
        %swap3A_545 = vector.shape_cast %mul3A_540 : vector<16xf32> to vector<1x16xf32>
        tpu.vector_store %arg8[%swap3A_541, %swap3A_542], %swap3A_545 {strides = array<i32>} : memref<72x144xf32, #tpu.memory_space<vmem>>, vector<1x16xf32>,
        %get3A_546 = arith.index_cast %scan3A_464 : i32 to index
        %get3A_547 = arith.constant 80 : index
        %get3A_548 = tpu.vector_load %arg8[%get3A_546, %get3A_547] {strides = array<i32>} : memref<72x144xf32, #tpu.memory_space<vmem>>, vector<1x16xf32>,
        %get3A_549 = vector.shape_cast %get3A_548 : vector<1x16xf32> to vector<16xf32>
        %slice3A_550 = vector.extract_strided_slice %exp3A {offsets = [5], sizes = [1], strides = [1]} : vector<16xf32> to vector<1xf32>
        %squeeze3A_551 = vector.extract %slice3A_550[0] : f32 from vector<1xf32>
        %mul3A_552 = vector.broadcast %squeeze3A_551 : f32 to vector<16xf32>
        %mul3A_553 = arith.mulf %get3A_549, %mul3A_552 : vector<16xf32>
        %swap3A_554 = arith.index_cast %scan3A_464 : i32 to index
        %swap3A_555 = arith.constant 80 : index
        %swap3A_556 = tpu.vector_load %arg8[%swap3A_554, %swap3A_555] {strides = array<i32>} : memref<72x144xf32, #tpu.memory_space<vmem>>, vector<1x16xf32>,
        %swap3A_557 = vector.shape_cast %swap3A_556 : vector<1x16xf32> to vector<16xf32>
        %swap3A_558 = vector.shape_cast %mul3A_553 : vector<16xf32> to vector<1x16xf32>
        tpu.vector_store %arg8[%swap3A_554, %swap3A_555], %swap3A_558 {strides = array<i32>} : memref<72x144xf32, #tpu.memory_space<vmem>>, vector<1x16xf32>,
        %get3A_559 = arith.index_cast %scan3A_464 : i32 to index
        %get3A_560 = arith.constant 96 : index
        %get3A_561 = tpu.vector_load %arg8[%get3A_559, %get3A_560] {strides = array<i32>} : memref<72x144xf32, #tpu.memory_space<vmem>>, vector<1x16xf32>,
        %get3A_562 = vector.shape_cast %get3A_561 : vector<1x16xf32> to vector<16xf32>
        %slice3A_563 = vector.extract_strided_slice %exp3A {offsets = [6], sizes = [1], strides = [1]} : vector<16xf32> to vector<1xf32>
        %squeeze3A_564 = vector.extract %slice3A_563[0] : f32 from vector<1xf32>
        %mul3A_565 = vector.broadcast %squeeze3A_564 : f32 to vector<16xf32>
        %mul3A_566 = arith.mulf %get3A_562, %mul3A_565 : vector<16xf32>
        %swap3A_567 = arith.index_cast %scan3A_464 : i32 to index
        %swap3A_568 = arith.constant 96 : index
        %swap3A_569 = tpu.vector_load %arg8[%swap3A_567, %swap3A_568] {strides = array<i32>} : memref<72x144xf32, #tpu.memory_space<vmem>>, vector<1x16xf32>,
        %swap3A_570 = vector.shape_cast %swap3A_569 : vector<1x16xf32> to vector<16xf32>
        %swap3A_571 = vector.shape_cast %mul3A_566 : vector<16xf32> to vector<1x16xf32>
        tpu.vector_store %arg8[%swap3A_567, %swap3A_568], %swap3A_571 {strides = array<i32>} : memref<72x144xf32, #tpu.memory_space<vmem>>, vector<1x16xf32>,
        %get3A_572 = arith.index_cast %scan3A_464 : i32 to index
        %get3A_573 = arith.constant 112 : index
        %get3A_574 = tpu.vector_load %arg8[%get3A_572, %get3A_573] {strides = array<i32>} : memref<72x144xf32, #tpu.memory_space<vmem>>, vector<1x16xf32>,
        %get3A_575 = vector.shape_cast %get3A_574 : vector<1x16xf32> to vector<16xf32>
        %slice3A_576 = vector.extract_strided_slice %exp3A {offsets = [7], sizes = [1], strides = [1]} : vector<16xf32> to vector<1xf32>
        %squeeze3A_577 = vector.extract %slice3A_576[0] : f32 from vector<1xf32>
        %mul3A_578 = vector.broadcast %squeeze3A_577 : f32 to vector<16xf32>
        %mul3A_579 = arith.mulf %get3A_575, %mul3A_578 : vector<16xf32>
        %swap3A_580 = arith.index_cast %scan3A_464 : i32 to index
        %swap3A_581 = arith.constant 112 : index
        %swap3A_582 = tpu.vector_load %arg8[%swap3A_580, %swap3A_581] {strides = array<i32>} : memref<72x144xf32, #tpu.memory_space<vmem>>, vector<1x16xf32>,
        %swap3A_583 = vector.shape_cast %swap3A_582 : vector<1x16xf32> to vector<16xf32>
        %swap3A_584 = vector.shape_cast %mul3A_579 : vector<16xf32> to vector<1x16xf32>
        tpu.vector_store %arg8[%swap3A_580, %swap3A_581], %swap3A_584 {strides = array<i32>} : memref<72x144xf32, #tpu.memory_space<vmem>>, vector<1x16xf32>,
        %scan3A_585 = arith.constant 0 : i32
        scf.yield %scan3A_585 : i32
      }
      %scan3A_328 = arith.constant 72 : i32
      %dma_wait3A_329 = arith.constant 2 : i32
      %dma_wait3A_330 = arith.constant 1 : i32
      %dma_wait3A_331 = arith.constant 0 : i32
      %dma_wait3A_332 = tpu.memref_slice %arg7[%dma_wait3A_329, %dma_wait3A_330, %dma_wait3A_331] : memref<6x2x72xi32, #tpu.memory_space<vmem>> -> memref<1x1x72xi32, #tpu.memory_space<vmem>>
      %dma_wait3A_333 = tpu.memref_squeeze %dma_wait3A_332 : memref<1x1x72xi32, #tpu.memory_space<vmem>> -> memref<72xi32, #tpu.memory_space<vmem>>
      %dma_wait3A_334 = arith.constant 0 : i32
      %dma_wait3A_335 = arith.constant 0 : i32
      %dma_wait3A_336 = tpu.memref_slice %arg6[%dma_wait3A_334, %dma_wait3A_335] : memref<10240x144xf32, #tpu.memory_space<vmem_shared>> -> memref<10240x144xf32, #tpu.memory_space<vmem_shared>>
      tpu.wait_indirect_dma semaphore(%arg22 : memref<!tpu.dma_semaphore, #tpu.memory_space<semaphore_mem>>) src(%arg10 : memref<72x144xf32, #tpu.memory_space<vmem>>) dst(%dma_wait3A_336 : memref<10240x144xf32, #tpu.memory_space<vmem_shared>>)
      %dma_start3A_337 = arith.constant 5 : i32
      %dma_start3A_338 = arith.constant 0 : i32
      %dma_start3A_339 = arith.constant 0 : i32
      %dma_start3A_340 = tpu.memref_slice %arg7[%dma_start3A_337, %dma_start3A_338, %dma_start3A_339] : memref<6x2x72xi32, #tpu.memory_space<vmem>> -> memref<1x1x72xi32, #tpu.memory_space<vmem>>
      %dma_start3A_341 = tpu.memref_squeeze %dma_start3A_340 : memref<1x1x72xi32, #tpu.memory_space<vmem>> -> memref<72xi32, #tpu.memory_space<vmem>>
      %dma_start3A_342 = arith.constant 0 : i32
      %dma_start3A_343 = arith.constant 0 : i32
      %dma_start3A_344 = tpu.memref_slice %arg3[%arg0, %dma_start3A_342, %dma_start3A_343] : memref<2x10240x144xf32, #tpu.memory_space<hbm>> -> memref<1x10240x144xf32, #tpu.memory_space<hbm>>
      %dma_start3A_345 = tpu.memref_squeeze %dma_start3A_344 : memref<1x10240x144xf32, #tpu.memory_space<hbm>> -> memref<10240x144xf32, #tpu.memory_space<hbm>>
      %dma_start3A_346 = arith.constant 0 : i32
      %dma_start3A_347 = arith.constant 0 : i32
      %dma_start3A_348 = tpu.memref_slice %dma_start3A_345[%dma_start3A_346, %dma_start3A_347] : memref<10240x144xf32, #tpu.memory_space<hbm>> -> memref<10240x144xf32, #tpu.memory_space<hbm>>
      tpu.enqueue_indirect_dma source(%dma_start3A_348 : memref<10240x144xf32, #tpu.memory_space<hbm>>) target(%arg10 : memref<72x144xf32, #tpu.memory_space<vmem>>) offsets(%dma_start3A_341 : memref<72xi32, #tpu.memory_space<vmem>>) semaphore(%arg19 : memref<!tpu.dma_semaphore, #tpu.memory_space<semaphore_mem>>)
      %dma_start3A_349 = arith.constant 5 : i32
      %dma_start3A_350 = arith.constant 1 : i32
      %dma_start3A_351 = arith.constant 0 : i32
      %dma_start3A_352 = tpu.memref_slice %arg7[%dma_start3A_349, %dma_start3A_350, %dma_start3A_351] : memref<6x2x72xi32, #tpu.memory_space<vmem>> -> memref<1x1x72xi32, #tpu.memory_space<vmem>>
      %dma_start3A_353 = tpu.memref_squeeze %dma_start3A_352 : memref<1x1x72xi32, #tpu.memory_space<vmem>> -> memref<72xi32, #tpu.memory_space<vmem>>
      %dma_start3A_354 = arith.constant 0 : i32
      %dma_start3A_355 = arith.constant 0 : i32
      %dma_start3A_356 = tpu.memref_slice %arg4[%arg0, %dma_start3A_354, %dma_start3A_355] : memref<2x10240x16xf32, #tpu.memory_space<hbm>> -> memref<1x10240x16xf32, #tpu.memory_space<hbm>>
      %dma_start3A_357 = tpu.memref_squeeze %dma_start3A_356 : memref<1x10240x16xf32, #tpu.memory_space<hbm>> -> memref<10240x16xf32, #tpu.memory_space<hbm>>
      %dma_start3A_358 = arith.constant 0 : i32
      %dma_start3A_359 = arith.constant 0 : i32
      %dma_start3A_360 = tpu.memref_slice %dma_start3A_357[%dma_start3A_358, %dma_start3A_359] : memref<10240x16xf32, #tpu.memory_space<hbm>> -> memref<10240x16xf32, #tpu.memory_space<hbm>>
      tpu.enqueue_indirect_dma source(%dma_start3A_360 : memref<10240x16xf32, #tpu.memory_space<hbm>>) target(%arg13 : memref<72x16xf32, #tpu.memory_space<vmem>>) offsets(%dma_start3A_353 : memref<72xi32, #tpu.memory_space<vmem>>) semaphore(%arg16 : memref<!tpu.dma_semaphore, #tpu.memory_space<semaphore_mem>>)
      %dma_start3A_361 = arith.constant 3 : i32
      %dma_start3A_362 = arith.constant 1 : i32
      %dma_start3A_363 = arith.constant 0 : i32
      %dma_start3A_364 = tpu.memref_slice %arg7[%dma_start3A_361, %dma_start3A_362, %dma_start3A_363] : memref<6x2x72xi32, #tpu.memory_space<vmem>> -> memref<1x1x72xi32, #tpu.memory_space<vmem>>
      %dma_start3A_365 = tpu.memref_squeeze %dma_start3A_364 : memref<1x1x72xi32, #tpu.memory_space<vmem>> -> memref<72xi32, #tpu.memory_space<vmem>>
      %dma_start3A_366 = arith.constant 0 : i32
      %dma_start3A_367 = arith.constant 0 : i32
      %dma_start3A_368 = tpu.memref_slice %arg6[%dma_start3A_366, %dma_start3A_367] : memref<10240x144xf32, #tpu.memory_space<vmem_shared>> -> memref<10240x144xf32, #tpu.memory_space<vmem_shared>>
      tpu.enqueue_indirect_dma source(%arg8 : memref<72x144xf32, #tpu.memory_space<vmem>>) target(%dma_start3A_368 : memref<10240x144xf32, #tpu.memory_space<vmem_shared>>) offsets(%dma_start3A_365 : memref<72xi32, #tpu.memory_space<vmem>>) semaphore(%arg20 : memref<!tpu.dma_semaphore, #tpu.memory_space<semaphore_mem>>) {add = true}
      %dma_wait3A_369 = arith.constant 4 : i32
      %dma_wait3A_370 = arith.constant 0 : i32
      %dma_wait3A_371 = arith.constant 0 : i32
      %dma_wait3A_372 = tpu.memref_slice %arg7[%dma_wait3A_369, %dma_wait3A_370, %dma_wait3A_371] : memref<6x2x72xi32, #tpu.memory_space<vmem>> -> memref<1x1x72xi32, #tpu.memory_space<vmem>>
      %dma_wait3A_373 = tpu.memref_squeeze %dma_wait3A_372 : memref<1x1x72xi32, #tpu.memory_space<vmem>> -> memref<72xi32, #tpu.memory_space<vmem>>
      %dma_wait3A_374 = arith.constant 0 : i32
      %dma_wait3A_375 = arith.constant 0 : i32
      %dma_wait3A_376 = tpu.memref_slice %arg3[%arg0, %dma_wait3A_374, %dma_wait3A_375] : memref<2x10240x144xf32, #tpu.memory_space<hbm>> -> memref<1x10240x144xf32, #tpu.memory_space<hbm>>
      %dma_wait3A_377 = tpu.memref_squeeze %dma_wait3A_376 : memref<1x10240x144xf32, #tpu.memory_space<hbm>> -> memref<10240x144xf32, #tpu.memory_space<hbm>>
      %dma_wait3A_378 = arith.constant 0 : i32
      %dma_wait3A_379 = arith.constant 0 : i32
      %dma_wait3A_380 = tpu.memref_slice %dma_wait3A_377[%dma_wait3A_378, %dma_wait3A_379] : memref<10240x144xf32, #tpu.memory_space<hbm>> -> memref<10240x144xf32, #tpu.memory_space<hbm>>
      tpu.wait_indirect_dma semaphore(%arg18 : memref<!tpu.dma_semaphore, #tpu.memory_space<semaphore_mem>>) src(%dma_wait3A_380 : memref<10240x144xf32, #tpu.memory_space<hbm>>) dst(%arg9 : memref<72x144xf32, #tpu.memory_space<vmem>>)
      %dma_wait3A_381 = arith.constant 4 : i32
      %dma_wait3A_382 = arith.constant 1 : i32
      %dma_wait3A_383 = arith.constant 0 : i32
      %dma_wait3A_384 = tpu.memref_slice %arg7[%dma_wait3A_381, %dma_wait3A_382, %dma_wait3A_383] : memref<6x2x72xi32, #tpu.memory_space<vmem>> -> memref<1x1x72xi32, #tpu.memory_space<vmem>>
      %dma_wait3A_385 = tpu.memref_squeeze %dma_wait3A_384 : memref<1x1x72xi32, #tpu.memory_space<vmem>> -> memref<72xi32, #tpu.memory_space<vmem>>
      %dma_wait3A_386 = arith.constant 0 : i32
      %dma_wait3A_387 = arith.constant 0 : i32
      %dma_wait3A_388 = tpu.memref_slice %arg4[%arg0, %dma_wait3A_386, %dma_wait3A_387] : memref<2x10240x16xf32, #tpu.memory_space<hbm>> -> memref<1x10240x16xf32, #tpu.memory_space<hbm>>
      %dma_wait3A_389 = tpu.memref_squeeze %dma_wait3A_388 : memref<1x10240x16xf32, #tpu.memory_space<hbm>> -> memref<10240x16xf32, #tpu.memory_space<hbm>>
      %dma_wait3A_390 = arith.constant 0 : i32
      %dma_wait3A_391 = arith.constant 0 : i32
      %dma_wait3A_392 = tpu.memref_slice %dma_wait3A_389[%dma_wait3A_390, %dma_wait3A_391] : memref<10240x16xf32, #tpu.memory_space<hbm>> -> memref<10240x16xf32, #tpu.memory_space<hbm>>
      tpu.wait_indirect_dma semaphore(%arg15 : memref<!tpu.dma_semaphore, #tpu.memory_space<semaphore_mem>>) src(%dma_wait3A_392 : memref<10240x16xf32, #tpu.memory_space<hbm>>) dst(%arg12 : memref<72x16xf32, #tpu.memory_space<vmem>>)
      %scan3A_393 = arith.constant 0 : i32
      %scan3A_394 = arith.constant 0 : i32
      %scan3A_395 = arith.constant 72 : i32
      %scan3A_396 = arith.addi %scan3A_394, %scan3A_395 : i32
      %scan3A_397 = arith.constant 1 : i32
      %scan3A_398 = scf.for %scan3A_464 = %scan3A_394 to %scan3A_396 step %scan3A_397 iter_args(%scan3A_465 = %scan3A_393) -> (i32)  : i32 {
        %get3A = arith.index_cast %scan3A_464 : i32 to index
        %get3A_466 = arith.constant 128 : index
        %get3A_467 = tpu.vector_load %arg9[%get3A, %get3A_466] {strides = array<i32>} : memref<72x144xf32, #tpu.memory_space<vmem>>, vector<1x16xf32>,
        %get3A_468 = vector.shape_cast %get3A_467 : vector<1x16xf32> to vector<16xf32>
        %get3A_469 = arith.index_cast %scan3A_464 : i32 to index
        %get3A_470 = arith.constant 0 : index
        %get3A_471 = tpu.vector_load %arg12[%get3A_469, %get3A_470] {strides = array<i32>} : memref<72x16xf32, #tpu.memory_space<vmem>>, vector<1x16xf32>,
        %get3A_472 = vector.shape_cast %get3A_471 : vector<1x16xf32> to vector<16xf32>
        %add3A_473 = arith.addf %get3A_468, %get3A_472 : vector<16xf32>
        %ge3A = arith.constant 0.000000e+00 : f32
        %ge3A_474 = vector.broadcast %ge3A : f32 to vector<16xf32>
        %ge3A_475 = arith.cmpf oge, %add3A_473, %ge3A_474 : vector<16xf32>
        %mul3A_476 = arith.constant 2.000000e-01 : f32
        %mul3A_477 = vector.broadcast %mul3A_476 : f32 to vector<16xf32>
        %mul3A_478 = arith.mulf %mul3A_477, %add3A_473 : vector<16xf32>
        %select_n3A = arith.select %ge3A_475, %add3A_473, %mul3A_478 : vector<16xi1>, vector<16xf32>
        %exp3A = math.exp %select_n3A : vector<16xf32>
        %swap3A = arith.index_cast %scan3A_464 : i32 to index
        %swap3A_479 = arith.constant 128 : index
        %swap3A_480 = tpu.vector_load %arg9[%swap3A, %swap3A_479] {strides = array<i32>} : memref<72x144xf32, #tpu.memory_space<vmem>>, vector<1x16xf32>,
        %swap3A_481 = vector.shape_cast %swap3A_480 : vector<1x16xf32> to vector<16xf32>
        %swap3A_482 = vector.shape_cast %exp3A : vector<16xf32> to vector<1x16xf32>
        tpu.vector_store %arg9[%swap3A, %swap3A_479], %swap3A_482 {strides = array<i32>} : memref<72x144xf32, #tpu.memory_space<vmem>>, vector<1x16xf32>,
        %get3A_483 = arith.index_cast %scan3A_464 : i32 to index
        %get3A_484 = arith.constant 0 : index
        %get3A_485 = tpu.vector_load %arg9[%get3A_483, %get3A_484] {strides = array<i32>} : memref<72x144xf32, #tpu.memory_space<vmem>>, vector<1x16xf32>,
        %get3A_486 = vector.shape_cast %get3A_485 : vector<1x16xf32> to vector<16xf32>
        %slice3A = vector.extract_strided_slice %exp3A {offsets = [0], sizes = [1], strides = [1]} : vector<16xf32> to vector<1xf32>
        %squeeze3A = vector.extract %slice3A[0] : f32 from vector<1xf32>
        %mul3A_487 = vector.broadcast %squeeze3A : f32 to vector<16xf32>
        %mul3A_488 = arith.mulf %get3A_486, %mul3A_487 : vector<16xf32>
        %swap3A_489 = arith.index_cast %scan3A_464 : i32 to index
        %swap3A_490 = arith.constant 0 : index
        %swap3A_491 = tpu.vector_load %arg9[%swap3A_489, %swap3A_490] {strides = array<i32>} : memref<72x144xf32, #tpu.memory_space<vmem>>, vector<1x16xf32>,
        %swap3A_492 = vector.shape_cast %swap3A_491 : vector<1x16xf32> to vector<16xf32>
        %swap3A_493 = vector.shape_cast %mul3A_488 : vector<16xf32> to vector<1x16xf32>
        tpu.vector_store %arg9[%swap3A_489, %swap3A_490], %swap3A_493 {strides = array<i32>} : memref<72x144xf32, #tpu.memory_space<vmem>>, vector<1x16xf32>,
        %get3A_494 = arith.index_cast %scan3A_464 : i32 to index
        %get3A_495 = arith.constant 16 : index
        %get3A_496 = tpu.vector_load %arg9[%get3A_494, %get3A_495] {strides = array<i32>} : memref<72x144xf32, #tpu.memory_space<vmem>>, vector<1x16xf32>,
        %get3A_497 = vector.shape_cast %get3A_496 : vector<1x16xf32> to vector<16xf32>
        %slice3A_498 = vector.extract_strided_slice %exp3A {offsets = [1], sizes = [1], strides = [1]} : vector<16xf32> to vector<1xf32>
        %squeeze3A_499 = vector.extract %slice3A_498[0] : f32 from vector<1xf32>
        %mul3A_500 = vector.broadcast %squeeze3A_499 : f32 to vector<16xf32>
        %mul3A_501 = arith.mulf %get3A_497, %mul3A_500 : vector<16xf32>
        %swap3A_502 = arith.index_cast %scan3A_464 : i32 to index
        %swap3A_503 = arith.constant 16 : index
        %swap3A_504 = tpu.vector_load %arg9[%swap3A_502, %swap3A_503] {strides = array<i32>} : memref<72x144xf32, #tpu.memory_space<vmem>>, vector<1x16xf32>,
        %swap3A_505 = vector.shape_cast %swap3A_504 : vector<1x16xf32> to vector<16xf32>
        %swap3A_506 = vector.shape_cast %mul3A_501 : vector<16xf32> to vector<1x16xf32>
        tpu.vector_store %arg9[%swap3A_502, %swap3A_503], %swap3A_506 {strides = array<i32>} : memref<72x144xf32, #tpu.memory_space<vmem>>, vector<1x16xf32>,
        %get3A_507 = arith.index_cast %scan3A_464 : i32 to index
        %get3A_508 = arith.constant 32 : index
        %get3A_509 = tpu.vector_load %arg9[%get3A_507, %get3A_508] {strides = array<i32>} : memref<72x144xf32, #tpu.memory_space<vmem>>, vector<1x16xf32>,
        %get3A_510 = vector.shape_cast %get3A_509 : vector<1x16xf32> to vector<16xf32>
        %slice3A_511 = vector.extract_strided_slice %exp3A {offsets = [2], sizes = [1], strides = [1]} : vector<16xf32> to vector<1xf32>
        %squeeze3A_512 = vector.extract %slice3A_511[0] : f32 from vector<1xf32>
        %mul3A_513 = vector.broadcast %squeeze3A_512 : f32 to vector<16xf32>
        %mul3A_514 = arith.mulf %get3A_510, %mul3A_513 : vector<16xf32>
        %swap3A_515 = arith.index_cast %scan3A_464 : i32 to index
        %swap3A_516 = arith.constant 32 : index
        %swap3A_517 = tpu.vector_load %arg9[%swap3A_515, %swap3A_516] {strides = array<i32>} : memref<72x144xf32, #tpu.memory_space<vmem>>, vector<1x16xf32>,
        %swap3A_518 = vector.shape_cast %swap3A_517 : vector<1x16xf32> to vector<16xf32>
        %swap3A_519 = vector.shape_cast %mul3A_514 : vector<16xf32> to vector<1x16xf32>
        tpu.vector_store %arg9[%swap3A_515, %swap3A_516], %swap3A_519 {strides = array<i32>} : memref<72x144xf32, #tpu.memory_space<vmem>>, vector<1x16xf32>,
        %get3A_520 = arith.index_cast %scan3A_464 : i32 to index
        %get3A_521 = arith.constant 48 : index
        %get3A_522 = tpu.vector_load %arg9[%get3A_520, %get3A_521] {strides = array<i32>} : memref<72x144xf32, #tpu.memory_space<vmem>>, vector<1x16xf32>,
        %get3A_523 = vector.shape_cast %get3A_522 : vector<1x16xf32> to vector<16xf32>
        %slice3A_524 = vector.extract_strided_slice %exp3A {offsets = [3], sizes = [1], strides = [1]} : vector<16xf32> to vector<1xf32>
        %squeeze3A_525 = vector.extract %slice3A_524[0] : f32 from vector<1xf32>
        %mul3A_526 = vector.broadcast %squeeze3A_525 : f32 to vector<16xf32>
        %mul3A_527 = arith.mulf %get3A_523, %mul3A_526 : vector<16xf32>
        %swap3A_528 = arith.index_cast %scan3A_464 : i32 to index
        %swap3A_529 = arith.constant 48 : index
        %swap3A_530 = tpu.vector_load %arg9[%swap3A_528, %swap3A_529] {strides = array<i32>} : memref<72x144xf32, #tpu.memory_space<vmem>>, vector<1x16xf32>,
        %swap3A_531 = vector.shape_cast %swap3A_530 : vector<1x16xf32> to vector<16xf32>
        %swap3A_532 = vector.shape_cast %mul3A_527 : vector<16xf32> to vector<1x16xf32>
        tpu.vector_store %arg9[%swap3A_528, %swap3A_529], %swap3A_532 {strides = array<i32>} : memref<72x144xf32, #tpu.memory_space<vmem>>, vector<1x16xf32>,
        %get3A_533 = arith.index_cast %scan3A_464 : i32 to index
        %get3A_534 = arith.constant 64 : index
        %get3A_535 = tpu.vector_load %arg9[%get3A_533, %get3A_534] {strides = array<i32>} : memref<72x144xf32, #tpu.memory_space<vmem>>, vector<1x16xf32>,
        %get3A_536 = vector.shape_cast %get3A_535 : vector<1x16xf32> to vector<16xf32>
        %slice3A_537 = vector.extract_strided_slice %exp3A {offsets = [4], sizes = [1], strides = [1]} : vector<16xf32> to vector<1xf32>
        %squeeze3A_538 = vector.extract %slice3A_537[0] : f32 from vector<1xf32>
        %mul3A_539 = vector.broadcast %squeeze3A_538 : f32 to vector<16xf32>
        %mul3A_540 = arith.mulf %get3A_536, %mul3A_539 : vector<16xf32>
        %swap3A_541 = arith.index_cast %scan3A_464 : i32 to index
        %swap3A_542 = arith.constant 64 : index
        %swap3A_543 = tpu.vector_load %arg9[%swap3A_541, %swap3A_542] {strides = array<i32>} : memref<72x144xf32, #tpu.memory_space<vmem>>, vector<1x16xf32>,
        %swap3A_544 = vector.shape_cast %swap3A_543 : vector<1x16xf32> to vector<16xf32>
        %swap3A_545 = vector.shape_cast %mul3A_540 : vector<16xf32> to vector<1x16xf32>
        tpu.vector_store %arg9[%swap3A_541, %swap3A_542], %swap3A_545 {strides = array<i32>} : memref<72x144xf32, #tpu.memory_space<vmem>>, vector<1x16xf32>,
        %get3A_546 = arith.index_cast %scan3A_464 : i32 to index
        %get3A_547 = arith.constant 80 : index
        %get3A_548 = tpu.vector_load %arg9[%get3A_546, %get3A_547] {strides = array<i32>} : memref<72x144xf32, #tpu.memory_space<vmem>>, vector<1x16xf32>,
        %get3A_549 = vector.shape_cast %get3A_548 : vector<1x16xf32> to vector<16xf32>
        %slice3A_550 = vector.extract_strided_slice %exp3A {offsets = [5], sizes = [1], strides = [1]} : vector<16xf32> to vector<1xf32>
        %squeeze3A_551 = vector.extract %slice3A_550[0] : f32 from vector<1xf32>
        %mul3A_552 = vector.broadcast %squeeze3A_551 : f32 to vector<16xf32>
        %mul3A_553 = arith.mulf %get3A_549, %mul3A_552 : vector<16xf32>
        %swap3A_554 = arith.index_cast %scan3A_464 : i32 to index
        %swap3A_555 = arith.constant 80 : index
        %swap3A_556 = tpu.vector_load %arg9[%swap3A_554, %swap3A_555] {strides = array<i32>} : memref<72x144xf32, #tpu.memory_space<vmem>>, vector<1x16xf32>,
        %swap3A_557 = vector.shape_cast %swap3A_556 : vector<1x16xf32> to vector<16xf32>
        %swap3A_558 = vector.shape_cast %mul3A_553 : vector<16xf32> to vector<1x16xf32>
        tpu.vector_store %arg9[%swap3A_554, %swap3A_555], %swap3A_558 {strides = array<i32>} : memref<72x144xf32, #tpu.memory_space<vmem>>, vector<1x16xf32>,
        %get3A_559 = arith.index_cast %scan3A_464 : i32 to index
        %get3A_560 = arith.constant 96 : index
        %get3A_561 = tpu.vector_load %arg9[%get3A_559, %get3A_560] {strides = array<i32>} : memref<72x144xf32, #tpu.memory_space<vmem>>, vector<1x16xf32>,
        %get3A_562 = vector.shape_cast %get3A_561 : vector<1x16xf32> to vector<16xf32>
        %slice3A_563 = vector.extract_strided_slice %exp3A {offsets = [6], sizes = [1], strides = [1]} : vector<16xf32> to vector<1xf32>
        %squeeze3A_564 = vector.extract %slice3A_563[0] : f32 from vector<1xf32>
        %mul3A_565 = vector.broadcast %squeeze3A_564 : f32 to vector<16xf32>
        %mul3A_566 = arith.mulf %get3A_562, %mul3A_565 : vector<16xf32>
        %swap3A_567 = arith.index_cast %scan3A_464 : i32 to index
        %swap3A_568 = arith.constant 96 : index
        %swap3A_569 = tpu.vector_load %arg9[%swap3A_567, %swap3A_568] {strides = array<i32>} : memref<72x144xf32, #tpu.memory_space<vmem>>, vector<1x16xf32>,
        %swap3A_570 = vector.shape_cast %swap3A_569 : vector<1x16xf32> to vector<16xf32>
        %swap3A_571 = vector.shape_cast %mul3A_566 : vector<16xf32> to vector<1x16xf32>
        tpu.vector_store %arg9[%swap3A_567, %swap3A_568], %swap3A_571 {strides = array<i32>} : memref<72x144xf32, #tpu.memory_space<vmem>>, vector<1x16xf32>,
        %get3A_572 = arith.index_cast %scan3A_464 : i32 to index
        %get3A_573 = arith.constant 112 : index
        %get3A_574 = tpu.vector_load %arg9[%get3A_572, %get3A_573] {strides = array<i32>} : memref<72x144xf32, #tpu.memory_space<vmem>>, vector<1x16xf32>,
        %get3A_575 = vector.shape_cast %get3A_574 : vector<1x16xf32> to vector<16xf32>
        %slice3A_576 = vector.extract_strided_slice %exp3A {offsets = [7], sizes = [1], strides = [1]} : vector<16xf32> to vector<1xf32>
        %squeeze3A_577 = vector.extract %slice3A_576[0] : f32 from vector<1xf32>
        %mul3A_578 = vector.broadcast %squeeze3A_577 : f32 to vector<16xf32>
        %mul3A_579 = arith.mulf %get3A_575, %mul3A_578 : vector<16xf32>
        %swap3A_580 = arith.index_cast %scan3A_464 : i32 to index
        %swap3A_581 = arith.constant 112 : index
        %swap3A_582 = tpu.vector_load %arg9[%swap3A_580, %swap3A_581] {strides = array<i32>} : memref<72x144xf32, #tpu.memory_space<vmem>>, vector<1x16xf32>,
        %swap3A_583 = vector.shape_cast %swap3A_582 : vector<1x16xf32> to vector<16xf32>
        %swap3A_584 = vector.shape_cast %mul3A_579 : vector<16xf32> to vector<1x16xf32>
        tpu.vector_store %arg9[%swap3A_580, %swap3A_581], %swap3A_584 {strides = array<i32>} : memref<72x144xf32, #tpu.memory_space<vmem>>, vector<1x16xf32>,
        %scan3A_585 = arith.constant 0 : i32
        scf.yield %scan3A_585 : i32
      }
      %scan3A_399 = arith.constant 72 : i32
      %dma_wait3A_400 = arith.constant 3 : i32
      %dma_wait3A_401 = arith.constant 1 : i32
      %dma_wait3A_402 = arith.constant 0 : i32
      %dma_wait3A_403 = tpu.memref_slice %arg7[%dma_wait3A_400, %dma_wait3A_401, %dma_wait3A_402] : memref<6x2x72xi32, #tpu.memory_space<vmem>> -> memref<1x1x72xi32, #tpu.memory_space<vmem>>
      %dma_wait3A_404 = tpu.memref_squeeze %dma_wait3A_403 : memref<1x1x72xi32, #tpu.memory_space<vmem>> -> memref<72xi32, #tpu.memory_space<vmem>>
      %dma_wait3A_405 = arith.constant 0 : i32
      %dma_wait3A_406 = arith.constant 0 : i32
      %dma_wait3A_407 = tpu.memref_slice %arg6[%dma_wait3A_405, %dma_wait3A_406] : memref<10240x144xf32, #tpu.memory_space<vmem_shared>> -> memref<10240x144xf32, #tpu.memory_space<vmem_shared>>
      tpu.wait_indirect_dma semaphore(%arg20 : memref<!tpu.dma_semaphore, #tpu.memory_space<semaphore_mem>>) src(%arg8 : memref<72x144xf32, #tpu.memory_space<vmem>>) dst(%dma_wait3A_407 : memref<10240x144xf32, #tpu.memory_space<vmem_shared>>)
      %dma_start3A_408 = arith.constant 4 : i32
      %dma_start3A_409 = arith.constant 1 : i32
      %dma_start3A_410 = arith.constant 0 : i32
      %dma_start3A_411 = tpu.memref_slice %arg7[%dma_start3A_408, %dma_start3A_409, %dma_start3A_410] : memref<6x2x72xi32, #tpu.memory_space<vmem>> -> memref<1x1x72xi32, #tpu.memory_space<vmem>>
      %dma_start3A_412 = tpu.memref_squeeze %dma_start3A_411 : memref<1x1x72xi32, #tpu.memory_space<vmem>> -> memref<72xi32, #tpu.memory_space<vmem>>
      %dma_start3A_413 = arith.constant 0 : i32
      %dma_start3A_414 = arith.constant 0 : i32
      %dma_start3A_415 = tpu.memref_slice %arg6[%dma_start3A_413, %dma_start3A_414] : memref<10240x144xf32, #tpu.memory_space<vmem_shared>> -> memref<10240x144xf32, #tpu.memory_space<vmem_shared>>
      tpu.enqueue_indirect_dma source(%arg9 : memref<72x144xf32, #tpu.memory_space<vmem>>) target(%dma_start3A_415 : memref<10240x144xf32, #tpu.memory_space<vmem_shared>>) offsets(%dma_start3A_412 : memref<72xi32, #tpu.memory_space<vmem>>) semaphore(%arg21 : memref<!tpu.dma_semaphore, #tpu.memory_space<semaphore_mem>>) {add = true}
      %dma_wait3A_416 = arith.constant 5 : i32
      %dma_wait3A_417 = arith.constant 0 : i32
      %dma_wait3A_418 = arith.constant 0 : i32
      %dma_wait3A_419 = tpu.memref_slice %arg7[%dma_wait3A_416, %dma_wait3A_417, %dma_wait3A_418] : memref<6x2x72xi32, #tpu.memory_space<vmem>> -> memref<1x1x72xi32, #tpu.memory_space<vmem>>
      %dma_wait3A_420 = tpu.memref_squeeze %dma_wait3A_419 : memref<1x1x72xi32, #tpu.memory_space<vmem>> -> memref<72xi32, #tpu.memory_space<vmem>>
      %dma_wait3A_421 = arith.constant 0 : i32
      %dma_wait3A_422 = arith.constant 0 : i32
      %dma_wait3A_423 = tpu.memref_slice %arg3[%arg0, %dma_wait3A_421, %dma_wait3A_422] : memref<2x10240x144xf32, #tpu.memory_space<hbm>> -> memref<1x10240x144xf32, #tpu.memory_space<hbm>>
      %dma_wait3A_424 = tpu.memref_squeeze %dma_wait3A_423 : memref<1x10240x144xf32, #tpu.memory_space<hbm>> -> memref<10240x144xf32, #tpu.memory_space<hbm>>
      %dma_wait3A_425 = arith.constant 0 : i32
      %dma_wait3A_426 = arith.constant 0 : i32
      %dma_wait3A_427 = tpu.memref_slice %dma_wait3A_424[%dma_wait3A_425, %dma_wait3A_426] : memref<10240x144xf32, #tpu.memory_space<hbm>> -> memref<10240x144xf32, #tpu.memory_space<hbm>>
      tpu.wait_indirect_dma semaphore(%arg19 : memref<!tpu.dma_semaphore, #tpu.memory_space<semaphore_mem>>) src(%dma_wait3A_427 : memref<10240x144xf32, #tpu.memory_space<hbm>>) dst(%arg10 : memref<72x144xf32, #tpu.memory_space<vmem>>)
      %dma_wait3A_428 = arith.constant 5 : i32
      %dma_wait3A_429 = arith.constant 1 : i32
      %dma_wait3A_430 = arith.constant 0 : i32
      %dma_wait3A_431 = tpu.memref_slice %arg7[%dma_wait3A_428, %dma_wait3A_429, %dma_wait3A_430] : memref<6x2x72xi32, #tpu.memory_space<vmem>> -> memref<1x1x72xi32, #tpu.memory_space<vmem>>
      %dma_wait3A_432 = tpu.memref_squeeze %dma_wait3A_431 : memref<1x1x72xi32, #tpu.memory_space<vmem>> -> memref<72xi32, #tpu.memory_space<vmem>>
      %dma_wait3A_433 = arith.constant 0 : i32
      %dma_wait3A_434 = arith.constant 0 : i32
      %dma_wait3A_435 = tpu.memref_slice %arg4[%arg0, %dma_wait3A_433, %dma_wait3A_434] : memref<2x10240x16xf32, #tpu.memory_space<hbm>> -> memref<1x10240x16xf32, #tpu.memory_space<hbm>>
      %dma_wait3A_436 = tpu.memref_squeeze %dma_wait3A_435 : memref<1x10240x16xf32, #tpu.memory_space<hbm>> -> memref<10240x16xf32, #tpu.memory_space<hbm>>
      %dma_wait3A_437 = arith.constant 0 : i32
      %dma_wait3A_438 = arith.constant 0 : i32
      %dma_wait3A_439 = tpu.memref_slice %dma_wait3A_436[%dma_wait3A_437, %dma_wait3A_438] : memref<10240x16xf32, #tpu.memory_space<hbm>> -> memref<10240x16xf32, #tpu.memory_space<hbm>>
      tpu.wait_indirect_dma semaphore(%arg16 : memref<!tpu.dma_semaphore, #tpu.memory_space<semaphore_mem>>) src(%dma_wait3A_439 : memref<10240x16xf32, #tpu.memory_space<hbm>>) dst(%arg13 : memref<72x16xf32, #tpu.memory_space<vmem>>)
      %scan3A_440 = arith.constant 0 : i32
      %scan3A_441 = arith.constant 0 : i32
      %scan3A_442 = arith.constant 72 : i32
      %scan3A_443 = arith.addi %scan3A_441, %scan3A_442 : i32
      %scan3A_444 = arith.constant 1 : i32
      %scan3A_445 = scf.for %scan3A_464 = %scan3A_441 to %scan3A_443 step %scan3A_444 iter_args(%scan3A_465 = %scan3A_440) -> (i32)  : i32 {
        %get3A = arith.index_cast %scan3A_464 : i32 to index
        %get3A_466 = arith.constant 128 : index
        %get3A_467 = tpu.vector_load %arg10[%get3A, %get3A_466] {strides = array<i32>} : memref<72x144xf32, #tpu.memory_space<vmem>>, vector<1x16xf32>,
        %get3A_468 = vector.shape_cast %get3A_467 : vector<1x16xf32> to vector<16xf32>
        %get3A_469 = arith.index_cast %scan3A_464 : i32 to index
        %get3A_470 = arith.constant 0 : index
        %get3A_471 = tpu.vector_load %arg13[%get3A_469, %get3A_470] {strides = array<i32>} : memref<72x16xf32, #tpu.memory_space<vmem>>, vector<1x16xf32>,
        %get3A_472 = vector.shape_cast %get3A_471 : vector<1x16xf32> to vector<16xf32>
        %add3A_473 = arith.addf %get3A_468, %get3A_472 : vector<16xf32>
        %ge3A = arith.constant 0.000000e+00 : f32
        %ge3A_474 = vector.broadcast %ge3A : f32 to vector<16xf32>
        %ge3A_475 = arith.cmpf oge, %add3A_473, %ge3A_474 : vector<16xf32>
        %mul3A_476 = arith.constant 2.000000e-01 : f32
        %mul3A_477 = vector.broadcast %mul3A_476 : f32 to vector<16xf32>
        %mul3A_478 = arith.mulf %mul3A_477, %add3A_473 : vector<16xf32>
        %select_n3A = arith.select %ge3A_475, %add3A_473, %mul3A_478 : vector<16xi1>, vector<16xf32>
        %exp3A = math.exp %select_n3A : vector<16xf32>
        %swap3A = arith.index_cast %scan3A_464 : i32 to index
        %swap3A_479 = arith.constant 128 : index
        %swap3A_480 = tpu.vector_load %arg10[%swap3A, %swap3A_479] {strides = array<i32>} : memref<72x144xf32, #tpu.memory_space<vmem>>, vector<1x16xf32>,
        %swap3A_481 = vector.shape_cast %swap3A_480 : vector<1x16xf32> to vector<16xf32>
        %swap3A_482 = vector.shape_cast %exp3A : vector<16xf32> to vector<1x16xf32>
        tpu.vector_store %arg10[%swap3A, %swap3A_479], %swap3A_482 {strides = array<i32>} : memref<72x144xf32, #tpu.memory_space<vmem>>, vector<1x16xf32>,
        %get3A_483 = arith.index_cast %scan3A_464 : i32 to index
        %get3A_484 = arith.constant 0 : index
        %get3A_485 = tpu.vector_load %arg10[%get3A_483, %get3A_484] {strides = array<i32>} : memref<72x144xf32, #tpu.memory_space<vmem>>, vector<1x16xf32>,
        %get3A_486 = vector.shape_cast %get3A_485 : vector<1x16xf32> to vector<16xf32>
        %slice3A = vector.extract_strided_slice %exp3A {offsets = [0], sizes = [1], strides = [1]} : vector<16xf32> to vector<1xf32>
        %squeeze3A = vector.extract %slice3A[0] : f32 from vector<1xf32>
        %mul3A_487 = vector.broadcast %squeeze3A : f32 to vector<16xf32>
        %mul3A_488 = arith.mulf %get3A_486, %mul3A_487 : vector<16xf32>
        %swap3A_489 = arith.index_cast %scan3A_464 : i32 to index
        %swap3A_490 = arith.constant 0 : index
        %swap3A_491 = tpu.vector_load %arg10[%swap3A_489, %swap3A_490] {strides = array<i32>} : memref<72x144xf32, #tpu.memory_space<vmem>>, vector<1x16xf32>,
        %swap3A_492 = vector.shape_cast %swap3A_491 : vector<1x16xf32> to vector<16xf32>
        %swap3A_493 = vector.shape_cast %mul3A_488 : vector<16xf32> to vector<1x16xf32>
        tpu.vector_store %arg10[%swap3A_489, %swap3A_490], %swap3A_493 {strides = array<i32>} : memref<72x144xf32, #tpu.memory_space<vmem>>, vector<1x16xf32>,
        %get3A_494 = arith.index_cast %scan3A_464 : i32 to index
        %get3A_495 = arith.constant 16 : index
        %get3A_496 = tpu.vector_load %arg10[%get3A_494, %get3A_495] {strides = array<i32>} : memref<72x144xf32, #tpu.memory_space<vmem>>, vector<1x16xf32>,
        %get3A_497 = vector.shape_cast %get3A_496 : vector<1x16xf32> to vector<16xf32>
        %slice3A_498 = vector.extract_strided_slice %exp3A {offsets = [1], sizes = [1], strides = [1]} : vector<16xf32> to vector<1xf32>
        %squeeze3A_499 = vector.extract %slice3A_498[0] : f32 from vector<1xf32>
        %mul3A_500 = vector.broadcast %squeeze3A_499 : f32 to vector<16xf32>
        %mul3A_501 = arith.mulf %get3A_497, %mul3A_500 : vector<16xf32>
        %swap3A_502 = arith.index_cast %scan3A_464 : i32 to index
        %swap3A_503 = arith.constant 16 : index
        %swap3A_504 = tpu.vector_load %arg10[%swap3A_502, %swap3A_503] {strides = array<i32>} : memref<72x144xf32, #tpu.memory_space<vmem>>, vector<1x16xf32>,
        %swap3A_505 = vector.shape_cast %swap3A_504 : vector<1x16xf32> to vector<16xf32>
        %swap3A_506 = vector.shape_cast %mul3A_501 : vector<16xf32> to vector<1x16xf32>
        tpu.vector_store %arg10[%swap3A_502, %swap3A_503], %swap3A_506 {strides = array<i32>} : memref<72x144xf32, #tpu.memory_space<vmem>>, vector<1x16xf32>,
        %get3A_507 = arith.index_cast %scan3A_464 : i32 to index
        %get3A_508 = arith.constant 32 : index
        %get3A_509 = tpu.vector_load %arg10[%get3A_507, %get3A_508] {strides = array<i32>} : memref<72x144xf32, #tpu.memory_space<vmem>>, vector<1x16xf32>,
        %get3A_510 = vector.shape_cast %get3A_509 : vector<1x16xf32> to vector<16xf32>
        %slice3A_511 = vector.extract_strided_slice %exp3A {offsets = [2], sizes = [1], strides = [1]} : vector<16xf32> to vector<1xf32>
        %squeeze3A_512 = vector.extract %slice3A_511[0] : f32 from vector<1xf32>
        %mul3A_513 = vector.broadcast %squeeze3A_512 : f32 to vector<16xf32>
        %mul3A_514 = arith.mulf %get3A_510, %mul3A_513 : vector<16xf32>
        %swap3A_515 = arith.index_cast %scan3A_464 : i32 to index
        %swap3A_516 = arith.constant 32 : index
        %swap3A_517 = tpu.vector_load %arg10[%swap3A_515, %swap3A_516] {strides = array<i32>} : memref<72x144xf32, #tpu.memory_space<vmem>>, vector<1x16xf32>,
        %swap3A_518 = vector.shape_cast %swap3A_517 : vector<1x16xf32> to vector<16xf32>
        %swap3A_519 = vector.shape_cast %mul3A_514 : vector<16xf32> to vector<1x16xf32>
        tpu.vector_store %arg10[%swap3A_515, %swap3A_516], %swap3A_519 {strides = array<i32>} : memref<72x144xf32, #tpu.memory_space<vmem>>, vector<1x16xf32>,
        %get3A_520 = arith.index_cast %scan3A_464 : i32 to index
        %get3A_521 = arith.constant 48 : index
        %get3A_522 = tpu.vector_load %arg10[%get3A_520, %get3A_521] {strides = array<i32>} : memref<72x144xf32, #tpu.memory_space<vmem>>, vector<1x16xf32>,
        %get3A_523 = vector.shape_cast %get3A_522 : vector<1x16xf32> to vector<16xf32>
        %slice3A_524 = vector.extract_strided_slice %exp3A {offsets = [3], sizes = [1], strides = [1]} : vector<16xf32> to vector<1xf32>
        %squeeze3A_525 = vector.extract %slice3A_524[0] : f32 from vector<1xf32>
        %mul3A_526 = vector.broadcast %squeeze3A_525 : f32 to vector<16xf32>
        %mul3A_527 = arith.mulf %get3A_523, %mul3A_526 : vector<16xf32>
        %swap3A_528 = arith.index_cast %scan3A_464 : i32 to index
        %swap3A_529 = arith.constant 48 : index
        %swap3A_530 = tpu.vector_load %arg10[%swap3A_528, %swap3A_529] {strides = array<i32>} : memref<72x144xf32, #tpu.memory_space<vmem>>, vector<1x16xf32>,
        %swap3A_531 = vector.shape_cast %swap3A_530 : vector<1x16xf32> to vector<16xf32>
        %swap3A_532 = vector.shape_cast %mul3A_527 : vector<16xf32> to vector<1x16xf32>
        tpu.vector_store %arg10[%swap3A_528, %swap3A_529], %swap3A_532 {strides = array<i32>} : memref<72x144xf32, #tpu.memory_space<vmem>>, vector<1x16xf32>,
        %get3A_533 = arith.index_cast %scan3A_464 : i32 to index
        %get3A_534 = arith.constant 64 : index
        %get3A_535 = tpu.vector_load %arg10[%get3A_533, %get3A_534] {strides = array<i32>} : memref<72x144xf32, #tpu.memory_space<vmem>>, vector<1x16xf32>,
        %get3A_536 = vector.shape_cast %get3A_535 : vector<1x16xf32> to vector<16xf32>
        %slice3A_537 = vector.extract_strided_slice %exp3A {offsets = [4], sizes = [1], strides = [1]} : vector<16xf32> to vector<1xf32>
        %squeeze3A_538 = vector.extract %slice3A_537[0] : f32 from vector<1xf32>
        %mul3A_539 = vector.broadcast %squeeze3A_538 : f32 to vector<16xf32>
        %mul3A_540 = arith.mulf %get3A_536, %mul3A_539 : vector<16xf32>
        %swap3A_541 = arith.index_cast %scan3A_464 : i32 to index
        %swap3A_542 = arith.constant 64 : index
        %swap3A_543 = tpu.vector_load %arg10[%swap3A_541, %swap3A_542] {strides = array<i32>} : memref<72x144xf32, #tpu.memory_space<vmem>>, vector<1x16xf32>,
        %swap3A_544 = vector.shape_cast %swap3A_543 : vector<1x16xf32> to vector<16xf32>
        %swap3A_545 = vector.shape_cast %mul3A_540 : vector<16xf32> to vector<1x16xf32>
        tpu.vector_store %arg10[%swap3A_541, %swap3A_542], %swap3A_545 {strides = array<i32>} : memref<72x144xf32, #tpu.memory_space<vmem>>, vector<1x16xf32>,
        %get3A_546 = arith.index_cast %scan3A_464 : i32 to index
        %get3A_547 = arith.constant 80 : index
        %get3A_548 = tpu.vector_load %arg10[%get3A_546, %get3A_547] {strides = array<i32>} : memref<72x144xf32, #tpu.memory_space<vmem>>, vector<1x16xf32>,
        %get3A_549 = vector.shape_cast %get3A_548 : vector<1x16xf32> to vector<16xf32>
        %slice3A_550 = vector.extract_strided_slice %exp3A {offsets = [5], sizes = [1], strides = [1]} : vector<16xf32> to vector<1xf32>
        %squeeze3A_551 = vector.extract %slice3A_550[0] : f32 from vector<1xf32>
        %mul3A_552 = vector.broadcast %squeeze3A_551 : f32 to vector<16xf32>
        %mul3A_553 = arith.mulf %get3A_549, %mul3A_552 : vector<16xf32>
        %swap3A_554 = arith.index_cast %scan3A_464 : i32 to index
        %swap3A_555 = arith.constant 80 : index
        %swap3A_556 = tpu.vector_load %arg10[%swap3A_554, %swap3A_555] {strides = array<i32>} : memref<72x144xf32, #tpu.memory_space<vmem>>, vector<1x16xf32>,
        %swap3A_557 = vector.shape_cast %swap3A_556 : vector<1x16xf32> to vector<16xf32>
        %swap3A_558 = vector.shape_cast %mul3A_553 : vector<16xf32> to vector<1x16xf32>
        tpu.vector_store %arg10[%swap3A_554, %swap3A_555], %swap3A_558 {strides = array<i32>} : memref<72x144xf32, #tpu.memory_space<vmem>>, vector<1x16xf32>,
        %get3A_559 = arith.index_cast %scan3A_464 : i32 to index
        %get3A_560 = arith.constant 96 : index
        %get3A_561 = tpu.vector_load %arg10[%get3A_559, %get3A_560] {strides = array<i32>} : memref<72x144xf32, #tpu.memory_space<vmem>>, vector<1x16xf32>,
        %get3A_562 = vector.shape_cast %get3A_561 : vector<1x16xf32> to vector<16xf32>
        %slice3A_563 = vector.extract_strided_slice %exp3A {offsets = [6], sizes = [1], strides = [1]} : vector<16xf32> to vector<1xf32>
        %squeeze3A_564 = vector.extract %slice3A_563[0] : f32 from vector<1xf32>
        %mul3A_565 = vector.broadcast %squeeze3A_564 : f32 to vector<16xf32>
        %mul3A_566 = arith.mulf %get3A_562, %mul3A_565 : vector<16xf32>
        %swap3A_567 = arith.index_cast %scan3A_464 : i32 to index
        %swap3A_568 = arith.constant 96 : index
        %swap3A_569 = tpu.vector_load %arg10[%swap3A_567, %swap3A_568] {strides = array<i32>} : memref<72x144xf32, #tpu.memory_space<vmem>>, vector<1x16xf32>,
        %swap3A_570 = vector.shape_cast %swap3A_569 : vector<1x16xf32> to vector<16xf32>
        %swap3A_571 = vector.shape_cast %mul3A_566 : vector<16xf32> to vector<1x16xf32>
        tpu.vector_store %arg10[%swap3A_567, %swap3A_568], %swap3A_571 {strides = array<i32>} : memref<72x144xf32, #tpu.memory_space<vmem>>, vector<1x16xf32>,
        %get3A_572 = arith.index_cast %scan3A_464 : i32 to index
        %get3A_573 = arith.constant 112 : index
        %get3A_574 = tpu.vector_load %arg10[%get3A_572, %get3A_573] {strides = array<i32>} : memref<72x144xf32, #tpu.memory_space<vmem>>, vector<1x16xf32>,
        %get3A_575 = vector.shape_cast %get3A_574 : vector<1x16xf32> to vector<16xf32>
        %slice3A_576 = vector.extract_strided_slice %exp3A {offsets = [7], sizes = [1], strides = [1]} : vector<16xf32> to vector<1xf32>
        %squeeze3A_577 = vector.extract %slice3A_576[0] : f32 from vector<1xf32>
        %mul3A_578 = vector.broadcast %squeeze3A_577 : f32 to vector<16xf32>
        %mul3A_579 = arith.mulf %get3A_575, %mul3A_578 : vector<16xf32>
        %swap3A_580 = arith.index_cast %scan3A_464 : i32 to index
        %swap3A_581 = arith.constant 112 : index
        %swap3A_582 = tpu.vector_load %arg10[%swap3A_580, %swap3A_581] {strides = array<i32>} : memref<72x144xf32, #tpu.memory_space<vmem>>, vector<1x16xf32>,
        %swap3A_583 = vector.shape_cast %swap3A_582 : vector<1x16xf32> to vector<16xf32>
        %swap3A_584 = vector.shape_cast %mul3A_579 : vector<16xf32> to vector<1x16xf32>
        tpu.vector_store %arg10[%swap3A_580, %swap3A_581], %swap3A_584 {strides = array<i32>} : memref<72x144xf32, #tpu.memory_space<vmem>>, vector<1x16xf32>,
        %scan3A_585 = arith.constant 0 : i32
        scf.yield %scan3A_585 : i32
      }
      %scan3A_446 = arith.constant 72 : i32
      %dma_wait3A_447 = arith.constant 4 : i32
      %dma_wait3A_448 = arith.constant 1 : i32
      %dma_wait3A_449 = arith.constant 0 : i32
      %dma_wait3A_450 = tpu.memref_slice %arg7[%dma_wait3A_447, %dma_wait3A_448, %dma_wait3A_449] : memref<6x2x72xi32, #tpu.memory_space<vmem>> -> memref<1x1x72xi32, #tpu.memory_space<vmem>>
      %dma_wait3A_451 = tpu.memref_squeeze %dma_wait3A_450 : memref<1x1x72xi32, #tpu.memory_space<vmem>> -> memref<72xi32, #tpu.memory_space<vmem>>
      %dma_wait3A_452 = arith.constant 0 : i32
      %dma_wait3A_453 = arith.constant 0 : i32
      %dma_wait3A_454 = tpu.memref_slice %arg6[%dma_wait3A_452, %dma_wait3A_453] : memref<10240x144xf32, #tpu.memory_space<vmem_shared>> -> memref<10240x144xf32, #tpu.memory_space<vmem_shared>>
      tpu.wait_indirect_dma semaphore(%arg21 : memref<!tpu.dma_semaphore, #tpu.memory_space<semaphore_mem>>) src(%arg9 : memref<72x144xf32, #tpu.memory_space<vmem>>) dst(%dma_wait3A_454 : memref<10240x144xf32, #tpu.memory_space<vmem_shared>>)
      %dma_start3A_455 = arith.constant 5 : i32
      %dma_start3A_456 = arith.constant 1 : i32
      %dma_start3A_457 = arith.constant 0 : i32
      %dma_start3A_458 = tpu.memref_slice %arg7[%dma_start3A_455, %dma_start3A_456, %dma_start3A_457] : memref<6x2x72xi32, #tpu.memory_space<vmem>> -> memref<1x1x72xi32, #tpu.memory_space<vmem>>
      %dma_start3A_459 = tpu.memref_squeeze %dma_start3A_458 : memref<1x1x72xi32, #tpu.memory_space<vmem>> -> memref<72xi32, #tpu.memory_space<vmem>>
      %dma_start3A_460 = arith.constant 0 : i32
      %dma_start3A_461 = arith.constant 0 : i32
      %dma_start3A_462 = tpu.memref_slice %arg6[%dma_start3A_460, %dma_start3A_461] : memref<10240x144xf32, #tpu.memory_space<vmem_shared>> -> memref<10240x144xf32, #tpu.memory_space<vmem_shared>>
      tpu.enqueue_indirect_dma source(%arg10 : memref<72x144xf32, #tpu.memory_space<vmem>>) target(%dma_start3A_462 : memref<10240x144xf32, #tpu.memory_space<vmem_shared>>) offsets(%dma_start3A_459 : memref<72xi32, #tpu.memory_space<vmem>>) semaphore(%arg22 : memref<!tpu.dma_semaphore, #tpu.memory_space<semaphore_mem>>) {add = true}
      %scan3A_463 = arith.constant 0 : i32
      scf.yield %scan3A_463 : i32
    }
    %scan3A_20 = arith.constant 47 : i32
    %dma_wait3A = arith.constant 0 : i32
    %dma_wait3A_21 = arith.constant 0 : i32
    %dma_wait3A_22 = arith.constant 0 : i32
    %dma_wait3A_23 = tpu.memref_slice %arg3[%dma_wait3A, %dma_wait3A_21, %dma_wait3A_22] : memref<2x10240x144xf32, #tpu.memory_space<hbm>> -> memref<1x72x144xf32, #tpu.memory_space<hbm>>
    %dma_wait3A_24 = tpu.memref_squeeze %dma_wait3A_23 : memref<1x72x144xf32, #tpu.memory_space<hbm>> -> memref<72x144xf32, #tpu.memory_space<hbm>>
    %dma_wait3A_25 = arith.constant 0 : i32
    %dma_wait3A_26 = arith.constant 0 : i32
    %dma_wait3A_27 = tpu.memref_slice %arg3[%dma_wait3A, %dma_wait3A_25, %dma_wait3A_26] : memref<2x10240x144xf32, #tpu.memory_space<hbm>> -> memref<1x72x144xf32, #tpu.memory_space<hbm>>
    %dma_wait3A_28 = tpu.memref_squeeze %dma_wait3A_27 : memref<1x72x144xf32, #tpu.memory_space<hbm>> -> memref<72x144xf32, #tpu.memory_space<hbm>>
    tpu.wait_dma2 semaphore(%arg22 : memref<!tpu.dma_semaphore, #tpu.memory_space<semaphore_mem>>) src(%dma_wait3A_28 : memref<72x144xf32, #tpu.memory_space<hbm>>) dst(%arg10 : memref<72x144xf32, #tpu.memory_space<vmem>>)
    %barrier3A_29 = arith.constant 0 : index
    tpu.barrier barrier_id(%barrier3A_29)
    "tpu.trace_stop"() : () -> ()
    %mul3A = arith.constant 640 : i32
    %mul3A_30 = arith.muli %arg1, %mul3A : i32
    "tpu.trace_start"() <{level = 10 : i32, message = "normalize"}> : () -> ()
    %scan3A_31 = arith.constant 0 : i32
    %scan3A_32 = arith.constant 0 : i32
    %scan3A_33 = arith.constant 10 : i32
    %scan3A_34 = arith.addi %scan3A_32, %scan3A_33 : i32
    %scan3A_35 = arith.constant 1 : i32
    %scan3A_36 = scf.for %scan3A_38 = %scan3A_32 to %scan3A_34 step %scan3A_35 iter_args(%scan3A_39 = %scan3A_31) -> (i32)  : i32 {
      %mul3A_40 = arith.constant 64 : i32
      %mul3A_41 = arith.muli %scan3A_38, %mul3A_40 : i32
      %add3A = arith.addi %mul3A_30, %mul3A_41 : i32
      "tpu.region"() ({
        %run_scoped3A = tpu.sem_alloc : memref<!tpu.dma_semaphore, #tpu.memory_space<semaphore_mem>>
        %dma_start3A = arith.constant 0 : i32
        %dma_start3A_50 = arith.constant 0 : i32
        %dma_start3A_51 = tpu.memref_slice %arg8[%dma_start3A, %dma_start3A_50] : memref<72x144xf32, #tpu.memory_space<vmem>> -> memref<64x144xf32, #tpu.memory_space<vmem>>
        %dma_start3A_52 = arith.constant 0 : i32
        %dma_start3A_53 = tpu.memref_slice %arg6[%add3A, %dma_start3A_52] : memref<10240x144xf32, #tpu.memory_space<vmem_shared>> -> memref<64x144xf32, #tpu.memory_space<vmem_shared>>
        %dma_start3A_54 = arith.constant 0 : i32
        %dma_start3A_55 = arith.constant 0 : i32
        %dma_start3A_56 = tpu.memref_slice %arg8[%dma_start3A_54, %dma_start3A_55] : memref<72x144xf32, #tpu.memory_space<vmem>> -> memref<64x144xf32, #tpu.memory_space<vmem>>
        %dma_start3A_57 = arith.constant 0 : i32
        %dma_start3A_58 = tpu.memref_slice %arg6[%add3A, %dma_start3A_57] : memref<10240x144xf32, #tpu.memory_space<vmem_shared>> -> memref<64x144xf32, #tpu.memory_space<vmem_shared>>
        tpu.enqueue_dma source(%dma_start3A_58 : memref<64x144xf32, #tpu.memory_space<vmem_shared>>) target(%dma_start3A_56 : memref<64x144xf32, #tpu.memory_space<vmem>>) target_semaphore(%run_scoped3A : memref<!tpu.dma_semaphore, #tpu.memory_space<semaphore_mem>>)
        %dma_wait3A_59 = arith.constant 0 : i32
        %dma_wait3A_60 = arith.constant 0 : i32
        %dma_wait3A_61 = tpu.memref_slice %arg8[%dma_wait3A_59, %dma_wait3A_60] : memref<72x144xf32, #tpu.memory_space<vmem>> -> memref<64x144xf32, #tpu.memory_space<vmem>>
        %dma_wait3A_62 = arith.constant 0 : i32
        %dma_wait3A_63 = tpu.memref_slice %arg6[%add3A, %dma_wait3A_62] : memref<10240x144xf32, #tpu.memory_space<vmem_shared>> -> memref<64x144xf32, #tpu.memory_space<vmem_shared>>
        %dma_wait3A_64 = arith.constant 0 : i32
        %dma_wait3A_65 = arith.constant 0 : i32
        %dma_wait3A_66 = tpu.memref_slice %arg8[%dma_wait3A_64, %dma_wait3A_65] : memref<72x144xf32, #tpu.memory_space<vmem>> -> memref<64x144xf32, #tpu.memory_space<vmem>>
        %dma_wait3A_67 = arith.constant 0 : i32
        %dma_wait3A_68 = tpu.memref_slice %arg6[%add3A, %dma_wait3A_67] : memref<10240x144xf32, #tpu.memory_space<vmem_shared>> -> memref<64x144xf32, #tpu.memory_space<vmem_shared>>
        tpu.wait_dma2 semaphore(%run_scoped3A : memref<!tpu.dma_semaphore, #tpu.memory_space<semaphore_mem>>) src(%dma_wait3A_68 : memref<64x144xf32, #tpu.memory_space<vmem_shared>>) dst(%dma_wait3A_66 : memref<64x144xf32, #tpu.memory_space<vmem>>)
        tpu.yield
      }) : () -> ()
      %scan3A_42 = arith.constant 0 : i32
      %scan3A_43 = arith.constant 0 : i32
      %scan3A_44 = arith.constant 64 : i32
      %scan3A_45 = arith.addi %scan3A_43, %scan3A_44 : i32
      %scan3A_46 = arith.constant 1 : i32
      %scan3A_47 = scf.for %scan3A_50 = %scan3A_43 to %scan3A_45 step %scan3A_46 iter_args(%scan3A_51 = %scan3A_42) -> (i32)  : i32 {
        %get3A = arith.index_cast %scan3A_50 : i32 to index
        %get3A_52 = arith.constant 128 : index
        %get3A_53 = tpu.vector_load %arg8[%get3A, %get3A_52] {strides = array<i32>} : memref<72x144xf32, #tpu.memory_space<vmem>>, vector<1x16xf32>,
        %get3A_54 = vector.shape_cast %get3A_53 : vector<1x16xf32> to vector<16xf32>
        %add3A_55 = arith.constant 1.000000e-16 : f32
        %add3A_56 = vector.broadcast %add3A_55 : f32 to vector<16xf32>
        %add3A_57 = arith.addf %get3A_54, %add3A_56 : vector<16xf32>
        %div3A = arith.constant 1.000000e+00 : f32
        %div3A_58 = vector.broadcast %div3A : f32 to vector<16xf32>
        %div3A_59 = arith.divf %div3A_58, %add3A_57 : vector<16xf32>
        %get3A_60 = arith.index_cast %scan3A_50 : i32 to index
        %get3A_61 = arith.constant 0 : index
        %get3A_62 = tpu.vector_load %arg8[%get3A_60, %get3A_61] {strides = array<i32>} : memref<72x144xf32, #tpu.memory_space<vmem>>, vector<1x16xf32>,
        %get3A_63 = vector.shape_cast %get3A_62 : vector<1x16xf32> to vector<16xf32>
        %slice3A = vector.extract_strided_slice %div3A_59 {offsets = [0], sizes = [1], strides = [1]} : vector<16xf32> to vector<1xf32>
        %squeeze3A = vector.extract %slice3A[0] : f32 from vector<1xf32>
        %mul3A_64 = vector.broadcast %squeeze3A : f32 to vector<16xf32>
        %mul3A_65 = arith.mulf %get3A_63, %mul3A_64 : vector<16xf32>
        %max3A = arith.constant 0.000000e+00 : f32
        %max3A_66 = vector.broadcast %max3A : f32 to vector<16xf32>
        %max3A_67 = arith.maximumf %mul3A_65, %max3A_66 : vector<16xf32>
        %swap3A = arith.index_cast %scan3A_50 : i32 to index
        %swap3A_68 = arith.constant 0 : index
        %swap3A_69 = tpu.vector_load %arg8[%swap3A, %swap3A_68] {strides = array<i32>} : memref<72x144xf32, #tpu.memory_space<vmem>>, vector<1x16xf32>,
        %swap3A_70 = vector.shape_cast %swap3A_69 : vector<1x16xf32> to vector<16xf32>
        %swap3A_71 = vector.shape_cast %max3A_67 : vector<16xf32> to vector<1x16xf32>
        tpu.vector_store %arg8[%swap3A, %swap3A_68], %swap3A_71 {strides = array<i32>} : memref<72x144xf32, #tpu.memory_space<vmem>>, vector<1x16xf32>,
        %get3A_72 = arith.index_cast %scan3A_50 : i32 to index
        %get3A_73 = arith.constant 16 : index
        %get3A_74 = tpu.vector_load %arg8[%get3A_72, %get3A_73] {strides = array<i32>} : memref<72x144xf32, #tpu.memory_space<vmem>>, vector<1x16xf32>,
        %get3A_75 = vector.shape_cast %get3A_74 : vector<1x16xf32> to vector<16xf32>
        %slice3A_76 = vector.extract_strided_slice %div3A_59 {offsets = [1], sizes = [1], strides = [1]} : vector<16xf32> to vector<1xf32>
        %squeeze3A_77 = vector.extract %slice3A_76[0] : f32 from vector<1xf32>
        %mul3A_78 = vector.broadcast %squeeze3A_77 : f32 to vector<16xf32>
        %mul3A_79 = arith.mulf %get3A_75, %mul3A_78 : vector<16xf32>
        %max3A_80 = arith.constant 0.000000e+00 : f32
        %max3A_81 = vector.broadcast %max3A_80 : f32 to vector<16xf32>
        %max3A_82 = arith.maximumf %mul3A_79, %max3A_81 : vector<16xf32>
        %swap3A_83 = arith.index_cast %scan3A_50 : i32 to index
        %swap3A_84 = arith.constant 16 : index
        %swap3A_85 = tpu.vector_load %arg8[%swap3A_83, %swap3A_84] {strides = array<i32>} : memref<72x144xf32, #tpu.memory_space<vmem>>, vector<1x16xf32>,
        %swap3A_86 = vector.shape_cast %swap3A_85 : vector<1x16xf32> to vector<16xf32>
        %swap3A_87 = vector.shape_cast %max3A_82 : vector<16xf32> to vector<1x16xf32>
        tpu.vector_store %arg8[%swap3A_83, %swap3A_84], %swap3A_87 {strides = array<i32>} : memref<72x144xf32, #tpu.memory_space<vmem>>, vector<1x16xf32>,
        %get3A_88 = arith.index_cast %scan3A_50 : i32 to index
        %get3A_89 = arith.constant 32 : index
        %get3A_90 = tpu.vector_load %arg8[%get3A_88, %get3A_89] {strides = array<i32>} : memref<72x144xf32, #tpu.memory_space<vmem>>, vector<1x16xf32>,
        %get3A_91 = vector.shape_cast %get3A_90 : vector<1x16xf32> to vector<16xf32>
        %slice3A_92 = vector.extract_strided_slice %div3A_59 {offsets = [2], sizes = [1], strides = [1]} : vector<16xf32> to vector<1xf32>
        %squeeze3A_93 = vector.extract %slice3A_92[0] : f32 from vector<1xf32>
        %mul3A_94 = vector.broadcast %squeeze3A_93 : f32 to vector<16xf32>
        %mul3A_95 = arith.mulf %get3A_91, %mul3A_94 : vector<16xf32>
        %max3A_96 = arith.constant 0.000000e+00 : f32
        %max3A_97 = vector.broadcast %max3A_96 : f32 to vector<16xf32>
        %max3A_98 = arith.maximumf %mul3A_95, %max3A_97 : vector<16xf32>
        %swap3A_99 = arith.index_cast %scan3A_50 : i32 to index
        %swap3A_100 = arith.constant 32 : index
        %swap3A_101 = tpu.vector_load %arg8[%swap3A_99, %swap3A_100] {strides = array<i32>} : memref<72x144xf32, #tpu.memory_space<vmem>>, vector<1x16xf32>,
        %swap3A_102 = vector.shape_cast %swap3A_101 : vector<1x16xf32> to vector<16xf32>
        %swap3A_103 = vector.shape_cast %max3A_98 : vector<16xf32> to vector<1x16xf32>
        tpu.vector_store %arg8[%swap3A_99, %swap3A_100], %swap3A_103 {strides = array<i32>} : memref<72x144xf32, #tpu.memory_space<vmem>>, vector<1x16xf32>,
        %get3A_104 = arith.index_cast %scan3A_50 : i32 to index
        %get3A_105 = arith.constant 48 : index
        %get3A_106 = tpu.vector_load %arg8[%get3A_104, %get3A_105] {strides = array<i32>} : memref<72x144xf32, #tpu.memory_space<vmem>>, vector<1x16xf32>,
        %get3A_107 = vector.shape_cast %get3A_106 : vector<1x16xf32> to vector<16xf32>
        %slice3A_108 = vector.extract_strided_slice %div3A_59 {offsets = [3], sizes = [1], strides = [1]} : vector<16xf32> to vector<1xf32>
        %squeeze3A_109 = vector.extract %slice3A_108[0] : f32 from vector<1xf32>
        %mul3A_110 = vector.broadcast %squeeze3A_109 : f32 to vector<16xf32>
        %mul3A_111 = arith.mulf %get3A_107, %mul3A_110 : vector<16xf32>
        %max3A_112 = arith.constant 0.000000e+00 : f32
        %max3A_113 = vector.broadcast %max3A_112 : f32 to vector<16xf32>
        %max3A_114 = arith.maximumf %mul3A_111, %max3A_113 : vector<16xf32>
        %swap3A_115 = arith.index_cast %scan3A_50 : i32 to index
        %swap3A_116 = arith.constant 48 : index
        %swap3A_117 = tpu.vector_load %arg8[%swap3A_115, %swap3A_116] {strides = array<i32>} : memref<72x144xf32, #tpu.memory_space<vmem>>, vector<1x16xf32>,
        %swap3A_118 = vector.shape_cast %swap3A_117 : vector<1x16xf32> to vector<16xf32>
        %swap3A_119 = vector.shape_cast %max3A_114 : vector<16xf32> to vector<1x16xf32>
        tpu.vector_store %arg8[%swap3A_115, %swap3A_116], %swap3A_119 {strides = array<i32>} : memref<72x144xf32, #tpu.memory_space<vmem>>, vector<1x16xf32>,
        %get3A_120 = arith.index_cast %scan3A_50 : i32 to index
        %get3A_121 = arith.constant 64 : index
        %get3A_122 = tpu.vector_load %arg8[%get3A_120, %get3A_121] {strides = array<i32>} : memref<72x144xf32, #tpu.memory_space<vmem>>, vector<1x16xf32>,
        %get3A_123 = vector.shape_cast %get3A_122 : vector<1x16xf32> to vector<16xf32>
        %slice3A_124 = vector.extract_strided_slice %div3A_59 {offsets = [4], sizes = [1], strides = [1]} : vector<16xf32> to vector<1xf32>
        %squeeze3A_125 = vector.extract %slice3A_124[0] : f32 from vector<1xf32>
        %mul3A_126 = vector.broadcast %squeeze3A_125 : f32 to vector<16xf32>
        %mul3A_127 = arith.mulf %get3A_123, %mul3A_126 : vector<16xf32>
        %max3A_128 = arith.constant 0.000000e+00 : f32
        %max3A_129 = vector.broadcast %max3A_128 : f32 to vector<16xf32>
        %max3A_130 = arith.maximumf %mul3A_127, %max3A_129 : vector<16xf32>
        %swap3A_131 = arith.index_cast %scan3A_50 : i32 to index
        %swap3A_132 = arith.constant 64 : index
        %swap3A_133 = tpu.vector_load %arg8[%swap3A_131, %swap3A_132] {strides = array<i32>} : memref<72x144xf32, #tpu.memory_space<vmem>>, vector<1x16xf32>,
        %swap3A_134 = vector.shape_cast %swap3A_133 : vector<1x16xf32> to vector<16xf32>
        %swap3A_135 = vector.shape_cast %max3A_130 : vector<16xf32> to vector<1x16xf32>
        tpu.vector_store %arg8[%swap3A_131, %swap3A_132], %swap3A_135 {strides = array<i32>} : memref<72x144xf32, #tpu.memory_space<vmem>>, vector<1x16xf32>,
        %get3A_136 = arith.index_cast %scan3A_50 : i32 to index
        %get3A_137 = arith.constant 80 : index
        %get3A_138 = tpu.vector_load %arg8[%get3A_136, %get3A_137] {strides = array<i32>} : memref<72x144xf32, #tpu.memory_space<vmem>>, vector<1x16xf32>,
        %get3A_139 = vector.shape_cast %get3A_138 : vector<1x16xf32> to vector<16xf32>
        %slice3A_140 = vector.extract_strided_slice %div3A_59 {offsets = [5], sizes = [1], strides = [1]} : vector<16xf32> to vector<1xf32>
        %squeeze3A_141 = vector.extract %slice3A_140[0] : f32 from vector<1xf32>
        %mul3A_142 = vector.broadcast %squeeze3A_141 : f32 to vector<16xf32>
        %mul3A_143 = arith.mulf %get3A_139, %mul3A_142 : vector<16xf32>
        %max3A_144 = arith.constant 0.000000e+00 : f32
        %max3A_145 = vector.broadcast %max3A_144 : f32 to vector<16xf32>
        %max3A_146 = arith.maximumf %mul3A_143, %max3A_145 : vector<16xf32>
        %swap3A_147 = arith.index_cast %scan3A_50 : i32 to index
        %swap3A_148 = arith.constant 80 : index
        %swap3A_149 = tpu.vector_load %arg8[%swap3A_147, %swap3A_148] {strides = array<i32>} : memref<72x144xf32, #tpu.memory_space<vmem>>, vector<1x16xf32>,
        %swap3A_150 = vector.shape_cast %swap3A_149 : vector<1x16xf32> to vector<16xf32>
        %swap3A_151 = vector.shape_cast %max3A_146 : vector<16xf32> to vector<1x16xf32>
        tpu.vector_store %arg8[%swap3A_147, %swap3A_148], %swap3A_151 {strides = array<i32>} : memref<72x144xf32, #tpu.memory_space<vmem>>, vector<1x16xf32>,
        %get3A_152 = arith.index_cast %scan3A_50 : i32 to index
        %get3A_153 = arith.constant 96 : index
        %get3A_154 = tpu.vector_load %arg8[%get3A_152, %get3A_153] {strides = array<i32>} : memref<72x144xf32, #tpu.memory_space<vmem>>, vector<1x16xf32>,
        %get3A_155 = vector.shape_cast %get3A_154 : vector<1x16xf32> to vector<16xf32>
        %slice3A_156 = vector.extract_strided_slice %div3A_59 {offsets = [6], sizes = [1], strides = [1]} : vector<16xf32> to vector<1xf32>
        %squeeze3A_157 = vector.extract %slice3A_156[0] : f32 from vector<1xf32>
        %mul3A_158 = vector.broadcast %squeeze3A_157 : f32 to vector<16xf32>
        %mul3A_159 = arith.mulf %get3A_155, %mul3A_158 : vector<16xf32>
        %max3A_160 = arith.constant 0.000000e+00 : f32
        %max3A_161 = vector.broadcast %max3A_160 : f32 to vector<16xf32>
        %max3A_162 = arith.maximumf %mul3A_159, %max3A_161 : vector<16xf32>
        %swap3A_163 = arith.index_cast %scan3A_50 : i32 to index
        %swap3A_164 = arith.constant 96 : index
        %swap3A_165 = tpu.vector_load %arg8[%swap3A_163, %swap3A_164] {strides = array<i32>} : memref<72x144xf32, #tpu.memory_space<vmem>>, vector<1x16xf32>,
        %swap3A_166 = vector.shape_cast %swap3A_165 : vector<1x16xf32> to vector<16xf32>
        %swap3A_167 = vector.shape_cast %max3A_162 : vector<16xf32> to vector<1x16xf32>
        tpu.vector_store %arg8[%swap3A_163, %swap3A_164], %swap3A_167 {strides = array<i32>} : memref<72x144xf32, #tpu.memory_space<vmem>>, vector<1x16xf32>,
        %get3A_168 = arith.index_cast %scan3A_50 : i32 to index
        %get3A_169 = arith.constant 112 : index
        %get3A_170 = tpu.vector_load %arg8[%get3A_168, %get3A_169] {strides = array<i32>} : memref<72x144xf32, #tpu.memory_space<vmem>>, vector<1x16xf32>,
        %get3A_171 = vector.shape_cast %get3A_170 : vector<1x16xf32> to vector<16xf32>
        %slice3A_172 = vector.extract_strided_slice %div3A_59 {offsets = [7], sizes = [1], strides = [1]} : vector<16xf32> to vector<1xf32>
        %squeeze3A_173 = vector.extract %slice3A_172[0] : f32 from vector<1xf32>
        %mul3A_174 = vector.broadcast %squeeze3A_173 : f32 to vector<16xf32>
        %mul3A_175 = arith.mulf %get3A_171, %mul3A_174 : vector<16xf32>
        %max3A_176 = arith.constant 0.000000e+00 : f32
        %max3A_177 = vector.broadcast %max3A_176 : f32 to vector<16xf32>
        %max3A_178 = arith.maximumf %mul3A_175, %max3A_177 : vector<16xf32>
        %swap3A_179 = arith.index_cast %scan3A_50 : i32 to index
        %swap3A_180 = arith.constant 112 : index
        %swap3A_181 = tpu.vector_load %arg8[%swap3A_179, %swap3A_180] {strides = array<i32>} : memref<72x144xf32, #tpu.memory_space<vmem>>, vector<1x16xf32>,
        %swap3A_182 = vector.shape_cast %swap3A_181 : vector<1x16xf32> to vector<16xf32>
        %swap3A_183 = vector.shape_cast %max3A_178 : vector<16xf32> to vector<1x16xf32>
        tpu.vector_store %arg8[%swap3A_179, %swap3A_180], %swap3A_183 {strides = array<i32>} : memref<72x144xf32, #tpu.memory_space<vmem>>, vector<1x16xf32>,
        %scan3A_184 = arith.constant 0 : i32
        scf.yield %scan3A_184 : i32
      }
      %scan3A_48 = arith.constant 64 : i32
      "tpu.region"() ({
        %run_scoped3A = tpu.sem_alloc : memref<!tpu.dma_semaphore, #tpu.memory_space<semaphore_mem>>
        %dma_start3A = arith.constant 0 : i32
        %dma_start3A_50 = arith.constant 0 : i32
        %dma_start3A_51 = tpu.memref_slice %arg8[%dma_start3A, %dma_start3A_50] : memref<72x144xf32, #tpu.memory_space<vmem>> -> memref<64x144xf32, #tpu.memory_space<vmem>>
        %dma_start3A_52 = arith.constant 0 : i32
        %dma_start3A_53 = tpu.memref_slice %arg5[%arg0, %add3A, %dma_start3A_52] : memref<2x10240x144xf32, #tpu.memory_space<hbm>> -> memref<1x64x144xf32, #tpu.memory_space<hbm>>
        %dma_start3A_54 = tpu.memref_squeeze %dma_start3A_53 : memref<1x64x144xf32, #tpu.memory_space<hbm>> -> memref<64x144xf32, #tpu.memory_space<hbm>>
        %dma_start3A_55 = arith.constant 0 : i32
        %dma_start3A_56 = tpu.memref_slice %arg5[%arg0, %add3A, %dma_start3A_55] : memref<2x10240x144xf32, #tpu.memory_space<hbm>> -> memref<1x64x144xf32, #tpu.memory_space<hbm>>
        %dma_start3A_57 = tpu.memref_squeeze %dma_start3A_56 : memref<1x64x144xf32, #tpu.memory_space<hbm>> -> memref<64x144xf32, #tpu.memory_space<hbm>>
        %dma_start3A_58 = arith.constant 0 : i32
        %dma_start3A_59 = arith.constant 0 : i32
        %dma_start3A_60 = tpu.memref_slice %arg8[%dma_start3A_58, %dma_start3A_59] : memref<72x144xf32, #tpu.memory_space<vmem>> -> memref<64x144xf32, #tpu.memory_space<vmem>>
        tpu.enqueue_dma source(%dma_start3A_60 : memref<64x144xf32, #tpu.memory_space<vmem>>) target(%dma_start3A_57 : memref<64x144xf32, #tpu.memory_space<hbm>>) target_semaphore(%run_scoped3A : memref<!tpu.dma_semaphore, #tpu.memory_space<semaphore_mem>>)
        %dma_wait3A_61 = arith.constant 0 : i32
        %dma_wait3A_62 = arith.constant 0 : i32
        %dma_wait3A_63 = tpu.memref_slice %arg8[%dma_wait3A_61, %dma_wait3A_62] : memref<72x144xf32, #tpu.memory_space<vmem>> -> memref<64x144xf32, #tpu.memory_space<vmem>>
        %dma_wait3A_64 = arith.constant 0 : i32
        %dma_wait3A_65 = tpu.memref_slice %arg5[%arg0, %add3A, %dma_wait3A_64] : memref<2x10240x144xf32, #tpu.memory_space<hbm>> -> memref<1x64x144xf32, #tpu.memory_space<hbm>>
        %dma_wait3A_66 = tpu.memref_squeeze %dma_wait3A_65 : memref<1x64x144xf32, #tpu.memory_space<hbm>> -> memref<64x144xf32, #tpu.memory_space<hbm>>
        %dma_wait3A_67 = arith.constant 0 : i32
        %dma_wait3A_68 = tpu.memref_slice %arg5[%arg0, %add3A, %dma_wait3A_67] : memref<2x10240x144xf32, #tpu.memory_space<hbm>> -> memref<1x64x144xf32, #tpu.memory_space<hbm>>
        %dma_wait3A_69 = tpu.memref_squeeze %dma_wait3A_68 : memref<1x64x144xf32, #tpu.memory_space<hbm>> -> memref<64x144xf32, #tpu.memory_space<hbm>>
        %dma_wait3A_70 = arith.constant 0 : i32
        %dma_wait3A_71 = arith.constant 0 : i32
        %dma_wait3A_72 = tpu.memref_slice %arg8[%dma_wait3A_70, %dma_wait3A_71] : memref<72x144xf32, #tpu.memory_space<vmem>> -> memref<64x144xf32, #tpu.memory_space<vmem>>
        tpu.wait_dma2 semaphore(%run_scoped3A : memref<!tpu.dma_semaphore, #tpu.memory_space<semaphore_mem>>) src(%dma_wait3A_72 : memref<64x144xf32, #tpu.memory_space<vmem>>) dst(%dma_wait3A_69 : memref<64x144xf32, #tpu.memory_space<hbm>>)
        tpu.yield
      }) : () -> ()
      %scan3A_49 = arith.constant 0 : i32
      scf.yield %scan3A_49 : i32
    }
    %scan3A_37 = arith.constant 10 : i32
    "tpu.trace_stop"() : () -> ()
    return
  }
}

module attributes {stable_mosaic.version = 14 : i64} {
  func.func @_proj_body(%arg0: i32, %arg1: i32, %arg2: memref<1024x128xf32, #tpu.memory_space<vmem>>, %arg3: memref<128x128xf32, #tpu.memory_space<vmem>>, %arg4: memref<1x128xf32, #tpu.memory_space<vmem>>, %arg5: memref<1x128x16xf32, #tpu.memory_space<vmem>>, %arg6: memref<1x1024x144xf32, #tpu.memory_space<vmem>>, %arg7: memref<1x1024x16xf32, #tpu.memory_space<vmem>>) attributes {dimension_semantics = [#tpu.dimension_semantics<arbitrary>, #tpu.dimension_semantics<arbitrary>], iteration_bounds = array<i64: 2, 10>, scalar_prefetch = 0 : i64, scratch_operands = 0 : i64, tpu.core_type = #tpu.core_type<tc>, window_params = [{transform_indices = @transform_0, window_bounds = array<i64: 1024, 128>}, {pipeline_mode = #tpu.pipeline_mode<synchronous>, transform_indices = @transform_1, window_bounds = array<i64: 128, 128>}, {pipeline_mode = #tpu.pipeline_mode<synchronous>, transform_indices = @transform_2, window_bounds = array<i64: 1, 128>}, {transform_indices = @transform_3, window_bounds = array<i64: 1, 128, 16>}, {transform_indices = @transform_4, window_bounds = array<i64: 1, 1024, 144>}, {transform_indices = @transform_5, window_bounds = array<i64: 1, 1024, 16>}]} {
    %get3A = arith.constant 0 : index
    %get3A_0 = arith.constant 0 : index
    %get3A_1 = vector.load %arg2[%get3A, %get3A_0] : memref<1024x128xf32, #tpu.memory_space<vmem>>, vector<1024x128xf32>
    %get3A_2 = arith.constant 0 : index
    %get3A_3 = arith.constant 0 : index
    %get3A_4 = vector.load %arg3[%get3A_2, %get3A_3] : memref<128x128xf32, #tpu.memory_space<vmem>>, vector<128x128xf32>
    %dot_general3A = arith.constant dense<0.000000e+00> : vector<1024x128xf32>
    %dot_general3A_5 = tpu.matmul %get3A_1, %get3A_4, %dot_general3A {dimension_numbers = #tpu.dot_dimension_numbers<[1], [0], [0], [1], [0, 0, 1, 1], [], []>, transpose_lhs_hint = false} : vector<1024x128xf32>, vector<128x128xf32>, vector<1024x128xf32> -> vector<1024x128xf32>
    %get3A_6 = arith.constant 0 : index
    %get3A_7 = arith.constant 0 : index
    %get3A_8 = vector.load %arg4[%get3A_6, %get3A_7] : memref<1x128xf32, #tpu.memory_space<vmem>>, vector<1x128xf32>
    %add3A = vector.broadcast %get3A_8 : vector<1x128xf32> to vector<1024x128xf32>
    %add3A_9 = arith.addf %dot_general3A_5, %add3A : vector<1024x128xf32>
    %get3A_10 = arith.constant 0 : index
    %get3A_11 = arith.constant 0 : index
    %get3A_12 = arith.constant 0 : index
    %get3A_13 = vector.load %arg5[%get3A_10, %get3A_11, %get3A_12] : memref<1x128x16xf32, #tpu.memory_space<vmem>>, vector<1x128x16xf32>
    %get3A_14 = vector.shape_cast %get3A_13 : vector<1x128x16xf32> to vector<128x16xf32>
    %dot_general3A_15 = arith.constant dense<0.000000e+00> : vector<1024x16xf32>
    %dot_general3A_16 = tpu.matmul %add3A_9, %get3A_14, %dot_general3A_15 {dimension_numbers = #tpu.dot_dimension_numbers<[1], [0], [0], [1], [0, 0, 1, 1], [], []>, transpose_lhs_hint = false} : vector<1024x128xf32>, vector<128x16xf32>, vector<1024x16xf32> -> vector<1024x16xf32>
    %broadcast_in_dim3A = arith.constant 0.000000e+00 : f32
    %broadcast_in_dim3A_17 = vector.broadcast %broadcast_in_dim3A : f32 to vector<1024x8xf32>
    %slice3A = vector.extract_strided_slice %dot_general3A_16 {offsets = [0, 0], sizes = [1024, 8], strides = [1, 1]} : vector<1024x16xf32> to vector<1024x8xf32>
    %concatenate3A = tpu.concatenate %add3A_9, %slice3A, %broadcast_in_dim3A_17 in 1 : vector<1024x128xf32>, vector<1024x8xf32>, vector<1024x8xf32> -> vector<1024x144xf32>
    %broadcast_in_dim3A_18 = vector.shape_cast %concatenate3A : vector<1024x144xf32> to vector<1x1024x144xf32>
    %swap3A = arith.constant 0 : index
    %swap3A_19 = arith.constant 0 : index
    %swap3A_20 = arith.constant 0 : index
    %swap3A_21 = vector.load %arg6[%swap3A, %swap3A_19, %swap3A_20] : memref<1x1024x144xf32, #tpu.memory_space<vmem>>, vector<1x1024x144xf32>
    tpu.vector_store %arg6[%swap3A, %swap3A_19, %swap3A_20], %broadcast_in_dim3A_18 {strides = array<i32>} : memref<1x1024x144xf32, #tpu.memory_space<vmem>>, vector<1x1024x144xf32>,
    %slice3A_22 = vector.extract_strided_slice %dot_general3A_16 {offsets = [0, 8], sizes = [1024, 8], strides = [1, 1]} : vector<1024x16xf32> to vector<1024x8xf32>
    %concatenate3A_23 = tpu.concatenate %slice3A_22, %broadcast_in_dim3A_17 in 1 : vector<1024x8xf32>, vector<1024x8xf32> -> vector<1024x16xf32>
    %broadcast_in_dim3A_24 = vector.shape_cast %concatenate3A_23 : vector<1024x16xf32> to vector<1x1024x16xf32>
    %swap3A_25 = arith.constant 0 : index
    %swap3A_26 = arith.constant 0 : index
    %swap3A_27 = arith.constant 0 : index
    %swap3A_28 = vector.load %arg7[%swap3A_25, %swap3A_26, %swap3A_27] : memref<1x1024x16xf32, #tpu.memory_space<vmem>>, vector<1x1024x16xf32>
    tpu.vector_store %arg7[%swap3A_25, %swap3A_26, %swap3A_27], %broadcast_in_dim3A_24 {strides = array<i32>} : memref<1x1024x16xf32, #tpu.memory_space<vmem>>, vector<1x1024x16xf32>,
    return
  }
  func.func @transform_0(%arg0: i32, %arg1: i32) -> (i32, i32) {
    %c0_i32 = arith.constant 0 : i32
    %c0_i32_0 = arith.constant 0 : i32
    return %arg1, %c0_i32 : i32, i32
  }
  func.func @transform_1(%arg0: i32, %arg1: i32) -> (i32, i32) {
    %c0_i32 = arith.constant 0 : i32
    %c0_i32_0 = arith.constant 0 : i32
    %c0_i32_1 = arith.constant 0 : i32
    return %c0_i32, %c0_i32_0 : i32, i32
  }
  func.func @transform_2(%arg0: i32, %arg1: i32) -> (i32, i32) {
    %c0_i32 = arith.constant 0 : i32
    %c0_i32_0 = arith.constant 0 : i32
    %c0_i32_1 = arith.constant 0 : i32
    return %c0_i32, %c0_i32_0 : i32, i32
  }
  func.func @transform_3(%arg0: i32, %arg1: i32) -> (i32, i32, i32) {
    %c0_i32 = arith.constant 0 : i32
    %c0_i32_0 = arith.constant 0 : i32
    %c0_i32_1 = arith.constant 0 : i32
    return %arg0, %c0_i32, %c0_i32_0 : i32, i32, i32
  }
  func.func @transform_4(%arg0: i32, %arg1: i32) -> (i32, i32, i32) {
    %c0_i32 = arith.constant 0 : i32
    %c0_i32_0 = arith.constant 0 : i32
    return %arg0, %arg1, %c0_i32 : i32, i32, i32
  }
  func.func @transform_5(%arg0: i32, %arg1: i32) -> (i32, i32, i32) {
    %c0_i32 = arith.constant 0 : i32
    %c0_i32_0 = arith.constant 0 : i32
    return %arg0, %arg1, %c0_i32 : i32, i32, i32
  }
}

module attributes {stable_mosaic.version = 14 : i64} {
  func.func @_sem_score_body(%arg0: i32, %arg1: i32, %arg2: memref<1x1000x144xf32, #tpu.memory_space<vmem>>, %arg3: memref<128x128xf32, #tpu.memory_space<vmem>>, %arg4: memref<1x128xf32, #tpu.memory_space<vmem>>, %arg5: memref<1x128xf32, #tpu.memory_space<vmem>>, %arg6: memref<1x2xf32, #tpu.memory_space<vmem>>) attributes {dimension_semantics = [#tpu.dimension_semantics<arbitrary>, #tpu.dimension_semantics<arbitrary>], iteration_bounds = array<i64: 2, 10>, scalar_prefetch = 0 : i64, scratch_operands = 0 : i64, tpu.core_type = #tpu.core_type<tc>, window_params = [{transform_indices = @transform_0, window_bounds = array<i64: 1, 1000, 144>}, {pipeline_mode = #tpu.pipeline_mode<synchronous>, transform_indices = @transform_1, window_bounds = array<i64: 128, 128>}, {pipeline_mode = #tpu.pipeline_mode<synchronous>, transform_indices = @transform_2, window_bounds = array<i64: 1, 128>}, {pipeline_mode = #tpu.pipeline_mode<synchronous>, transform_indices = @transform_3, window_bounds = array<i64: 1, 128>}, {pipeline_mode = #tpu.pipeline_mode<synchronous>, transform_indices = @transform_4, window_bounds = array<i64: 1, 2>}]} {
    %get3A = arith.constant 0 : index
    %get3A_0 = arith.constant 0 : index
    %get3A_1 = arith.constant 0 : index
    %get3A_2 = vector.load %arg2[%get3A, %get3A_0, %get3A_1] : memref<1x1000x144xf32, #tpu.memory_space<vmem>>, vector<1x1000x128xf32>
    %get3A_3 = vector.shape_cast %get3A_2 : vector<1x1000x128xf32> to vector<1000x128xf32>
    %get3A_4 = arith.constant 0 : index
    %get3A_5 = arith.constant 0 : index
    %get3A_6 = vector.load %arg3[%get3A_4, %get3A_5] : memref<128x128xf32, #tpu.memory_space<vmem>>, vector<128x128xf32>
    %dot_general3A = arith.constant dense<0.000000e+00> : vector<1000x128xf32>
    %dot_general3A_7 = tpu.matmul %get3A_3, %get3A_6, %dot_general3A {dimension_numbers = #tpu.dot_dimension_numbers<[1], [0], [0], [1], [0, 0, 1, 1], [], []>, transpose_lhs_hint = false} : vector<1000x128xf32>, vector<128x128xf32>, vector<1000x128xf32> -> vector<1000x128xf32>
    %get3A_8 = arith.constant 0 : index
    %get3A_9 = arith.constant 0 : index
    %get3A_10 = vector.load %arg4[%get3A_8, %get3A_9] : memref<1x128xf32, #tpu.memory_space<vmem>>, vector<1x128xf32>
    %add3A = vector.broadcast %get3A_10 : vector<1x128xf32> to vector<1000x128xf32>
    %add3A_11 = arith.addf %dot_general3A_7, %add3A : vector<1000x128xf32>
    %tanh3A = math.tanh %add3A_11 : vector<1000x128xf32>
    %get3A_12 = arith.constant 0 : index
    %get3A_13 = arith.constant 0 : index
    %get3A_14 = vector.load %arg5[%get3A_12, %get3A_13] : memref<1x128xf32, #tpu.memory_space<vmem>>, vector<1x128xf32>
    %mul3A = vector.broadcast %get3A_14 : vector<1x128xf32> to vector<1000x128xf32>
    %mul3A_15 = arith.mulf %tanh3A, %mul3A : vector<1000x128xf32>
    %reduce_sum3A = vector.shape_cast %mul3A_15 : vector<1000x128xf32> to vector<1x1000x128xf32>
    %reduce_sum3A_16 = arith.constant dense<0.000000e+00> : vector<1xf32>
    %reduce_sum3A_17 = vector.multi_reduction <add>, %reduce_sum3A, %reduce_sum3A_16 [1, 2] : vector<1x1000x128xf32> to vector<1xf32>
    %reduce_sum3A_18 = vector.shape_cast %reduce_sum3A_17 : vector<1xf32> to vector<1x1x1xf32>
    %reduce_sum3A_19 = vector.extract %reduce_sum3A_18[0, 0, 0] : f32 from vector<1x1x1xf32>
    %eq3A = arith.constant 0 : i32
    %eq3A_20 = arith.cmpi eq, %arg0, %eq3A : i32
    %eq3A_21 = arith.constant 0 : i32
    %eq3A_22 = arith.cmpi eq, %arg1, %eq3A_21 : i32
    %and3A = arith.andi %eq3A_20, %eq3A_22 : i1
    %convert_element_type3A = arith.extui %and3A : i1 to i32
    %cond3A = arith.constant 0 : i32
    %cond3A_23 = arith.cmpi ne, %convert_element_type3A, %cond3A : i32
    scf.if %cond3A_23 {
      %broadcast_in_dim3A_33 = arith.constant 0.000000e+00 : f32
      %broadcast_in_dim3A_34 = vector.broadcast %broadcast_in_dim3A_33 : f32 to vector<1x2xf32>
      %swap3A_35 = arith.constant 0 : index
      %swap3A_36 = arith.constant 0 : index
      %swap3A_37 = vector.load %arg6[%swap3A_35, %swap3A_36] : memref<1x2xf32, #tpu.memory_space<vmem>>, vector<1x2xf32>
      tpu.vector_store %arg6[%swap3A_35, %swap3A_36], %broadcast_in_dim3A_34 {strides = array<i32>} : memref<1x2xf32, #tpu.memory_space<vmem>>, vector<1x2xf32>,
    } else {
    }
    %iota3A = tpu.iota {dimensions = array<i32: 1>} : vector<1x2xi32>
    %eq3A_24 = vector.broadcast %arg0 : i32 to vector<1x2xi32>
    %eq3A_25 = arith.cmpi eq, %iota3A, %eq3A_24 : vector<1x2xi32>
    %get3A_26 = arith.constant 0 : index
    %get3A_27 = arith.constant 0 : index
    %get3A_28 = vector.load %arg6[%get3A_26, %get3A_27] : memref<1x2xf32, #tpu.memory_space<vmem>>, vector<1x2xf32>
    %jit3A = arith.constant 0.000000e+00 : f32
    %broadcast_in_dim3A = vector.broadcast %reduce_sum3A_19 : f32 to vector<1x2xf32>
    %broadcast_in_dim3A_29 = vector.broadcast %jit3A : f32 to vector<1x2xf32>
    %select_n3A = arith.select %eq3A_25, %broadcast_in_dim3A, %broadcast_in_dim3A_29 : vector<1x2xi1>, vector<1x2xf32>
    %add3A_30 = arith.addf %get3A_28, %select_n3A : vector<1x2xf32>
    %swap3A = arith.constant 0 : index
    %swap3A_31 = arith.constant 0 : index
    %swap3A_32 = vector.load %arg6[%swap3A, %swap3A_31] : memref<1x2xf32, #tpu.memory_space<vmem>>, vector<1x2xf32>
    tpu.vector_store %arg6[%swap3A, %swap3A_31], %add3A_30 {strides = array<i32>} : memref<1x2xf32, #tpu.memory_space<vmem>>, vector<1x2xf32>,
    return
  }
  func.func @transform_0(%arg0: i32, %arg1: i32) -> (i32, i32, i32) {
    %c0_i32 = arith.constant 0 : i32
    %c0_i32_0 = arith.constant 0 : i32
    return %arg0, %arg1, %c0_i32 : i32, i32, i32
  }
  func.func @transform_1(%arg0: i32, %arg1: i32) -> (i32, i32) {
    %c0_i32 = arith.constant 0 : i32
    %c0_i32_0 = arith.constant 0 : i32
    %c0_i32_1 = arith.constant 0 : i32
    return %c0_i32, %c0_i32_0 : i32, i32
  }
  func.func @transform_2(%arg0: i32, %arg1: i32) -> (i32, i32) {
    %c0_i32 = arith.constant 0 : i32
    %c0_i32_0 = arith.constant 0 : i32
    %c0_i32_1 = arith.constant 0 : i32
    return %c0_i32, %c0_i32_0 : i32, i32
  }
  func.func @transform_3(%arg0: i32, %arg1: i32) -> (i32, i32) {
    %c0_i32 = arith.constant 0 : i32
    %c0_i32_0 = arith.constant 0 : i32
    %c0_i32_1 = arith.constant 0 : i32
    return %c0_i32, %c0_i32_0 : i32, i32
  }
  func.func @transform_4(%arg0: i32, %arg1: i32) -> (i32, i32) {
    %c0_i32 = arith.constant 0 : i32
    %c0_i32_0 = arith.constant 0 : i32
    %c0_i32_1 = arith.constant 0 : i32
    return %c0_i32, %c0_i32_0 : i32, i32
  }
}

module attributes {stable_mosaic.version = 14 : i64} {
  func.func @_final_body(%arg0: i32, %arg1: memref<1x2xf32, #tpu.memory_space<smem>>, %arg2: memref<2x1000x144xf32, #tpu.memory_space<vmem>>, %arg3: memref<128x3xf32, #tpu.memory_space<vmem>>, %arg4: memref<1x3xf32, #tpu.memory_space<vmem>>, %arg5: memref<1000x3xf32, #tpu.memory_space<vmem>>) attributes {dimension_semantics = [#tpu.dimension_semantics<arbitrary>], iteration_bounds = array<i64: 10>, scalar_prefetch = 0 : i64, scratch_operands = 0 : i64, tpu.core_type = #tpu.core_type<tc>, window_params = [{transform_indices = @transform_0, window_bounds = array<i64: 1, 2>}, {transform_indices = @transform_1, window_bounds = array<i64: 2, 1000, 144>}, {pipeline_mode = #tpu.pipeline_mode<synchronous>, transform_indices = @transform_2, window_bounds = array<i64: 128, 3>}, {pipeline_mode = #tpu.pipeline_mode<synchronous>, transform_indices = @transform_3, window_bounds = array<i64: 1, 3>}, {transform_indices = @transform_4, window_bounds = array<i64: 1000, 3>}]} {
    %get3A = arith.constant 0 : index
    %get3A_0 = arith.constant 0 : index
    %get3A_1 = memref.load %arg1[%get3A, %get3A_0] : memref<1x2xf32, #tpu.memory_space<smem>>
    %get3A_2 = arith.constant 0 : index
    %get3A_3 = arith.constant 1 : index
    %get3A_4 = memref.load %arg1[%get3A_2, %get3A_3] : memref<1x2xf32, #tpu.memory_space<smem>>
    %max3A = arith.maximumf %get3A_1, %get3A_4 : f32
    %sub3A = arith.subf %get3A_1, %max3A : f32
    %exp3A = math.exp %sub3A : f32
    %sub3A_5 = arith.subf %get3A_4, %max3A : f32
    %exp3A_6 = math.exp %sub3A_5 : f32
    %add3A = arith.addf %exp3A, %exp3A_6 : f32
    %div3A = arith.divf %exp3A, %add3A : f32
    %add3A_7 = arith.addf %exp3A, %exp3A_6 : f32
    %div3A_8 = arith.divf %exp3A_6, %add3A_7 : f32
    %get3A_9 = arith.constant 0 : index
    %get3A_10 = arith.constant 0 : index
    %get3A_11 = arith.constant 0 : index
    %get3A_12 = vector.load %arg2[%get3A_9, %get3A_10, %get3A_11] : memref<2x1000x144xf32, #tpu.memory_space<vmem>>, vector<1x1000x128xf32>
    %get3A_13 = vector.shape_cast %get3A_12 : vector<1x1000x128xf32> to vector<1000x128xf32>
    %mul3A = vector.broadcast %div3A : f32 to vector<1000x128xf32>
    %mul3A_14 = arith.mulf %mul3A, %get3A_13 : vector<1000x128xf32>
    %get3A_15 = arith.constant 1 : index
    %get3A_16 = arith.constant 0 : index
    %get3A_17 = arith.constant 0 : index
    %get3A_18 = vector.load %arg2[%get3A_15, %get3A_16, %get3A_17] : memref<2x1000x144xf32, #tpu.memory_space<vmem>>, vector<1x1000x128xf32>
    %get3A_19 = vector.shape_cast %get3A_18 : vector<1x1000x128xf32> to vector<1000x128xf32>
    %mul3A_20 = vector.broadcast %div3A_8 : f32 to vector<1000x128xf32>
    %mul3A_21 = arith.mulf %mul3A_20, %get3A_19 : vector<1000x128xf32>
    %add3A_22 = arith.addf %mul3A_14, %mul3A_21 : vector<1000x128xf32>
    %get3A_23 = arith.constant 0 : index
    %get3A_24 = arith.constant 0 : index
    %get3A_25 = vector.load %arg3[%get3A_23, %get3A_24] : memref<128x3xf32, #tpu.memory_space<vmem>>, vector<128x3xf32>
    %dot_general3A = arith.constant dense<0.000000e+00> : vector<1000x3xf32>
    %dot_general3A_26 = tpu.matmul %add3A_22, %get3A_25, %dot_general3A {dimension_numbers = #tpu.dot_dimension_numbers<[1], [0], [0], [1], [0, 0, 1, 1], [], []>, transpose_lhs_hint = false} : vector<1000x128xf32>, vector<128x3xf32>, vector<1000x3xf32> -> vector<1000x3xf32>
    %get3A_27 = arith.constant 0 : index
    %get3A_28 = arith.constant 0 : index
    %get3A_29 = vector.load %arg4[%get3A_27, %get3A_28] : memref<1x3xf32, #tpu.memory_space<vmem>>, vector<1x3xf32>
    %add3A_30 = vector.broadcast %get3A_29 : vector<1x3xf32> to vector<1000x3xf32>
    %add3A_31 = arith.addf %dot_general3A_26, %add3A_30 : vector<1000x3xf32>
    %swap3A = arith.constant 0 : index
    %swap3A_32 = arith.constant 0 : index
    %swap3A_33 = vector.load %arg5[%swap3A, %swap3A_32] : memref<1000x3xf32, #tpu.memory_space<vmem>>, vector<1000x3xf32>
    tpu.vector_store %arg5[%swap3A, %swap3A_32], %add3A_31 {strides = array<i32>} : memref<1000x3xf32, #tpu.memory_space<vmem>>, vector<1000x3xf32>,
    return
  }
  func.func @transform_0(%arg0: i32) -> (i32, i32) {
    %c0_i32 = arith.constant 0 : i32
    %c0_i32_0 = arith.constant 0 : i32
    %c0_i32_1 = arith.constant 0 : i32
    return %c0_i32, %c0_i32_0 : i32, i32
  }
  func.func @transform_1(%arg0: i32) -> (i32, i32, i32) {
    %c0_i32 = arith.constant 0 : i32
    %c0_i32_0 = arith.constant 0 : i32
    %c0_i32_1 = arith.constant 0 : i32
    return %c0_i32, %arg0, %c0_i32_0 : i32, i32, i32
  }
  func.func @transform_2(%arg0: i32) -> (i32, i32) {
    %c0_i32 = arith.constant 0 : i32
    %c0_i32_0 = arith.constant 0 : i32
    %c0_i32_1 = arith.constant 0 : i32
    return %c0_i32, %c0_i32_0 : i32, i32
  }
  func.func @transform_3(%arg0: i32) -> (i32, i32) {
    %c0_i32 = arith.constant 0 : i32
    %c0_i32_0 = arith.constant 0 : i32
    %c0_i32_1 = arith.constant 0 : i32
    return %c0_i32, %c0_i32_0 : i32, i32
  }
  func.func @transform_4(%arg0: i32) -> (i32, i32) {
    %c0_i32 = arith.constant 0 : i32
    %c0_i32_0 = arith.constant 0 : i32
    return %arg0, %c0_i32 : i32, i32
  }
}

</mosaic_0001>

<sc_bundles>
// kernel: kernel.6.cloned.1.call-start
scs
__scs_entry_jumppad:
0x0: {  	(pc) =	sbr.rel $0x88, $3  }
0x1: {  	(tag) =	ssettag $0x0;
	lr =	simm.s32 $0x1  }
0x2: {  	[smem:$0x3F93] =	sst lr;
	_ =	strace $0xD0000000  }
0x3: {  	_ = 	snop  }
0x4: {  	_ = 	snop  }
0x5: {  	_ = 	snop  }
0x6: {  	_ = 	snop  }
0x7: {  	_ = 	snop  }
__scs_overlays_trampoline_lowered:
0x8: {  	[smem:$0x3FA2] =	sst s0  }
0x9: {  	[smem:$0x3FA3] =	sst s1  }
0xa: {  	[smem:$0x3FA4] =	sst s2  }
0xb: {  	[smem:$0x3FA5] =	sst s3  }
0xc: {  	[smem:$0x3FA6] =	sst s4  }
0xd: {  	[smem:$0x3FA7] =	sst s5  }
0xe: {  	[smem:$0x3FA8] =	sst s6  }
0xf: {  	[smem:$0x3FA9] =	sst s7  }
0x10: {  	[smem:$0x3FAA] =	sst s8  }
0x11: {  	[smem:$0x3FAB] =	sst s9;
	s0 =	simm.s32 @!p0 $0x0  }
0x12: {  	s1 =	sld [smem:$0x3F91];
	s0 =	simm.s32 @p0 $0x1  }
0x13: {  	[smem:$0x3FAC] =	sst s0;
	s0 =	simm.s32 @!p1 $0x0  }
0x14: {  	s2 =	sld [smem:$0x3F90];
	s0 =	simm.s32 @p1 $0x1  }
0x15: {  	[smem:$0x3FAD] =	sst s0;
	s0 =	simm.s32 @!p2 $0x0  }
0x16: {  	s3 =	sld [smem:$0x3FDB];
	s0 =	simm.s32 @p2 $0x1  }
0x17: {  	s4 =	simm.s32 $0x1BF5;
	[smem:$0x3FAF] =	sst s0  }
0x18: {  	s0 =	sld [smem:$0x3F92];
	_ =	swait.ge [sflag:s4], $0x0  }
0x19: {  	s7 =	sld [smem:$0x3F93]  }
0x1a: {  	s8 =	sadd.s32 $0xFFFFE003, lr  }
0x1b: {  	s9 =	sadd.s32 $0xFFFFFEF7, lr;
	s5 =	simm.s32 $0xFFFFFFFF;
	p2 =	slt.u32 s8, $0xFFFFF086  }
0x1c: {  	p1 =	slt.u32 s9, $0xF7A;
	s5 =	simm.s32 @!p2 $0x0  }
0x1d: {  	s5 =	simm.s32 @p1 $0x1;
	p0 =	seq.s32 s7, s2  }
0x1e: {  	s7 =	smul.u32 @!p0 $0xF7A, s2;
	p2 =	seq.s32 @!p0 s5, $0x0  }
0x1f: {  	s9 =	smul.u32 $0xF7A, s1;
	s8 =	simm.s32 @!p0 $0x1BF5;
	p2 =	por !p2, p0  }
0x20: {  	[sflag:s8] =	ssyncset.s32 @!p0 $0xFFFFF086;
	s6 =	sadd.s32 @!p0 s3, s7;
	s7 =	simm.s32 @!p0 $0x108  }
0x21: {  	s3 =	sadd.s32 s3, s9;
	s6 =	sadd.s32 @!p0 $0x88, s6;
	s7 =	simm.s32 @p2 $0x1082  }
0x22: {  	[simem:s7], [sflag:s8] =	dma.local @!p0 [hbm:s6], $0xF7A  }
0x23: {  	s9 =	sor.u32 $0xD0000000, s2;
	s6 =	simm.s32 $0x108;
	_ =	swait.ge @!p0 [sflag:s8], $0x0  }
0x24: {  	s3 =	sadd.s32 $0x88, s3;
	s6 =	simm.s32 @!p1 $0x1082;
	[sflag:s4] =	ssyncset.s32 $0xFFFFF086  }
0x25: {  	[simem:s6], [sflag:s4] =	dma.local [hbm:s3], $0xF7A  }
0x26: {  	[smem:$0x3F93] =	sst s1;
	(tag) =	ssettag s2;
	_ =	strace s9  }
0x27: {  	s1 =	sld [smem:$0x3FA3]  }
0x28: {  	s2 =	sld [smem:$0x3FA4]  }
0x29: {  	s4 =	sld [smem:$0x3FA6]  }
0x2a: {  	p0 =	seq.s32 s5, $0x0;
	s5 =	sld [smem:$0x3FA7]  }
0x2b: {  	s6 =	sld [smem:$0x3FA8]  }
0x2c: {  	s7 =	sld [smem:$0x3FA9]  }
0x2d: {  	s3 =	simm.s32 $0x108;
	s8 =	sld [smem:$0x3FAA]  }
0x2e: {  	s3 =	simm.s32 @!p0 $0x1082;
	s9 =	sld [smem:$0x3FAB]  }
0x2f: {  	lr =	sadd.s32 s0, s3;
	s0 =	sld [smem:$0x3FA2]  }
0x30: {  	s3 =	sld [smem:$0x3FA5]  }
0x31: {  	[smem:$0x3FAE] =	sst s10  }
0x32: {  	s10 =	sld [smem:$0x3FAC];
	_ =	sdelay $0x3  }
0x33: {  	p0 =	seq.s32 s10, $0x1;
	s10 =	sld [smem:$0x3FAE];
	_ =	sdelay $0x3  }
0x34: {  	[smem:$0x3FAE] =	sst s10  }
0x35: {  	s10 =	sld [smem:$0x3FAD];
	_ =	sdelay $0x3  }
0x36: {  	p1 =	seq.s32 s10, $0x1;
	s10 =	sld [smem:$0x3FAE];
	_ =	sdelay $0x3  }
0x37: {  	[smem:$0x3FAE] =	sst s10  }
0x38: {  	s10 =	sld [smem:$0x3FAF]  }
0x39: {  	_ = 	snop;
	(pc) =	sbr.ind lr, $3  }
0x3a: {  	_ = 	snop  }
0x3b: {  	_ = 	snop  }
0x3c: {  	p2 =	seq.s32 s10, $0x1;
	s10 =	sld [smem:$0x3FAE]  }
0x3d: {  	_ =	shalt  }
0x3e: {  	_ =	shalt  }
0x3f: {  	_ =	shalt  }
0x40: {  	_ =	shalt  }
0x41: {  	_ =	shalt  }
0x42: {  	_ =	shalt  }
0x43: {  	_ =	shalt  }
0x44: {  	_ =	shalt  }
0x45: {  	_ =	shalt  }
0x46: {  	_ =	shalt  }
0x47: {  	_ =	shalt  }
0x48: {  	_ =	shalt  }
0x49: {  	_ =	shalt  }
0x4a: {  	_ =	shalt  }
0x4b: {  	_ =	shalt  }
0x4c: {  	_ =	shalt  }
0x4d: {  	_ =	shalt  }
0x4e: {  	_ =	shalt  }
0x4f: {  	_ =	shalt  }
0x50: {  	_ =	shalt  }
0x51: {  	_ =	shalt  }
0x52: {  	_ =	shalt  }
0x53: {  	_ =	shalt  }
0x54: {  	_ =	shalt  }
0x55: {  	_ =	shalt  }
0x56: {  	_ =	shalt  }
0x57: {  	_ =	shalt  }
0x58: {  	_ =	shalt  }
0x59: {  	_ =	shalt  }
0x5a: {  	_ =	shalt  }
0x5b: {  	_ =	shalt  }
0x5c: {  	_ =	shalt  }
0x5d: {  	_ =	shalt  }
0x5e: {  	_ =	shalt  }
0x5f: {  	_ =	shalt  }
0x60: {  	_ =	shalt  }
0x61: {  	_ =	shalt  }
0x62: {  	_ =	shalt  }
0x63: {  	_ =	shalt  }
0x64: {  	_ =	shalt  }
0x65: {  	_ =	shalt  }
0x66: {  	_ =	shalt  }
0x67: {  	_ =	shalt  }
0x68: {  	_ =	shalt  }
0x69: {  	_ =	shalt  }
0x6a: {  	_ =	shalt  }
0x6b: {  	_ =	shalt  }
0x6c: {  	_ =	shalt  }
0x6d: {  	_ =	shalt  }
0x6e: {  	_ =	shalt  }
0x6f: {  	_ =	shalt  }
0x70: {  	_ =	shalt  }
0x71: {  	_ =	shalt  }
0x72: {  	_ =	shalt  }
0x73: {  	_ =	shalt  }
0x74: {  	_ =	shalt  }
0x75: {  	_ =	shalt  }
0x76: {  	_ =	shalt  }
0x77: {  	_ =	shalt  }
0x78: {  	_ =	shalt  }
0x79: {  	_ =	shalt  }
0x7a: {  	_ =	shalt  }
0x7b: {  	_ =	shalt  }
0x7c: {  	_ =	shalt  }
0x7d: {  	_ =	shalt  }
0x7e: {  	_ =	shalt  }
0x7f: {  	_ =	shalt  }
0x80: {  	_ =	shalt  }
0x81: {  	_ =	shalt  }
0x82: {  	_ =	shalt  }
0x83: {  	_ =	shalt  }
0x84: {  	_ =	shalt  }
0x85: {  	_ =	shalt  }
0x86: {  	_ =	shalt  }
0x87: {  	_ =	shalt  }
.Lfunc_end0:
.L_simem_size_0:
called_computation_lowered:
.L_overlay_start_0:
0x88: {  	s2 =	sld [smem:$0x3FD9]  }
0x89: {  	s3 =	sld [smem:$0x3FFE];
	_ =	sdelay $0x1  }
0x8a: {  	s1 =	srdreg.scid  }
0x8b: {  	s0 =	sand.u32 $0x1, s1  }
0x8c: {  	s16 =	sshll.u32 s0, $0xA;
	s2 =	sadd.s32 s3, s2  }
0x8d: {  	s2 =	sadd.s32 s2, s16  }
0x8e: {  	[smem:$0x3FBA] =	sst s2  }
0x8f: {  	_ = 	snop  }
0x90: {  	(tm) =	ssettm $0x1  }
0x91: {  	s17 =	sld [smem:$0x3FFB];
	_ =	sdelay $0x3  }
0x92: {  	_ =	strace s17  }
0x93: {  	s2 =	sld [smem:$0x3FFC];
	_ =	sdelay $0x3  }
0x94: {  	_ =	strace s2  }
0x95: {  	s2 =	sld [smem:$0x3FFD];
	_ =	sdelay $0x3  }
0x96: {  	_ =	strace s2  }
0x97: {  	_ =	strace $0x8FFFFFFF  }
0x98: {  	s18 =	sld [smem:$0x3FDB];
	_ =	sdelay $0x1  }
0x99: {  	s19 =	simm.s32 $_scs_section_size  }
0x9a: {  	s4 =	simm.s32 $_size__tile_overlayer_lowered;
	s5 =	simm.s32 $_tile_overlayer_lowered  }
0x9b: {  	s22 =	simm.s32 $0x1BFF;
	s21 =	sshll.u32 s5, $0x1;
	s2 =	sadd.s32 s19, s18  }
0x9c: {  	s6 =	simm.s32 $0x0;
	s20 =	sshll.u32 s4, $0x1;
	s4 =	sadd.s32 s21, s2  }
0x9d: {  	[timem:s6], [sflag:s22] =	dma.local [hbm:s4], s20  }
0x9e: {  	_ =	swait.ge [sflag:s22], s20  }
0x9f: {  	s3 =	ssub.s32 $0x0, s20;
	[sflag:s22] =	ssyncset.done $0x0  }
0xa0: {  	[sflag:s22] =	ssyncadd.s32 s3;
	_ =	sdelay $0x1  }
0xa1: {  	s23 =	simm.s32 $0x1B8B  }
0xa2: {  	_ =	swait.ge [sflag:s23], $0x1  }
0xa3: {  	[sflag:s23] =	ssyncset.done $0x0  }
0xa4: {  	s25 =	simm.s32 $0x1B8E;
	s24 =	sld [smem:$0x3FFE];
	[sflag:s23] =	ssyncadd.s32 $0xFFFFFFFF  }
0xa5: {  	s26 =	simm.s32 $execute0_lowered;
	[smem:$0x3FD2] =	sst s25  }
0xa6: {  	s4 =	sshll.u32 s26, $0x1;
	_ =	strace $0x80000046;
	[dreg:$0x1] =	wrdreg $0xFFFFFFFF  }
0xa7: {  	s28 =	simm.s32 $_size_execute0_lowered;
	s2 =	sadd.s32 s2, s4;
	[dreg:$0x0] =	wrdreg $0x0  }
0xa8: {  	s4 =	sshll.u32 s28, $0x1;
	[dreg:$0x2] =	wrdreg s2  }
0xa9: {  	[dreg:$0x3] =	wrdreg s4  }
0xaa: {  	[dreg:$0x4] =	wrdreg $0xC0  }
0xab: {  	_ =	task [dreg:s6], $0x5FFFF  }
0xac: {  	[dreg:$0x1] =	wrdreg $0xFFFFFFFF  }
0xad: {  	[dreg:$0x0] =	wrdreg $0x60  }
0xae: {  	[dreg:$0x2] =	wrdreg s24  }
0xaf: {  	[dreg:$0x3] =	wrdreg $0x0  }
0xb0: {  	[dreg:$0x4] =	wrdreg $0x9  }
0xb1: {  	_ =	task.clear_ibuf [dreg:s6], $0x5FFFF;
	_ =	strace $0x90000046  }
0xb2: {  	s29 =	simm.s32 $0x9;
	_ =	strace $0x8000004B  }
0xb3: {  	_ =	swait.ge [sflag:s29], $0x1  }
0xb4: {  	[sflag:s29] =	ssyncadd.s32 $0xFFFFFFFF  }
0xb5: {  	_ =	strace $0x9000004B  }
0xb6: {  	_ =	sfence  }
0xb7: {  	s30 =	sld [smem:$0x0];
	_ =	sdelay $0x2  }
0xb8: {  	s31 =	sshll.u32 s1, $0xD;
	s1 =	sshrl.u32 s1, $0x2  }
0xb9: {  	s3 =	sand.u32 $0x4000, s31;
	s1 =	sadd.s32 s1, s30  }
0xba: {  	s0 =	sor.u32 s3, s0;
	s1 =	sshll.u32 s1, $0x11  }
0xbb: {  	s0 =	sor.u32 s1, s0  }
0xbc: {  	s0 =	sadd.s32 $0x8F2B, s0  }
0xbd: {  	[sflag:s0] =	ssyncadd.remote.s32 $0x1  }
0xbe: {  	_ =	sfence.sel $0xFFFF  }
0xbf: {  	[dreg:$0x0] =	wrdreg $0xFFFFFFFF;
	(pc) =	sbr.abs _section_cstart, $3  }
0xc0: {  	[dreg:$0x1] =	wrdreg $0xFFFFFFFF  }
0xc1: {  	_ =	task.clear_ibuf [dreg:s6], $0x2FFFF;
	_ =	strace $0x9FFFFFFF  }
0xc2: {  	(tm) =	ssettm $0x7FFFFFFF  }
0xc3: {  	_ =	shalt  }
tec
execute0_lowered:
.L_overlay_start_1:
0x0: {  	(tag) =	ssettag $0x1  }
0x1: {  	s0 =	rddreg [dreg:$0x0]  }
0x2: {  	s1 =	rddreg [dreg:$0x1];
	s8 =	stileid.u32  }
0x3: {  	s2 =	srdreg.scid;
	s5 =	smul.u32 $0x280, s8  }
0x4: {  	s3 =	simm.s32 $0x0;
	s31 =	simm.s32 $0x193E0;
	s7 =	smul.u32 $0x5A000, s8  }
0x5: {  	s12 =	simm.s32 $0x4;
	s2 =	sand.u32 $0x1, s2;
	s16 =	smul.u32 $0x11A, s8  }
0x6: {  	s30 =	simm.s32 $0x3;
	[smem:$0x7FF] =	sst s3;
	s13 =	smul.u32 $0x2D000, s2  }
0x7: {  	s28 =	sadd.s32 $0xC400, s0;
	s4 =	smul.u32 $0x5000, s2;
	_ =	strace $0x80000047  }
0x8: {  	s14 =	ssub.s32 $0x2, s2;
	s29 =	smul.u32 $0x9EA00, s2;
	[dreg:$0x3] =	wrdreg s28  }
0x9: {  	s2 =	smul.u32 $0x168000, s2;
	[dreg:$0x4] =	wrdreg s5;
	s6 =	sshrl.u32 s14, $0x1  }
0xa: {  	[dreg:$0x7] =	wrdreg s16;
	s17 =	sshrl.u32 s7, $0x2;
	s16 =	simm.s32 $0x1BC60  }
0xb: {  	s5 =	simm.s32 $0x16B18;
	s3 =	sadd.s32 s13, s0;
	[dreg:$0x8] =	wrdreg s2  }
0xc: {  	s4 =	sadd.s32 s4, s0;
	s0 =	sadd.s32 $0x34000, s0;
	[dreg:$0x5] =	wrdreg s29  }
0xd: {  	s15 =	ssub.s32 s14, s6;
	s18 =	sadd.s32 s17, s1;
	[dreg:$0x6] =	wrdreg s0  }
0xe: {  	s14 =	simm.s32 $0x1;
	s0 =	smax.u32 s15, $0x1;
	[dreg:$0xa] =	wrdreg s18  }
0xf: {  	s17 =	simm.s32 $0x16968;
	s19 =	sadd.s32 $0x2400, s18;
	[dreg:$0x9] =	wrdreg s0  }
0x10: {  	s13 =	simm.s32 $0x169F8;
	s20 =	sadd.s32 $0x4800, s18;
	[dreg:$0xb] =	wrdreg s19  }
0x11: {  	s2 =	simm.s32 $0x6;
	s21 =	sadd.s32 $0x6C00, s18;
	[dreg:$0xc] =	wrdreg s20  }
0x12: {  	s6 =	simm.s32 $0x0;
	s22 =	sadd.s32 $0x9000, s18;
	[dreg:$0xd] =	wrdreg s21  }
0x13: {  	s9 =	sadd.s32 $0xA2400, s3;
	s23 =	sadd.s32 $0xB400, s18;
	[dreg:$0xe] =	wrdreg s22  }
0x14: {  	s10 =	sadd.s32 $0x2400, s4;
	s24 =	sadd.s32 $0xD800, s18;
	[dreg:$0xf] =	wrdreg s23  }
0x15: {  	s25 =	sadd.s32 $0xFC00, s18;
	s26 =	sadd.s32 $0x12000, s18;
	[dreg:$0x10] =	wrdreg s24  }
0x16: {  	s3 =	simm.s32 $0x1E960;
	s15 =	simm.s32 $0x8;
	[dreg:$0x11] =	wrdreg s25  }
0x17: {  	s4 =	simm.s32 $0x9;
	[dreg:$0x12] =	wrdreg s26;
	s0 =	sadd.s32 $0x14400, s18  }
0x18: {  	s23 =	simm.s32 $0x16B60;
	s24 =	simm.s32 $0xA;
	s26 =	simm.s32 $0x48  }
0x19: {  	s18 =	simm.s32 $0x1EDE0;
	s19 =	simm.s32 $0x5;
	s20 =	simm.s32 $0x2  }
0x1a: {  	v0 =	vimm.f32 $0.0e+00;
	s21 =	simm.s32 $0x7;
	s22 =	simm.s32 $0x16A88;
	[dreg:$0x13] =	wrdreg s0  }
.LBB2_1:
0x1b: {  	[dreg:$0x14] =	wrdreg s6  }
0x1c: {  	_ =	strace $0x80000048  }
0x1d: {  	s6 =	simm.s32 $0x0;
	s7 =	simm.s32 $0x240;
	s0 =	rddreg [dreg:$0x7]  }
.LBB2_2:
0x1e: {  	p0 =	seq.s32 s7, $0x8DC0;
	[tilespmem:s6+$0x16BE0] =	vst v0  }
0x1f: {  	[tilespmem:s6+$0x16B60] =	vst v0  }
0x20: {  	[tilespmem:s6+$0x16B70] =	vst v0  }
0x21: {  	[tilespmem:s6+$0x16B80] =	vst v0  }
.Ltmp0:
0x22: {  	[tilespmem:s6+$0x16B90] =	vst v0;
	(pc) =	sbr.rel @!p0 .LBB2_2-.Ltmp0, $4  }
0x23: {  	[tilespmem:s6+$0x16BA0] =	vst v0  }
0x24: {  	[tilespmem:s6+$0x16BB0] =	vst v0  }
0x25: {  	[tilespmem:s6+$0x16BC0] =	vst v0  }
0x26: {  	[tilespmem:s6+$0x16BD0] =	vst v0;
	s6 =	sshra.s32 s7, $0x2;
	s7 =	sadd.s32 $0x240, s7  }
0x27: {  	[tilespmem:s6+$0x16BE0] =	vst v0  }
0x28: {  	[tilespmem:s6+$0x16B60] =	vst v0  }
0x29: {  	[tilespmem:s6+$0x16B70] =	vst v0  }
0x2a: {  	[tilespmem:s6+$0x16B80] =	vst v0  }
0x2b: {  	[tilespmem:s6+$0x16B90] =	vst v0  }
0x2c: {  	[tilespmem:s6+$0x16BA0] =	vst v0  }
0x2d: {  	[tilespmem:s6+$0x16BB0] =	vst v0  }
0x2e: {  	[tilespmem:s6+$0x16BC0] =	vst v0  }
0x2f: {  	[tilespmem:s6+$0x16BD0] =	vst v0;
	s11 =	rddreg [dreg:$0xa]  }
0x30: {  	[spmem:s11] =	stream.linear.scatter [tilespmem:s23], [sflag:$0xA], $0x2400, $0x200038;
	[tilespmem:$0x1F260] =	vst v63  }
0x31: {  	_ =	swait.ge [sflag:s24], $0x2400  }
0x32: {  	[sflag:s24] =	ssyncset.done $0x0  }
0x33: {  	s25 =	rddreg [dreg:$0xb];
	[sflag:s24] =	ssyncadd.s32 $0xFFFFDC00  }
0x34: {  	[spmem:s25] =	stream.linear.scatter [tilespmem:s23], [sflag:$0xA], $0x2400, $0x200038;
	[tilespmem:$0x1F260] =	vst v63  }
0x35: {  	_ =	swait.ge [sflag:s24], $0x2400  }
0x36: {  	[sflag:s24] =	ssyncset.done $0x0  }
0x37: {  	s7 =	rddreg [dreg:$0xc];
	[sflag:s24] =	ssyncadd.s32 $0xFFFFDC00  }
0x38: {  	[spmem:s7] =	stream.linear.scatter [tilespmem:s23], [sflag:$0xA], $0x2400, $0x200038;
	[tilespmem:$0x1F260] =	vst v63  }
0x39: {  	_ =	swait.ge [sflag:s24], $0x2400  }
0x3a: {  	[sflag:s24] =	ssyncset.done $0x0  }
0x3b: {  	s8 =	rddreg [dreg:$0xd];
	[sflag:s24] =	ssyncadd.s32 $0xFFFFDC00  }
0x3c: {  	[spmem:s8] =	stream.linear.scatter [tilespmem:s23], [sflag:$0xA], $0x2400, $0x200038;
	[tilespmem:$0x1F260] =	vst v63  }
0x3d: {  	_ =	swait.ge [sflag:s24], $0x2400  }
0x3e: {  	[sflag:s24] =	ssyncset.done $0x0  }
0x3f: {  	s11 =	rddreg [dreg:$0xe];
	[sflag:s24] =	ssyncadd.s32 $0xFFFFDC00  }
0x40: {  	[spmem:s11] =	stream.linear.scatter [tilespmem:s23], [sflag:$0xA], $0x2400, $0x200038;
	[tilespmem:$0x1F260] =	vst v63  }
0x41: {  	_ =	swait.ge [sflag:s24], $0x2400  }
0x42: {  	[sflag:s24] =	ssyncset.done $0x0  }
0x43: {  	s25 =	rddreg [dreg:$0xf];
	[sflag:s24] =	ssyncadd.s32 $0xFFFFDC00  }
0x44: {  	[spmem:s25] =	stream.linear.scatter [tilespmem:s23], [sflag:$0xA], $0x2400, $0x200038;
	[tilespmem:$0x1F260] =	vst v63  }
0x45: {  	_ =	swait.ge [sflag:s24], $0x2400  }
0x46: {  	[sflag:s24] =	ssyncset.done $0x0  }
0x47: {  	s7 =	rddreg [dreg:$0x10];
	[sflag:s24] =	ssyncadd.s32 $0xFFFFDC00  }
0x48: {  	[spmem:s7] =	stream.linear.scatter [tilespmem:s23], [sflag:$0xA], $0x2400, $0x200038;
	[tilespmem:$0x1F260] =	vst v63  }
0x49: {  	_ =	swait.ge [sflag:s24], $0x2400  }
0x4a: {  	[sflag:s24] =	ssyncset.done $0x0  }
0x4b: {  	s8 =	rddreg [dreg:$0x11];
	[sflag:s24] =	ssyncadd.s32 $0xFFFFDC00  }
0x4c: {  	[spmem:s8] =	stream.linear.scatter [tilespmem:s23], [sflag:$0xA], $0x2400, $0x200038;
	[tilespmem:$0x1F260] =	vst v63  }
0x4d: {  	_ =	swait.ge [sflag:s24], $0x2400  }
0x4e: {  	[sflag:s24] =	ssyncset.done $0x0  }
0x4f: {  	s11 =	rddreg [dreg:$0x12];
	[sflag:s24] =	ssyncadd.s32 $0xFFFFDC00  }
0x50: {  	[spmem:s11] =	stream.linear.scatter [tilespmem:s23], [sflag:$0xA], $0x2400, $0x200038;
	[tilespmem:$0x1F260] =	vst v63  }
0x51: {  	_ =	swait.ge [sflag:s24], $0x2400  }
0x52: {  	[sflag:s24] =	ssyncset.done $0x0  }
0x53: {  	s25 =	rddreg [dreg:$0x13];
	[sflag:s24] =	ssyncadd.s32 $0xFFFFDC00  }
0x54: {  	[spmem:s25] =	stream.linear.scatter [tilespmem:s23], [sflag:$0xA], $0x2400, $0x200038;
	[tilespmem:$0x1F260] =	vst v63  }
0x55: {  	_ =	swait.ge [sflag:s24], $0x2400  }
0x56: {  	[sflag:s24] =	ssyncset.done $0x0  }
0x57: {  	[sflag:s24] =	ssyncadd.s32 $0xFFFFDC00  }
0x58: {  	[bflag:$0x0] =	sbarrier.arrive $0xFFFF  }
0x59: {  	_ =	strace $0x90000048  }
0x5a: {  	s6 =	simm.s32 $0x0;
	_ =	strace $0x80000049  }
.LBB2_4:
0x5b: {  	s7 =	smul.u32 $0x6, s6;
	_ =	sdelay $0x1  }
0x5c: {  	s7 =	sadd.s32 s0, s7  }
0x5d: {  	s7 =	smul.u32 $0x90, s7;
	_ =	sdelay $0x1  }
0x5e: {  	s7 =	sadd.s32 s29, s7  }
0x5f: {  	s7 =	sshrl.u32 s7, $0x3  }
0x60: {  	s8 =	simm.s32 $0x16800;
	s11 =	simm.s32 $0x0;
	s7 =	sadd.s32 s28, s7  }
0x61: {  	[tilespmem:s8], [sflag:$0xA] =	stream.linear.gather [hbm4b:s7+s11], $0x360, $0x200038;
	[tilespmem:$0x1F260] =	vst v63  }
0x62: {  	_ =	swait.ge [sflag:s24], $0x360  }
0x63: {  	[sflag:s24] =	ssyncset.done $0x0  }
0x64: {  	[sflag:s24] =	ssyncadd.s32 $0xFFFFFCA0  }
0x65: {  	[tilespmem:s23], [sflag:$0x4] =	stream.indirect.gather [hbm4b:s9+s26], $0x90, s8, s26, $0x2000b8;
	[tilespmem:$0x1F260] =	vst v63  }
0x66: {  	s25 =	simm.s32 $0x1E4E0;
	s11 =	simm.s32 $0x16848  }
0x67: {  	[tilespmem:s25], [sflag:$0x1] =	stream.indirect.gather [hbm4b:s10+s26], $0x10, s11, s26, $0x2000b8;
	[tilespmem:$0x1F260] =	vst v63  }
0x68: {  	s11 =	simm.s32 $0x16890  }
0x69: {  	[tilespmem:s31], [sflag:$0x5] =	stream.indirect.gather [hbm4b:s9+s26], $0x90, s11, s26, $0x2000b8;
	[tilespmem:$0x1F260] =	vst v63  }
0x6a: {  	s25 =	simm.s32 $0x168D8  }
0x6b: {  	[tilespmem:s3], [sflag:$0x2] =	stream.indirect.gather [hbm4b:s10+s26], $0x10, s25, s26, $0x2000b8;
	[tilespmem:$0x1F260] =	vst v63  }
0x6c: {  	_ =	swait.ge [sflag:s12], $0x2880  }
0x6d: {  	[sflag:s12] =	ssyncset.done $0x0  }
0x6e: {  	[sflag:s12] =	ssyncadd.s32 $0xFFFFD780  }
0x6f: {  	_ =	swait.ge [sflag:s14], $0x480  }
0x70: {  	[sflag:s14] =	ssyncset.done $0x0  }
0x71: {  	s7 =	simm.s32 $0x16BA0;
	[sflag:s14] =	ssyncadd.s32 $0xFFFFFB80  }
0x72: {  	s8 =	simm.s32 $0x16BA0;
	s11 =	simm.s32 $0x40;
	s25 =	simm.s32 $0x0;
	v1 =	vld [tilespmem:s7+$0x40]  }
.LBB2_5:
0x73: {  	p0 =	sne.s32 s11, $0x11C0;
	v2 =	vld [tilespmem:s25+$0x1E4E0];
	_ =	sdelay $0x4  }
0x74: {  	v1 =	vadd.f32 v2, v1;
	_ =	sdelay $0x1  }
0x75: {  	v2 =	vmul.f32 $2.000000030e-01, v1  }
0x76: {  	vm0 =	vge.f32 v1, $0.0e+00  }
0x77: {  	v1 =	vsel vm0, v1, v2  }
0x78: {  	v1 =	vmul.f32 $1.442695020e+00, v1;
	_ =	sdelay $0x1  }
0x79: {  	(erf) = vpow2.f32 v1;
	_ =	sdelay $0x4  }
0x7a: {  	v1 =	vld [tilespmem:s7+$0x30]  }
0x7b: {  	v2 =	vld [tilespmem:s7+$0x20]  }
0x7c: {  	v3 =	vld [tilespmem:s7+$0x10]  }
0x7d: {  	v4 =	vld [tilespmem:s7+$0x0]  }
0x7e: {  	v5 =	vld [tilespmem:s7+$0xFFFFFFF0];
	v6 =	vpop (erf)  }
0x7f: {  	[tilespmem:s7+$0x40] =	vst v6;
	v7 =	vld [tilespmem:s7+$0xFFFFFFE0];
	v8 =	vbroadcast v6, $0x6;
	v9 =	vbroadcast v6, $0x7  }
0x80: {  	v11 =	vbroadcast v6, $0x4;
	v12 =	vbroadcast v6, $0x5;
	v10 =	vld [tilespmem:s7+$0xFFFFFFD0]  }
0x81: {  	v13 =	vld [tilespmem:s7+$0xFFFFFFC0];
	v2 =	vmul.f32 v2, v8;
	v1 =	vmul.f32 v1, v9  }
0x82: {  	v3 =	vmul.f32 v3, v12;
	v4 =	vmul.f32 v4, v11  }
0x83: {  	v8 =	vbroadcast v6, $0x2;
	v9 =	vbroadcast v6, $0x3;
	[tilespmem:s7+$0x30] =	vst v1  }
0x84: {  	v1 =	vbroadcast v6, $0x0;
	v6 =	vbroadcast v6, $0x1;
	[tilespmem:s7+$0x20] =	vst v2  }
0x85: {  	v5 =	vmul.f32 v5, v9;
	v2 =	vmul.f32 v8, v7;
	[tilespmem:s7+$0x10] =	vst v3  }
.Ltmp1:
0x86: {  	v3 =	vmul.f32 v1, v13;
	v1 =	vmul.f32 v6, v10;
	[tilespmem:s7+$0x0] =	vst v4;
	(pc) =	sbr.rel @p0 .LBB2_5-.Ltmp1, $4  }
0x87: {  	[tilespmem:s7+$0xFFFFFFF0] =	vst v5  }
0x88: {  	[tilespmem:s7+$0xFFFFFFE0] =	vst v2  }
0x89: {  	s7 =	sadd.s32 $0x90, s7;
	[tilespmem:s8+$0xFFFFFFD0] =	vst v1  }
0x8a: {  	s25 =	sshra.s32 s11, $0x2;
	s11 =	sadd.s32 $0x40, s11;
	v1 =	vld [tilespmem:s7+$0x40];
	[tilespmem:s8+$0xFFFFFFC0] =	vst v3;
	s8 =	smov.u32 s7  }
0x8b: {  	v2 =	vld [tilespmem:s25+$0x1E4E0];
	_ =	sdelay $0x4  }
0x8c: {  	v1 =	vadd.f32 v2, v1;
	_ =	sdelay $0x1  }
0x8d: {  	v2 =	vmul.f32 $2.000000030e-01, v1  }
0x8e: {  	vm0 =	vge.f32 v1, $0.0e+00  }
0x8f: {  	v1 =	vsel vm0, v1, v2  }
0x90: {  	v1 =	vmul.f32 $1.442695020e+00, v1;
	_ =	sdelay $0x1  }
0x91: {  	(erf) = vpow2.f32 v1;
	_ =	sdelay $0x6  }
0x92: {  	v1 =	vld [tilespmem:s7+$0x30]  }
0x93: {  	v2 =	vld [tilespmem:s7+$0x20]  }
0x94: {  	v3 =	vld [tilespmem:s7+$0x10];
	v4 =	vpop (erf)  }
0x95: {  	v7 =	vld [tilespmem:s7+$0xFFFFFFF0];
	v6 =	vbroadcast v4, $0x7  }
0x96: {  	v5 =	vld [tilespmem:s7+$0x0];
	v8 =	vbroadcast v4, $0x6  }
0x97: {  	v9 =	vld [tilespmem:s7+$0xFFFFFFE0];
	v10 =	vbroadcast v4, $0x5;
	v1 =	vmul.f32 v1, v6  }
0x98: {  	v59 =	vld [tilespmem:s7+$0xFFFFFFD0];
	[tilespmem:s7+$0x40] =	vst v4;
	v61 =	vbroadcast v4, $0x3;
	v2 =	vmul.f32 v2, v8  }
0x99: {  	v60 =	vld [tilespmem:s7+$0xFFFFFFC0];
	v11 =	vbroadcast v4, $0x4;
	v3 =	vmul.f32 v3, v10;
	[tilespmem:s7+$0x30] =	vst v1  }
0x9a: {  	v62 =	vbroadcast v4, $0x2;
	v7 =	vmul.f32 v7, v61;
	[tilespmem:s7+$0x20] =	vst v2  }
0x9b: {  	v1 =	vmul.f32 v5, v11;
	v2 =	vbroadcast v4, $0x1;
	[tilespmem:s7+$0x10] =	vst v3  }
0x9c: {  	v63 =	vmul.f32 v62, v9;
	v3 =	vbroadcast v4, $0x0;
	[tilespmem:s7+$0xFFFFFFF0] =	vst v7  }
0x9d: {  	[tilespmem:s7+$0x0] =	vst v1;
	v1 =	vmul.f32 v2, v59  }
0x9e: {  	[tilespmem:s7+$0xFFFFFFE0] =	vst v63;
	v2 =	vmul.f32 v3, v60  }
0x9f: {  	p0 =	seq.s32 s6, $0x0;
	[tilespmem:s8+$0xFFFFFFD0] =	vst v1  }
0xa0: {  	s7 =	simm.s32 @!p0 $0x9;
	[tilespmem:s8+$0xFFFFFFC0] =	vst v2  }
0xa1: {  	_ =	swait.ge @!p0 [sflag:s7], $0x2880  }
0xa2: {  	[sflag:s7] =	ssyncset.done @!p0 $0x0  }
0xa3: {  	s11 =	simm.s32 $0x16920;
	[sflag:s7] =	ssyncadd.s32 @!p0 $0xFFFFD780  }
0xa4: {  	[tilespmem:s16], [sflag:$0x6] =	stream.indirect.gather [hbm4b:s9+s26], $0x90, s11, s26, $0x2000b8;
	[tilespmem:$0x1F260] =	vst v63  }
0xa5: {  	_ = 	snop  }
0xa6: {  	[tilespmem:s18], [sflag:$0x3] =	stream.indirect.gather [hbm4b:s10+s26], $0x10, s17, s26, $0x2000b8;
	[tilespmem:$0x1F260] =	vst v63  }
0xa7: {  	s25 =	simm.s32 $0x16848  }
0xa8: {  	[spmem:s1] =	stream.indirect.scatter.add.f32 [tilespmem:s23], [sflag:$0x7], $0x90, s25, s26, $0x2000b8;
	[tilespmem:$0x1F260] =	vst v63  }
0xa9: {  	_ =	swait.ge [sflag:s19], $0x2880  }
0xaa: {  	[sflag:s19] =	ssyncset.done $0x0  }
0xab: {  	[sflag:s19] =	ssyncadd.s32 $0xFFFFD780  }
0xac: {  	_ =	swait.ge [sflag:s20], $0x480  }
0xad: {  	[sflag:s20] =	ssyncset.done $0x0  }
0xae: {  	s7 =	simm.s32 $0x19420;
	[sflag:s20] =	ssyncadd.s32 $0xFFFFFB80  }
0xaf: {  	s8 =	simm.s32 $0x19420;
	s11 =	simm.s32 $0x40;
	s25 =	simm.s32 $0x0;
	v1 =	vld [tilespmem:s7+$0x40]  }
.LBB2_7:
0xb0: {  	p0 =	sne.s32 s11, $0x11C0;
	v2 =	vld [tilespmem:s25+$0x1E960];
	_ =	sdelay $0x4  }
0xb1: {  	v1 =	vadd.f32 v2, v1;
	_ =	sdelay $0x1  }
0xb2: {  	v2 =	vmul.f32 $2.000000030e-01, v1  }
0xb3: {  	vm0 =	vge.f32 v1, $0.0e+00  }
0xb4: {  	v1 =	vsel vm0, v1, v2  }
0xb5: {  	v1 =	vmul.f32 $1.442695020e+00, v1;
	_ =	sdelay $0x1  }
0xb6: {  	(erf) = vpow2.f32 v1;
	_ =	sdelay $0x4  }
0xb7: {  	v1 =	vld [tilespmem:s7+$0x30]  }
0xb8: {  	v2 =	vld [tilespmem:s7+$0x20]  }
0xb9: {  	v3 =	vld [tilespmem:s7+$0x10]  }
0xba: {  	v4 =	vld [tilespmem:s7+$0x0]  }
0xbb: {  	v5 =	vld [tilespmem:s7+$0xFFFFFFF0];
	v6 =	vpop (erf)  }
0xbc: {  	[tilespmem:s7+$0x40] =	vst v6;
	v7 =	vld [tilespmem:s7+$0xFFFFFFE0];
	v8 =	vbroadcast v6, $0x6;
	v9 =	vbroadcast v6, $0x7  }
0xbd: {  	v11 =	vbroadcast v6, $0x4;
	v12 =	vbroadcast v6, $0x5;
	v10 =	vld [tilespmem:s7+$0xFFFFFFD0]  }
0xbe: {  	v13 =	vld [tilespmem:s7+$0xFFFFFFC0];
	v2 =	vmul.f32 v2, v8;
	v1 =	vmul.f32 v1, v9  }
0xbf: {  	v3 =	vmul.f32 v3, v12;
	v4 =	vmul.f32 v4, v11  }
0xc0: {  	v8 =	vbroadcast v6, $0x2;
	v9 =	vbroadcast v6, $0x3;
	[tilespmem:s7+$0x30] =	vst v1  }
0xc1: {  	v1 =	vbroadcast v6, $0x0;
	v6 =	vbroadcast v6, $0x1;
	[tilespmem:s7+$0x20] =	vst v2  }
0xc2: {  	v5 =	vmul.f32 v5, v9;
	v2 =	vmul.f32 v8, v7;
	[tilespmem:s7+$0x10] =	vst v3  }
.Ltmp2:
0xc3: {  	v3 =	vmul.f32 v1, v13;
	v1 =	vmul.f32 v6, v10;
	[tilespmem:s7+$0x0] =	vst v4;
	(pc) =	sbr.rel @p0 .LBB2_7-.Ltmp2, $4  }
0xc4: {  	[tilespmem:s7+$0xFFFFFFF0] =	vst v5  }
0xc5: {  	[tilespmem:s7+$0xFFFFFFE0] =	vst v2  }
0xc6: {  	s7 =	sadd.s32 $0x90, s7;
	[tilespmem:s8+$0xFFFFFFD0] =	vst v1  }
0xc7: {  	s25 =	sshra.s32 s11, $0x2;
	s11 =	sadd.s32 $0x40, s11;
	v1 =	vld [tilespmem:s7+$0x40];
	[tilespmem:s8+$0xFFFFFFC0] =	vst v3;
	s8 =	smov.u32 s7  }
0xc8: {  	v2 =	vld [tilespmem:s25+$0x1E960];
	_ =	sdelay $0x4  }
0xc9: {  	v1 =	vadd.f32 v2, v1;
	_ =	sdelay $0x1  }
0xca: {  	v2 =	vmul.f32 $2.000000030e-01, v1  }
0xcb: {  	vm0 =	vge.f32 v1, $0.0e+00  }
0xcc: {  	v1 =	vsel vm0, v1, v2  }
0xcd: {  	v1 =	vmul.f32 $1.442695020e+00, v1;
	_ =	sdelay $0x1  }
0xce: {  	(erf) = vpow2.f32 v1;
	_ =	sdelay $0x6  }
0xcf: {  	v1 =	vld [tilespmem:s7+$0x30]  }
0xd0: {  	v2 =	vld [tilespmem:s7+$0x20]  }
0xd1: {  	v3 =	vld [tilespmem:s7+$0x10];
	v4 =	vpop (erf)  }
0xd2: {  	v7 =	vld [tilespmem:s7+$0xFFFFFFF0];
	v6 =	vbroadcast v4, $0x7  }
0xd3: {  	v5 =	vld [tilespmem:s7+$0x0];
	v8 =	vbroadcast v4, $0x6  }
0xd4: {  	v9 =	vld [tilespmem:s7+$0xFFFFFFE0];
	v10 =	vbroadcast v4, $0x5;
	v1 =	vmul.f32 v1, v6  }
0xd5: {  	v59 =	vld [tilespmem:s7+$0xFFFFFFD0];
	[tilespmem:s7+$0x40] =	vst v4;
	v61 =	vbroadcast v4, $0x3;
	v2 =	vmul.f32 v2, v8  }
0xd6: {  	v60 =	vld [tilespmem:s7+$0xFFFFFFC0];
	v11 =	vbroadcast v4, $0x4;
	v3 =	vmul.f32 v3, v10;
	[tilespmem:s7+$0x30] =	vst v1  }
0xd7: {  	v62 =	vbroadcast v4, $0x2;
	v7 =	vmul.f32 v7, v61;
	[tilespmem:s7+$0x20] =	vst v2  }
0xd8: {  	v1 =	vmul.f32 v5, v11;
	v2 =	vbroadcast v4, $0x1;
	[tilespmem:s7+$0x10] =	vst v3  }
0xd9: {  	v63 =	vmul.f32 v62, v9;
	v3 =	vbroadcast v4, $0x0;
	[tilespmem:s7+$0xFFFFFFF0] =	vst v7  }
0xda: {  	[tilespmem:s7+$0x0] =	vst v1;
	v1 =	vmul.f32 v2, v59  }
0xdb: {  	[tilespmem:s7+$0xFFFFFFE0] =	vst v63;
	v2 =	vmul.f32 v3, v60  }
0xdc: {  	[tilespmem:s8+$0xFFFFFFD0] =	vst v1  }
0xdd: {  	[tilespmem:s8+$0xFFFFFFC0] =	vst v2  }
0xde: {  	_ =	swait.ge [sflag:s21], $0x2880  }
0xdf: {  	[sflag:s21] =	ssyncset.done $0x0  }
0xe0: {  	s8 =	simm.s32 $0x169B0;
	[sflag:s21] =	ssyncadd.s32 $0xFFFFD780  }
0xe1: {  	[tilespmem:s23], [sflag:$0x4] =	stream.indirect.gather [hbm4b:s9+s26], $0x90, s8, s26, $0x2000b8;
	[tilespmem:$0x1F260] =	vst v63  }
0xe2: {  	s11 =	simm.s32 $0x1E4E0  }
0xe3: {  	[tilespmem:s11], [sflag:$0x1] =	stream.indirect.gather [hbm4b:s10+s26], $0x10, s13, s26, $0x2000b8;
	[tilespmem:$0x1F260] =	vst v63  }
0xe4: {  	s25 =	simm.s32 $0x168D8  }
0xe5: {  	[spmem:s1] =	stream.indirect.scatter.add.f32 [tilespmem:s31], [sflag:$0x8], $0x90, s25, s26, $0x2000b8;
	[tilespmem:$0x1F260] =	vst v63  }
0xe6: {  	_ =	swait.ge [sflag:s2], $0x2880  }
0xe7: {  	[sflag:s2] =	ssyncset.done $0x0  }
0xe8: {  	[sflag:s2] =	ssyncadd.s32 $0xFFFFD780  }
0xe9: {  	_ =	swait.ge [sflag:s30], $0x480  }
0xea: {  	[sflag:s30] =	ssyncset.done $0x0  }
0xeb: {  	s7 =	simm.s32 $0x1BCA0;
	[sflag:s30] =	ssyncadd.s32 $0xFFFFFB80  }
0xec: {  	s8 =	simm.s32 $0x1BCA0;
	s11 =	simm.s32 $0x40;
	s25 =	simm.s32 $0x0;
	v1 =	vld [tilespmem:s7+$0x40]  }
.LBB2_9:
0xed: {  	p0 =	sne.s32 s11, $0x11C0;
	v2 =	vld [tilespmem:s25+$0x1EDE0];
	_ =	sdelay $0x4  }
0xee: {  	v1 =	vadd.f32 v2, v1;
	_ =	sdelay $0x1  }
0xef: {  	v2 =	vmul.f32 $2.000000030e-01, v1  }
0xf0: {  	vm0 =	vge.f32 v1, $0.0e+00  }
0xf1: {  	v1 =	vsel vm0, v1, v2  }
0xf2: {  	v1 =	vmul.f32 $1.442695020e+00, v1;
	_ =	sdelay $0x1  }
0xf3: {  	(erf) = vpow2.f32 v1;
	_ =	sdelay $0x4  }
0xf4: {  	v1 =	vld [tilespmem:s7+$0x30]  }
0xf5: {  	v2 =	vld [tilespmem:s7+$0x20]  }
0xf6: {  	v3 =	vld [tilespmem:s7+$0x10]  }
0xf7: {  	v4 =	vld [tilespmem:s7+$0x0]  }
0xf8: {  	v5 =	vld [tilespmem:s7+$0xFFFFFFF0];
	v6 =	vpop (erf)  }
0xf9: {  	[tilespmem:s7+$0x40] =	vst v6;
	v7 =	vld [tilespmem:s7+$0xFFFFFFE0];
	v8 =	vbroadcast v6, $0x6;
	v9 =	vbroadcast v6, $0x7  }
0xfa: {  	v11 =	vbroadcast v6, $0x4;
	v12 =	vbroadcast v6, $0x5;
	v10 =	vld [tilespmem:s7+$0xFFFFFFD0]  }
0xfb: {  	v13 =	vld [tilespmem:s7+$0xFFFFFFC0];
	v2 =	vmul.f32 v2, v8;
	v1 =	vmul.f32 v1, v9  }
0xfc: {  	v3 =	vmul.f32 v3, v12;
	v4 =	vmul.f32 v4, v11  }
0xfd: {  	v8 =	vbroadcast v6, $0x2;
	v9 =	vbroadcast v6, $0x3;
	[tilespmem:s7+$0x30] =	vst v1  }
0xfe: {  	v1 =	vbroadcast v6, $0x0;
	v6 =	vbroadcast v6, $0x1;
	[tilespmem:s7+$0x20] =	vst v2  }
0xff: {  	v5 =	vmul.f32 v5, v9;
	v2 =	vmul.f32 v8, v7;
	[tilespmem:s7+$0x10] =	vst v3  }
.Ltmp3:
0x100: {  	v3 =	vmul.f32 v1, v13;
	v1 =	vmul.f32 v6, v10;
	[tilespmem:s7+$0x0] =	vst v4;
	(pc) =	sbr.rel @p0 .LBB2_9-.Ltmp3, $4  }
0x101: {  	[tilespmem:s7+$0xFFFFFFF0] =	vst v5  }
0x102: {  	[tilespmem:s7+$0xFFFFFFE0] =	vst v2  }
0x103: {  	s7 =	sadd.s32 $0x90, s7;
	[tilespmem:s8+$0xFFFFFFD0] =	vst v1  }
0x104: {  	s25 =	sshra.s32 s11, $0x2;
	s11 =	sadd.s32 $0x40, s11;
	v1 =	vld [tilespmem:s7+$0x40];
	[tilespmem:s8+$0xFFFFFFC0] =	vst v3;
	s8 =	smov.u32 s7  }
0x105: {  	v2 =	vld [tilespmem:s25+$0x1EDE0];
	_ =	sdelay $0x4  }
0x106: {  	v1 =	vadd.f32 v2, v1;
	_ =	sdelay $0x1  }
0x107: {  	v2 =	vmul.f32 $2.000000030e-01, v1  }
0x108: {  	vm0 =	vge.f32 v1, $0.0e+00  }
0x109: {  	v1 =	vsel vm0, v1, v2  }
0x10a: {  	v1 =	vmul.f32 $1.442695020e+00, v1;
	_ =	sdelay $0x1  }
0x10b: {  	(erf) = vpow2.f32 v1;
	_ =	sdelay $0x6  }
0x10c: {  	v1 =	vld [tilespmem:s7+$0x30]  }
0x10d: {  	v2 =	vld [tilespmem:s7+$0x20]  }
0x10e: {  	v3 =	vld [tilespmem:s7+$0x10];
	v4 =	vpop (erf)  }
0x10f: {  	v7 =	vld [tilespmem:s7+$0xFFFFFFF0];
	v6 =	vbroadcast v4, $0x7  }
0x110: {  	v5 =	vld [tilespmem:s7+$0x0];
	v8 =	vbroadcast v4, $0x6  }
0x111: {  	v9 =	vld [tilespmem:s7+$0xFFFFFFE0];
	v10 =	vbroadcast v4, $0x5;
	v1 =	vmul.f32 v1, v6  }
0x112: {  	v59 =	vld [tilespmem:s7+$0xFFFFFFD0];
	[tilespmem:s7+$0x40] =	vst v4;
	v61 =	vbroadcast v4, $0x3;
	v2 =	vmul.f32 v2, v8  }
0x113: {  	v60 =	vld [tilespmem:s7+$0xFFFFFFC0];
	v11 =	vbroadcast v4, $0x4;
	v3 =	vmul.f32 v3, v10;
	[tilespmem:s7+$0x30] =	vst v1  }
0x114: {  	v62 =	vbroadcast v4, $0x2;
	v7 =	vmul.f32 v7, v61;
	[tilespmem:s7+$0x20] =	vst v2  }
0x115: {  	v1 =	vmul.f32 v5, v11;
	v2 =	vbroadcast v4, $0x1;
	[tilespmem:s7+$0x10] =	vst v3  }
0x116: {  	v63 =	vmul.f32 v62, v9;
	v3 =	vbroadcast v4, $0x0;
	[tilespmem:s7+$0xFFFFFFF0] =	vst v7  }
0x117: {  	[tilespmem:s7+$0x0] =	vst v1;
	v1 =	vmul.f32 v2, v59  }
0x118: {  	[tilespmem:s7+$0xFFFFFFE0] =	vst v63;
	v2 =	vmul.f32 v3, v60  }
0x119: {  	[tilespmem:s8+$0xFFFFFFD0] =	vst v1  }
0x11a: {  	[tilespmem:s8+$0xFFFFFFC0] =	vst v2  }
0x11b: {  	_ =	swait.ge [sflag:s15], $0x2880  }
0x11c: {  	[sflag:s15] =	ssyncset.done $0x0  }
0x11d: {  	s25 =	simm.s32 $0x16A40;
	[sflag:s15] =	ssyncadd.s32 $0xFFFFD780  }
0x11e: {  	[tilespmem:s31], [sflag:$0x5] =	stream.indirect.gather [hbm4b:s9+s26], $0x90, s25, s26, $0x2000b8;
	[tilespmem:$0x1F260] =	vst v63  }
0x11f: {  	_ = 	snop  }
0x120: {  	[tilespmem:s3], [sflag:$0x2] =	stream.indirect.gather [hbm4b:s10+s26], $0x10, s22, s26, $0x2000b8;
	[tilespmem:$0x1F260] =	vst v63  }
0x121: {  	_ = 	snop  }
0x122: {  	[spmem:s1] =	stream.indirect.scatter.add.f32 [tilespmem:s16], [sflag:$0x9], $0x90, s17, s26, $0x2000b8;
	[tilespmem:$0x1F260] =	vst v63  }
0x123: {  	_ =	swait.ge [sflag:s12], $0x2880  }
0x124: {  	[sflag:s12] =	ssyncset.done $0x0  }
0x125: {  	[sflag:s12] =	ssyncadd.s32 $0xFFFFD780  }
0x126: {  	_ =	swait.ge [sflag:s14], $0x480  }
0x127: {  	[sflag:s14] =	ssyncset.done $0x0  }
0x128: {  	s7 =	simm.s32 $0x16BA0;
	[sflag:s14] =	ssyncadd.s32 $0xFFFFFB80  }
0x129: {  	s11 =	simm.s32 $0x40;
	s8 =	simm.s32 $0x16BA0;
	s25 =	simm.s32 $0x0;
	v1 =	vld [tilespmem:s7+$0x40]  }
.LBB2_11:
0x12a: {  	p0 =	sne.s32 s11, $0x11C0;
	v2 =	vld [tilespmem:s25+$0x1E4E0];
	_ =	sdelay $0x4  }
0x12b: {  	v1 =	vadd.f32 v2, v1;
	_ =	sdelay $0x1  }
0x12c: {  	v2 =	vmul.f32 $2.000000030e-01, v1  }
0x12d: {  	vm0 =	vge.f32 v1, $0.0e+00  }
0x12e: {  	v1 =	vsel vm0, v1, v2  }
0x12f: {  	v1 =	vmul.f32 $1.442695020e+00, v1;
	_ =	sdelay $0x1  }
0x130: {  	(erf) = vpow2.f32 v1;
	_ =	sdelay $0x4  }
0x131: {  	v1 =	vld [tilespmem:s7+$0x30]  }
0x132: {  	v2 =	vld [tilespmem:s7+$0x20]  }
0x133: {  	v3 =	vld [tilespmem:s7+$0x10]  }
0x134: {  	v4 =	vld [tilespmem:s7+$0x0]  }
0x135: {  	v5 =	vld [tilespmem:s7+$0xFFFFFFF0];
	v6 =	vpop (erf)  }
0x136: {  	[tilespmem:s7+$0x40] =	vst v6;
	v7 =	vld [tilespmem:s7+$0xFFFFFFE0];
	v8 =	vbroadcast v6, $0x6;
	v9 =	vbroadcast v6, $0x7  }
0x137: {  	v11 =	vbroadcast v6, $0x4;
	v12 =	vbroadcast v6, $0x5;
	v10 =	vld [tilespmem:s7+$0xFFFFFFD0]  }
0x138: {  	v13 =	vld [tilespmem:s7+$0xFFFFFFC0];
	v2 =	vmul.f32 v2, v8;
	v1 =	vmul.f32 v1, v9  }
0x139: {  	v3 =	vmul.f32 v3, v12;
	v4 =	vmul.f32 v4, v11  }
0x13a: {  	v8 =	vbroadcast v6, $0x2;
	v9 =	vbroadcast v6, $0x3;
	[tilespmem:s7+$0x30] =	vst v1  }
0x13b: {  	v1 =	vbroadcast v6, $0x0;
	v6 =	vbroadcast v6, $0x1;
	[tilespmem:s7+$0x20] =	vst v2  }
0x13c: {  	v5 =	vmul.f32 v5, v9;
	v2 =	vmul.f32 v8, v7;
	[tilespmem:s7+$0x10] =	vst v3  }
.Ltmp4:
0x13d: {  	v3 =	vmul.f32 v1, v13;
	v1 =	vmul.f32 v6, v10;
	[tilespmem:s7+$0x0] =	vst v4;
	(pc) =	sbr.rel @p0 .LBB2_11-.Ltmp4, $4  }
0x13e: {  	[tilespmem:s7+$0xFFFFFFF0] =	vst v5  }
0x13f: {  	[tilespmem:s7+$0xFFFFFFE0] =	vst v2  }
0x140: {  	s7 =	sadd.s32 $0x90, s7;
	[tilespmem:s8+$0xFFFFFFD0] =	vst v1  }
0x141: {  	s25 =	sshra.s32 s11, $0x2;
	s11 =	sadd.s32 $0x40, s11;
	v1 =	vld [tilespmem:s7+$0x40];
	[tilespmem:s8+$0xFFFFFFC0] =	vst v3;
	s8 =	smov.u32 s7  }
0x142: {  	v2 =	vld [tilespmem:s25+$0x1E4E0];
	_ =	sdelay $0x4  }
0x143: {  	v1 =	vadd.f32 v2, v1;
	_ =	sdelay $0x1  }
0x144: {  	v2 =	vmul.f32 $2.000000030e-01, v1  }
0x145: {  	vm0 =	vge.f32 v1, $0.0e+00  }
0x146: {  	v1 =	vsel vm0, v1, v2  }
0x147: {  	v1 =	vmul.f32 $1.442695020e+00, v1;
	_ =	sdelay $0x1  }
0x148: {  	(erf) = vpow2.f32 v1;
	_ =	sdelay $0x6  }
0x149: {  	v1 =	vld [tilespmem:s7+$0x30]  }
0x14a: {  	v2 =	vld [tilespmem:s7+$0x20]  }
0x14b: {  	v3 =	vld [tilespmem:s7+$0x10];
	v4 =	vpop (erf)  }
0x14c: {  	v7 =	vld [tilespmem:s7+$0xFFFFFFF0];
	v6 =	vbroadcast v4, $0x7  }
0x14d: {  	v5 =	vld [tilespmem:s7+$0x0];
	v8 =	vbroadcast v4, $0x6  }
0x14e: {  	v9 =	vld [tilespmem:s7+$0xFFFFFFE0];
	v10 =	vbroadcast v4, $0x5;
	v1 =	vmul.f32 v1, v6  }
0x14f: {  	v59 =	vld [tilespmem:s7+$0xFFFFFFD0];
	[tilespmem:s7+$0x40] =	vst v4;
	v61 =	vbroadcast v4, $0x3;
	v2 =	vmul.f32 v2, v8  }
0x150: {  	v60 =	vld [tilespmem:s7+$0xFFFFFFC0];
	v11 =	vbroadcast v4, $0x4;
	v3 =	vmul.f32 v3, v10;
	[tilespmem:s7+$0x30] =	vst v1  }
0x151: {  	v62 =	vbroadcast v4, $0x2;
	v7 =	vmul.f32 v7, v61;
	[tilespmem:s7+$0x20] =	vst v2  }
0x152: {  	v1 =	vmul.f32 v5, v11;
	v2 =	vbroadcast v4, $0x1;
	[tilespmem:s7+$0x10] =	vst v3  }
0x153: {  	v63 =	vmul.f32 v62, v9;
	v3 =	vbroadcast v4, $0x0;
	[tilespmem:s7+$0xFFFFFFF0] =	vst v7  }
0x154: {  	[tilespmem:s7+$0x0] =	vst v1;
	v1 =	vmul.f32 v2, v59  }
0x155: {  	[tilespmem:s7+$0xFFFFFFE0] =	vst v63;
	v2 =	vmul.f32 v3, v60  }
0x156: {  	[tilespmem:s8+$0xFFFFFFD0] =	vst v1  }
0x157: {  	[tilespmem:s8+$0xFFFFFFC0] =	vst v2  }
0x158: {  	_ =	swait.ge [sflag:s4], $0x2880  }
0x159: {  	[sflag:s4] =	ssyncset.done $0x0  }
0x15a: {  	s25 =	simm.s32 $0x16AD0;
	[sflag:s4] =	ssyncadd.s32 $0xFFFFD780  }
0x15b: {  	[tilespmem:s16], [sflag:$0x6] =	stream.indirect.gather [hbm4b:s9+s26], $0x90, s25, s26, $0x2000b8;
	[tilespmem:$0x1F260] =	vst v63  }
0x15c: {  	_ = 	snop  }
0x15d: {  	[tilespmem:s18], [sflag:$0x3] =	stream.indirect.gather [hbm4b:s10+s26], $0x10, s5, s26, $0x2000b8;
	[tilespmem:$0x1F260] =	vst v63  }
0x15e: {  	_ = 	snop  }
0x15f: {  	[spmem:s1] =	stream.indirect.scatter.add.f32 [tilespmem:s23], [sflag:$0x7], $0x90, s13, s26, $0x2000b8;
	[tilespmem:$0x1F260] =	vst v63  }
0x160: {  	_ =	swait.ge [sflag:s19], $0x2880  }
0x161: {  	[sflag:s19] =	ssyncset.done $0x0  }
0x162: {  	[sflag:s19] =	ssyncadd.s32 $0xFFFFD780  }
0x163: {  	_ =	swait.ge [sflag:s20], $0x480  }
0x164: {  	[sflag:s20] =	ssyncset.done $0x0  }
0x165: {  	s7 =	simm.s32 $0x19420;
	[sflag:s20] =	ssyncadd.s32 $0xFFFFFB80  }
0x166: {  	s11 =	simm.s32 $0x40;
	s8 =	simm.s32 $0x19420;
	s25 =	simm.s32 $0x0;
	v1 =	vld [tilespmem:s7+$0x40]  }
.LBB2_13:
0x167: {  	p0 =	sne.s32 s11, $0x11C0;
	v2 =	vld [tilespmem:s25+$0x1E960];
	_ =	sdelay $0x4  }
0x168: {  	v1 =	vadd.f32 v2, v1;
	_ =	sdelay $0x1  }
0x169: {  	v2 =	vmul.f32 $2.000000030e-01, v1  }
0x16a: {  	vm0 =	vge.f32 v1, $0.0e+00  }
0x16b: {  	v1 =	vsel vm0, v1, v2  }
0x16c: {  	v1 =	vmul.f32 $1.442695020e+00, v1;
	_ =	sdelay $0x1  }
0x16d: {  	(erf) = vpow2.f32 v1;
	_ =	sdelay $0x4  }
0x16e: {  	v1 =	vld [tilespmem:s7+$0x30]  }
0x16f: {  	v2 =	vld [tilespmem:s7+$0x20]  }
0x170: {  	v3 =	vld [tilespmem:s7+$0x10]  }
0x171: {  	v4 =	vld [tilespmem:s7+$0x0]  }
0x172: {  	v5 =	vld [tilespmem:s7+$0xFFFFFFF0];
	v6 =	vpop (erf)  }
0x173: {  	[tilespmem:s7+$0x40] =	vst v6;
	v7 =	vld [tilespmem:s7+$0xFFFFFFE0];
	v8 =	vbroadcast v6, $0x6;
	v9 =	vbroadcast v6, $0x7  }
0x174: {  	v11 =	vbroadcast v6, $0x4;
	v12 =	vbroadcast v6, $0x5;
	v10 =	vld [tilespmem:s7+$0xFFFFFFD0]  }
0x175: {  	v13 =	vld [tilespmem:s7+$0xFFFFFFC0];
	v2 =	vmul.f32 v2, v8;
	v1 =	vmul.f32 v1, v9  }
0x176: {  	v3 =	vmul.f32 v3, v12;
	v4 =	vmul.f32 v4, v11  }
0x177: {  	v8 =	vbroadcast v6, $0x2;
	v9 =	vbroadcast v6, $0x3;
	[tilespmem:s7+$0x30] =	vst v1  }
0x178: {  	v1 =	vbroadcast v6, $0x0;
	v6 =	vbroadcast v6, $0x1;
	[tilespmem:s7+$0x20] =	vst v2  }
0x179: {  	v5 =	vmul.f32 v5, v9;
	v2 =	vmul.f32 v8, v7;
	[tilespmem:s7+$0x10] =	vst v3  }
.Ltmp5:
0x17a: {  	v3 =	vmul.f32 v1, v13;
	v1 =	vmul.f32 v6, v10;
	[tilespmem:s7+$0x0] =	vst v4;
	(pc) =	sbr.rel @p0 .LBB2_13-.Ltmp5, $4  }
0x17b: {  	[tilespmem:s7+$0xFFFFFFF0] =	vst v5  }
0x17c: {  	[tilespmem:s7+$0xFFFFFFE0] =	vst v2  }
0x17d: {  	s7 =	sadd.s32 $0x90, s7;
	[tilespmem:s8+$0xFFFFFFD0] =	vst v1  }
0x17e: {  	s25 =	sshra.s32 s11, $0x2;
	s11 =	sadd.s32 $0x40, s11;
	v1 =	vld [tilespmem:s7+$0x40];
	[tilespmem:s8+$0xFFFFFFC0] =	vst v3;
	s8 =	smov.u32 s7  }
0x17f: {  	v2 =	vld [tilespmem:s25+$0x1E960];
	_ =	sdelay $0x4  }
0x180: {  	v1 =	vadd.f32 v2, v1;
	_ =	sdelay $0x1  }
0x181: {  	v2 =	vmul.f32 $2.000000030e-01, v1  }
0x182: {  	vm0 =	vge.f32 v1, $0.0e+00  }
0x183: {  	v1 =	vsel vm0, v1, v2  }
0x184: {  	v1 =	vmul.f32 $1.442695020e+00, v1;
	_ =	sdelay $0x1  }
0x185: {  	(erf) = vpow2.f32 v1;
	_ =	sdelay $0x6  }
0x186: {  	v1 =	vld [tilespmem:s7+$0x30]  }
0x187: {  	v2 =	vld [tilespmem:s7+$0x20]  }
0x188: {  	v3 =	vld [tilespmem:s7+$0x10];
	v4 =	vpop (erf)  }
0x189: {  	v7 =	vld [tilespmem:s7+$0xFFFFFFF0];
	v6 =	vbroadcast v4, $0x7  }
0x18a: {  	v5 =	vld [tilespmem:s7+$0x0];
	v8 =	vbroadcast v4, $0x6  }
0x18b: {  	v9 =	vld [tilespmem:s7+$0xFFFFFFE0];
	v10 =	vbroadcast v4, $0x5;
	v1 =	vmul.f32 v1, v6  }
0x18c: {  	v59 =	vld [tilespmem:s7+$0xFFFFFFD0];
	[tilespmem:s7+$0x40] =	vst v4;
	v61 =	vbroadcast v4, $0x3;
	v2 =	vmul.f32 v2, v8  }
0x18d: {  	v60 =	vld [tilespmem:s7+$0xFFFFFFC0];
	v11 =	vbroadcast v4, $0x4;
	v3 =	vmul.f32 v3, v10;
	[tilespmem:s7+$0x30] =	vst v1  }
0x18e: {  	v62 =	vbroadcast v4, $0x2;
	v7 =	vmul.f32 v7, v61;
	[tilespmem:s7+$0x20] =	vst v2  }
0x18f: {  	v1 =	vmul.f32 v5, v11;
	v2 =	vbroadcast v4, $0x1;
	[tilespmem:s7+$0x10] =	vst v3  }
0x190: {  	v63 =	vmul.f32 v62, v9;
	v3 =	vbroadcast v4, $0x0;
	[tilespmem:s7+$0xFFFFFFF0] =	vst v7  }
0x191: {  	[tilespmem:s7+$0x0] =	vst v1;
	v1 =	vmul.f32 v2, v59  }
0x192: {  	[tilespmem:s7+$0xFFFFFFE0] =	vst v63;
	v2 =	vmul.f32 v3, v60  }
0x193: {  	[tilespmem:s8+$0xFFFFFFD0] =	vst v1  }
0x194: {  	[tilespmem:s8+$0xFFFFFFC0] =	vst v2  }
0x195: {  	_ =	swait.ge [sflag:s21], $0x2880  }
0x196: {  	[sflag:s21] =	ssyncset.done $0x0  }
0x197: {  	[sflag:s21] =	ssyncadd.s32 $0xFFFFD780  }
0x198: {  	[spmem:s1] =	stream.indirect.scatter.add.f32 [tilespmem:s31], [sflag:$0x8], $0x90, s22, s26, $0x2000b8;
	[tilespmem:$0x1F260] =	vst v63  }
0x199: {  	_ =	swait.ge [sflag:s2], $0x2880  }
0x19a: {  	[sflag:s2] =	ssyncset.done $0x0  }
0x19b: {  	[sflag:s2] =	ssyncadd.s32 $0xFFFFD780  }
0x19c: {  	_ =	swait.ge [sflag:s30], $0x480  }
0x19d: {  	[sflag:s30] =	ssyncset.done $0x0  }
0x19e: {  	s7 =	simm.s32 $0x1BCA0;
	[sflag:s30] =	ssyncadd.s32 $0xFFFFFB80  }
0x19f: {  	s25 =	simm.s32 $0x0;
	s11 =	simm.s32 $0x40;
	s8 =	simm.s32 $0x1BCA0;
	v1 =	vld [tilespmem:s7+$0x40]  }
.LBB2_15:
0x1a0: {  	p0 =	sne.s32 s11, $0x11C0;
	v2 =	vld [tilespmem:s25+$0x1EDE0];
	_ =	sdelay $0x4  }
0x1a1: {  	v1 =	vadd.f32 v2, v1;
	_ =	sdelay $0x1  }
0x1a2: {  	v2 =	vmul.f32 $2.000000030e-01, v1  }
0x1a3: {  	vm0 =	vge.f32 v1, $0.0e+00  }
0x1a4: {  	v1 =	vsel vm0, v1, v2  }
0x1a5: {  	v1 =	vmul.f32 $1.442695020e+00, v1;
	_ =	sdelay $0x1  }
0x1a6: {  	(erf) = vpow2.f32 v1;
	_ =	sdelay $0x4  }
0x1a7: {  	v1 =	vld [tilespmem:s7+$0x30]  }
0x1a8: {  	v2 =	vld [tilespmem:s7+$0x20]  }
0x1a9: {  	v3 =	vld [tilespmem:s7+$0x10]  }
0x1aa: {  	v4 =	vld [tilespmem:s7+$0x0]  }
0x1ab: {  	v5 =	vld [tilespmem:s7+$0xFFFFFFF0];
	v6 =	vpop (erf)  }
0x1ac: {  	[tilespmem:s7+$0x40] =	vst v6;
	v7 =	vld [tilespmem:s7+$0xFFFFFFE0];
	v8 =	vbroadcast v6, $0x6;
	v9 =	vbroadcast v6, $0x7  }
0x1ad: {  	v11 =	vbroadcast v6, $0x4;
	v12 =	vbroadcast v6, $0x5;
	v10 =	vld [tilespmem:s7+$0xFFFFFFD0]  }
0x1ae: {  	v13 =	vld [tilespmem:s7+$0xFFFFFFC0];
	v2 =	vmul.f32 v2, v8;
	v1 =	vmul.f32 v1, v9  }
0x1af: {  	v3 =	vmul.f32 v3, v12;
	v4 =	vmul.f32 v4, v11  }
0x1b0: {  	v8 =	vbroadcast v6, $0x2;
	v9 =	vbroadcast v6, $0x3;
	[tilespmem:s7+$0x30] =	vst v1  }
0x1b1: {  	v1 =	vbroadcast v6, $0x0;
	v6 =	vbroadcast v6, $0x1;
	[tilespmem:s7+$0x20] =	vst v2  }
0x1b2: {  	v5 =	vmul.f32 v5, v9;
	v2 =	vmul.f32 v8, v7;
	[tilespmem:s7+$0x10] =	vst v3  }
.Ltmp6:
0x1b3: {  	v3 =	vmul.f32 v1, v13;
	v1 =	vmul.f32 v6, v10;
	[tilespmem:s7+$0x0] =	vst v4;
	(pc) =	sbr.rel @p0 .LBB2_15-.Ltmp6, $4  }
0x1b4: {  	[tilespmem:s7+$0xFFFFFFF0] =	vst v5  }
0x1b5: {  	[tilespmem:s7+$0xFFFFFFE0] =	vst v2  }
0x1b6: {  	s7 =	sadd.s32 $0x90, s7;
	[tilespmem:s8+$0xFFFFFFD0] =	vst v1  }
0x1b7: {  	s25 =	sshra.s32 s11, $0x2;
	s11 =	sadd.s32 $0x40, s11;
	v1 =	vld [tilespmem:s7+$0x40];
	[tilespmem:s8+$0xFFFFFFC0] =	vst v3;
	s8 =	smov.u32 s7  }
0x1b8: {  	v2 =	vld [tilespmem:s25+$0x1EDE0];
	_ =	sdelay $0x4  }
0x1b9: {  	v1 =	vadd.f32 v2, v1;
	_ =	sdelay $0x1  }
0x1ba: {  	v2 =	vmul.f32 $2.000000030e-01, v1  }
0x1bb: {  	vm0 =	vge.f32 v1, $0.0e+00  }
0x1bc: {  	v1 =	vsel vm0, v1, v2  }
0x1bd: {  	v1 =	vmul.f32 $1.442695020e+00, v1;
	_ =	sdelay $0x1  }
0x1be: {  	(erf) = vpow2.f32 v1;
	_ =	sdelay $0x6  }
0x1bf: {  	v1 =	vld [tilespmem:s7+$0x30]  }
0x1c0: {  	v2 =	vld [tilespmem:s7+$0x20]  }
0x1c1: {  	v3 =	vld [tilespmem:s7+$0x10];
	v4 =	vpop (erf)  }
0x1c2: {  	v7 =	vld [tilespmem:s7+$0xFFFFFFF0];
	v6 =	vbroadcast v4, $0x7  }
0x1c3: {  	v5 =	vld [tilespmem:s7+$0x0];
	v8 =	vbroadcast v4, $0x6  }
0x1c4: {  	v9 =	vld [tilespmem:s7+$0xFFFFFFE0];
	v10 =	vbroadcast v4, $0x5;
	v1 =	vmul.f32 v1, v6  }
0x1c5: {  	v59 =	vld [tilespmem:s7+$0xFFFFFFD0];
	[tilespmem:s7+$0x40] =	vst v4;
	v61 =	vbroadcast v4, $0x3;
	v2 =	vmul.f32 v2, v8  }
0x1c6: {  	v60 =	vld [tilespmem:s7+$0xFFFFFFC0];
	v11 =	vbroadcast v4, $0x4;
	v3 =	vmul.f32 v3, v10;
	[tilespmem:s7+$0x30] =	vst v1  }
0x1c7: {  	v62 =	vbroadcast v4, $0x2;
	v7 =	vmul.f32 v7, v61;
	[tilespmem:s7+$0x20] =	vst v2  }
0x1c8: {  	v1 =	vmul.f32 v5, v11;
	v2 =	vbroadcast v4, $0x1;
	[tilespmem:s7+$0x10] =	vst v3  }
0x1c9: {  	v63 =	vmul.f32 v62, v9;
	v3 =	vbroadcast v4, $0x0;
	[tilespmem:s7+$0xFFFFFFF0] =	vst v7  }
0x1ca: {  	[tilespmem:s7+$0x0] =	vst v1;
	v1 =	vmul.f32 v2, v59  }
0x1cb: {  	s6 =	sadd.s32 $0x1, s6;
	[tilespmem:s7+$0xFFFFFFE0] =	vst v63;
	v2 =	vmul.f32 v3, v60  }
0x1cc: {  	p0 =	sne.s32 s6, $0x2F;
	[tilespmem:s8+$0xFFFFFFD0] =	vst v1  }
.Ltmp7:
0x1cd: {  	[tilespmem:s8+$0xFFFFFFC0] =	vst v2;
	(pc) =	sbr.rel @p0 .LBB2_4-.Ltmp7, $4  }
0x1ce: {  	_ =	swait.ge [sflag:s15], $0x2880  }
0x1cf: {  	[sflag:s15] =	ssyncset.done $0x0  }
0x1d0: {  	[sflag:s15] =	ssyncadd.s32 $0xFFFFD780  }
0x1d1: {  	[spmem:s1] =	stream.indirect.scatter.add.f32 [tilespmem:s16], [sflag:$0x9], $0x90, s5, s26, $0x2000b8;
	[tilespmem:$0x1F260] =	vst v63  }
0x1d2: {  	_ =	swait.ge [sflag:s4], $0x2880  }
0x1d3: {  	[sflag:s4] =	ssyncset.done $0x0  }
0x1d4: {  	[sflag:s4] =	ssyncadd.s32 $0xFFFFD780  }
0x1d5: {  	[bflag:$0x0] =	sbarrier.arrive $0xFFFF  }
0x1d6: {  	_ =	strace $0x90000049  }
0x1d7: {  	s6 =	simm.s32 $0x0;
	_ =	strace $0x8000004A  }
.LBB2_18:
0x1d8: {  	s7 =	sshll.u32 s6, $0x6;
	s0 =	rddreg [dreg:$0x4]  }
0x1d9: {  	s7 =	sadd.s32 s0, s7  }
0x1da: {  	s7 =	smul.u32 $0x90, s7;
	_ =	sdelay $0x1  }
0x1db: {  	s8 =	sadd.s32 s7, s1  }
0x1dc: {  	[tilespmem:s23], [sflag:$0xA] =	stream.linear.gather [spmem:s8], $0x2400, $0x200038;
	[tilespmem:$0x1F260] =	vst v63  }
0x1dd: {  	_ =	swait.ge [sflag:s24], $0x2400  }
0x1de: {  	[sflag:s24] =	ssyncset.done $0x0  }
0x1df: {  	s28 =	simm.s32 $0x0;
	[sflag:s24] =	ssyncadd.s32 $0xFFFFDC00  }
0x1e0: {  	v1 =	vld [tilespmem:s28+$0x16BE0];
	_ =	sdelay $0x4  }
0x1e1: {  	v1 =	vadd.f32 $1.000000020e-16, v1;
	_ =	sdelay $0x1  }
0x1e2: {  	(erf) = vrcp.f32 v1  }
0x1e3: {  	s25 =	simm.s32 $0x90  }
0x1e4: {  	v1 =	vld [tilespmem:s25+$0x16BE0];
	_ =	sdelay $0x2  }
0x1e5: {  	s11 =	simm.s32 $0x120  }
0x1e6: {  	v2 =	vld [tilespmem:s11+$0x16BE0]  }
0x1e7: {  	v3 =	vld [tilespmem:s28+$0x16BD0];
	v1 =	vadd.f32 $1.000000020e-16, v1;
	_ =	sdelay $0x1  }
0x1e8: {  	v4 =	vld [tilespmem:s28+$0x16BC0];
	(erf) = vrcp.f32 v1;
	v6 =	vpop (erf)  }
0x1e9: {  	v5 =	vld [tilespmem:s28+$0x16B70];
	v8 =	vbroadcast v6, $0x7  }
0x1ea: {  	v7 =	vld [tilespmem:s28+$0x16BB0]  }
0x1eb: {  	v9 =	vld [tilespmem:s28+$0x16BA0];
	v2 =	vadd.f32 $1.000000020e-16, v2;
	v1 =	vbroadcast v6, $0x6;
	v3 =	vmul.f32 v3, v8  }
0x1ec: {  	v10 =	vld [tilespmem:s28+$0x16B80];
	v8 =	vbroadcast v6, $0x1  }
0x1ed: {  	s8 =	simm.s32 $0x1B0;
	v11 =	vld [tilespmem:s28+$0x16B60];
	(erf) = vrcp.f32 v2;
	v4 =	vmul.f32 v4, v1;
	v3 =	vmax.f32 v3, $0.0e+00  }
0x1ee: {  	v1 =	vld [tilespmem:s8+$0x16BE0];
	v5 =	vmul.f32 v8, v5;
	[tilespmem:s28+$0x16BD0] =	vst v3;
	v3 =	vbroadcast v6, $0x5  }
0x1ef: {  	v13 =	vld [tilespmem:s28+$0x16B90];
	v12 =	vbroadcast v6, $0x0;
	v14 =	vbroadcast v6, $0x4;
	v8 =	vmax.f32 v4, $0.0e+00  }
0x1f0: {  	v4 =	vld [tilespmem:s25+$0x16BD0];
	[tilespmem:s28+$0x16BC0] =	vst v8;
	v8 =	vbroadcast v6, $0x2;
	v3 =	vmul.f32 v7, v3;
	v7 =	vmax.f32 v5, $0.0e+00  }
0x1f1: {  	v15 =	vbroadcast v6, $0x3;
	v2 =	vpop (erf);
	v5 =	vld [tilespmem:s25+$0x16BC0];
	[tilespmem:s28+$0x16B70] =	vst v7;
	v7 =	vmul.f32 v9, v14  }
0x1f2: {  	v14 =	vmul.f32 v10, v8;
	v8 =	vbroadcast v2, $0x6;
	v9 =	vmax.f32 v3, $0.0e+00  }
0x1f3: {  	v10 =	vbroadcast v2, $0x7;
	v6 =	vld [tilespmem:s25+$0x16B70];
	[tilespmem:s28+$0x16BB0] =	vst v9;
	v9 =	vmul.f32 v12, v11;
	v16 =	vmax.f32 v7, $0.0e+00  }
0x1f4: {  	s29 =	simm.s32 $0x900;
	v3 =	vbroadcast v2, $0x0;
	v12 =	vmax.f32 v14, $0.0e+00;
	v11 =	vmul.f32 v13, v15;
	v7 =	vld [tilespmem:s25+$0x16BB0];
	[tilespmem:s28+$0x16BA0] =	vst v16  }
.LBB2_19:
0x1f5: {  	s0 =	sshra.s32 s29, $0x2;
	p0 =	sne.s32 s29, $0x8DC0;
	s29 =	sadd.s32 $0x240, s29;
	v13 =	vbroadcast v2, $0x3;
	v14 =	vld [tilespmem:s25+$0x16BA0];
	v15 =	vbroadcast v2, $0x4;
	v9 =	vmax.f32 v9, $0.0e+00;
	[tilespmem:s28+$0x16B80] =	vst v12  }
0x1f6: {  	v12 =	vbroadcast v2, $0x1;
	v16 =	vld [tilespmem:s25+$0x16B80];
	v4 =	vmul.f32 v4, v10;
	[tilespmem:s28+$0x16B60] =	vst v9;
	v9 =	vmax.f32 v11, $0.0e+00  }
0x1f7: {  	v11 =	vbroadcast v2, $0x5;
	v10 =	vld [tilespmem:s25+$0x16B60];
	v5 =	vmul.f32 v5, v8;
	[tilespmem:s28+$0x16B90] =	vst v9;
	s28 =	smov.u32 s25;
	s25 =	smov.u32 s11;
	s11 =	smov.u32 s8  }
0x1f8: {  	v8 =	vadd.f32 $1.000000020e-16, v1;
	s8 =	smov.u32 s0;
	v6 =	vmul.f32 v12, v6;
	v17 =	vld [tilespmem:s28+$0x16B90];
	v4 =	vmax.f32 v4, $0.0e+00  }
.Ltmp8:
0x1f9: {  	v9 =	vbroadcast v2, $0x2;
	v1 =	vld [tilespmem:s8+$0x16BE0];
	v7 =	vmul.f32 v7, v11;
	v5 =	vmax.f32 v5, $0.0e+00;
	[tilespmem:s28+$0x16BD0] =	vst v4;
	(pc) =	sbr.rel @p0 .LBB2_19-.Ltmp8, $4  }
0x1fa: {  	(erf) = vrcp.f32 v8;
	v4 =	vld [tilespmem:s25+$0x16BD0];
	v2 =	vpop (erf);
	v6 =	vmax.f32 v6, $0.0e+00;
	v11 =	vmul.f32 v14, v15;
	[tilespmem:s28+$0x16BC0] =	vst v5  }
0x1fb: {  	v14 =	vbroadcast v2, $0x0;
	v5 =	vld [tilespmem:s25+$0x16BC0];
	[tilespmem:s28+$0x16B70] =	vst v6;
	v12 =	vmul.f32 v16, v9;
	v7 =	vmax.f32 v7, $0.0e+00  }
0x1fc: {  	v8 =	vbroadcast v2, $0x6;
	v6 =	vld [tilespmem:s25+$0x16B70];
	v9 =	vmul.f32 v3, v10;
	v15 =	vmax.f32 v11, $0.0e+00;
	[tilespmem:s28+$0x16BB0] =	vst v7  }
0x1fd: {  	v10 =	vbroadcast v2, $0x7;
	v7 =	vld [tilespmem:s25+$0x16BB0];
	v12 =	vmax.f32 v12, $0.0e+00;
	v11 =	vmul.f32 v17, v13;
	[tilespmem:s28+$0x16BA0] =	vst v15;
	v3 =	vmovc v14  }
0x1fe: {  	v13 =	vld [tilespmem:s25+$0x16BA0];
	[tilespmem:s28+$0x16B80] =	vst v12;
	v9 =	vmax.f32 v9, $0.0e+00  }
0x1ff: {  	v35 =	vbroadcast v2, $0x1;
	v12 =	vld [tilespmem:s25+$0x16B80];
	[tilespmem:s28+$0x16B60] =	vst v9;
	v4 =	vmul.f32 v4, v10  }
0x200: {  	v37 =	vbroadcast v2, $0x5;
	v33 =	vmax.f32 v11, $0.0e+00;
	v34 =	vld [tilespmem:s25+$0x16B60];
	v5 =	vmul.f32 v5, v8  }
0x201: {  	v39 =	vbroadcast v2, $0x4;
	[tilespmem:s28+$0x16B90] =	vst v33;
	v4 =	vmax.f32 v4, $0.0e+00;
	v6 =	vmul.f32 v35, v6  }
0x202: {  	v41 =	vbroadcast v2, $0x2;
	v36 =	vld [tilespmem:s25+$0x16B90];
	[tilespmem:s25+$0x16BD0] =	vst v4;
	v5 =	vmax.f32 v5, $0.0e+00;
	v4 =	vmul.f32 v7, v37  }
0x203: {  	v38 =	vld [tilespmem:s11+$0x16BD0];
	[tilespmem:s25+$0x16BC0] =	vst v5;
	v6 =	vmax.f32 v6, $0.0e+00;
	v5 =	vmul.f32 v13, v39  }
0x204: {  	v40 =	vld [tilespmem:s11+$0x16BC0];
	[tilespmem:s25+$0x16B70] =	vst v6;
	v4 =	vmax.f32 v4, $0.0e+00;
	v43 =	vmul.f32 v12, v41  }
0x205: {  	v2 =	vbroadcast v2, $0x3;
	v42 =	vld [tilespmem:s11+$0x16B70];
	[tilespmem:s25+$0x16BB0] =	vst v4;
	v5 =	vmax.f32 v5, $0.0e+00;
	v3 =	vmul.f32 v3, v34  }
0x206: {  	v1 =	vadd.f32 $1.000000020e-16, v1;
	v45 =	vpop (erf);
	v44 =	vld [tilespmem:s11+$0x16BB0];
	[tilespmem:s25+$0x16BA0] =	vst v5;
	v4 =	vmax.f32 v43, $0.0e+00  }
0x207: {  	v46 =	vbroadcast v45, $0x7;
	v2 =	vmul.f32 v36, v2;
	v5 =	vld [tilespmem:s11+$0x16BA0];
	[tilespmem:s25+$0x16B80] =	vst v4;
	v3 =	vmax.f32 v3, $0.0e+00  }
0x208: {  	v47 =	vld [tilespmem:s11+$0x16B80];
	[tilespmem:s25+$0x16B60] =	vst v3;
	v3 =	vbroadcast v45, $0x6  }
0x209: {  	(erf) = vrcp.f32 v1;
	v4 =	vmul.f32 v38, v46;
	v2 =	vmax.f32 v2, $0.0e+00  }
0x20a: {  	v48 =	vld [tilespmem:s11+$0x16B60];
	[tilespmem:s25+$0x16B90] =	vst v2;
	v2 =	vbroadcast v45, $0x1;
	v3 =	vmul.f32 v40, v3  }
0x20b: {  	v4 =	vmax.f32 v4, $0.0e+00  }
0x20c: {  	v1 =	vbroadcast v45, $0x5;
	[tilespmem:s11+$0x16BD0] =	vst v4;
	v2 =	vmul.f32 v2, v42;
	v3 =	vmax.f32 v3, $0.0e+00  }
0x20d: {  	v4 =	vld [tilespmem:s8+$0x16BD0];
	[tilespmem:s11+$0x16BC0] =	vst v3;
	v3 =	vbroadcast v45, $0x4  }
0x20e: {  	v49 =	vld [tilespmem:s11+$0x16B90];
	v1 =	vmul.f32 v44, v1;
	v2 =	vmax.f32 v2, $0.0e+00  }
0x20f: {  	v50 =	vld [tilespmem:s8+$0x16BC0];
	[tilespmem:s11+$0x16B70] =	vst v2;
	v2 =	vbroadcast v45, $0x2;
	v3 =	vmul.f32 v5, v3  }
0x210: {  	v1 =	vmax.f32 v1, $0.0e+00  }
0x211: {  	v51 =	vld [tilespmem:s8+$0x16B70];
	[tilespmem:s11+$0x16BB0] =	vst v1;
	v1 =	vbroadcast v45, $0x0;
	v2 =	vmul.f32 v47, v2;
	v3 =	vmax.f32 v3, $0.0e+00  }
0x212: {  	v52 =	vld [tilespmem:s8+$0x16BB0];
	[tilespmem:s11+$0x16BA0] =	vst v3;
	v3 =	vbroadcast v45, $0x3  }
0x213: {  	v54 =	vpop (erf);
	v1 =	vmul.f32 v1, v48;
	v2 =	vmax.f32 v2, $0.0e+00  }
0x214: {  	v53 =	vld [tilespmem:s8+$0x16BA0];
	[tilespmem:s11+$0x16B80] =	vst v2;
	v2 =	vbroadcast v54, $0x7;
	v3 =	vmul.f32 v49, v3  }
0x215: {  	v56 =	vbroadcast v54, $0x6;
	v1 =	vmax.f32 v1, $0.0e+00  }
0x216: {  	v55 =	vld [tilespmem:s8+$0x16B80];
	[tilespmem:s11+$0x16B60] =	vst v1;
	v1 =	vbroadcast v54, $0x1;
	v2 =	vmul.f32 v4, v2;
	v3 =	vmax.f32 v3, $0.0e+00  }
0x217: {  	v58 =	vbroadcast v54, $0x5;
	v6 =	vmul.f32 v50, v56;
	v57 =	vld [tilespmem:s8+$0x16B60];
	[tilespmem:s11+$0x16B90] =	vst v3  }
0x218: {  	v1 =	vmul.f32 v1, v51;
	v3 =	vbroadcast v54, $0x4;
	v2 =	vmax.f32 v2, $0.0e+00;
	v59 =	vld [tilespmem:s8+$0x16B90]  }
0x219: {  	v60 =	vbroadcast v54, $0x2;
	v8 =	vmul.f32 v52, v58;
	v6 =	vmax.f32 v6, $0.0e+00;
	[tilespmem:s8+$0x16BD0] =	vst v2  }
0x21a: {  	v2 =	vbroadcast v54, $0x0;
	v1 =	vmax.f32 v1, $0.0e+00;
	[tilespmem:s8+$0x16BC0] =	vst v6;
	v3 =	vmul.f32 v53, v3  }
0x21b: {  	v61 =	vbroadcast v54, $0x3;
	v62 =	vmax.f32 v8, $0.0e+00;
	[tilespmem:s8+$0x16B70] =	vst v1;
	v1 =	vmul.f32 v55, v60  }
0x21c: {  	[tilespmem:s8+$0x16BB0] =	vst v62;
	v2 =	vmul.f32 v2, v57;
	v3 =	vmax.f32 v3, $0.0e+00  }
0x21d: {  	s0 =	rddreg [dreg:$0x8];
	v1 =	vmax.f32 v1, $0.0e+00;
	[tilespmem:s8+$0x16BA0] =	vst v3;
	v63 =	vmul.f32 v59, v61  }
0x21e: {  	s6 =	sadd.s32 $0x1, s6;
	s0 =	sadd.s32 s0, s7;
	v2 =	vmax.f32 v2, $0.0e+00;
	[tilespmem:s8+$0x16B80] =	vst v1  }
0x21f: {  	p0 =	sne.s32 s6, $0xA;
	s0 =	sshrl.u32 s0, $0x3;
	s28 =	rddreg [dreg:$0x6];
	[tilespmem:s8+$0x16B60] =	vst v2;
	v1 =	vmax.f32 v63, $0.0e+00  }
.Ltmp9:
0x220: {  	s29 =	simm.s32 $0x0;
	s0 =	sadd.s32 s28, s0;
	[tilespmem:s8+$0x16B90] =	vst v1;
	(pc) =	sbr.rel @p0 .LBB2_18-.Ltmp9, $4  }
0x221: {  	[hbm4b:s0+s29] =	stream.linear.scatter [tilespmem:s23], [sflag:$0xA], $0x2400, $0x200038;
	[tilespmem:$0x1F260] =	vst v63  }
0x222: {  	_ =	swait.ge [sflag:s24], $0x2400  }
0x223: {  	[sflag:s24] =	ssyncset.done $0x0  }
0x224: {  	[sflag:s24] =	ssyncadd.s32 $0xFFFFDC00  }
0x225: {  	s6 =	rddreg [dreg:$0x14]  }
0x226: {  	s0 =	rddreg [dreg:$0x9];
	s6 =	sadd.s32 $0x1, s6  }
0x227: {  	p0 =	sne.s32 s6, s0  }
.Ltmp10:
0x228: {  	_ = 	snop;
	(pc) =	sbr.rel @p0 .LBB2_1-.Ltmp10, $4  }
0x229: {  	_ = 	snop  }
0x22a: {  	_ =	strace $0x9000004A  }
0x22b: {  	s28 =	rddreg [dreg:$0x3]  }
0x22c: {  	s29 =	rddreg [dreg:$0x5]  }
0x22d: {  	_ =	sfence.sel $0x180000  }
0x22e: {  	[bflag:$0x0] =	sbarrier.arrive $0xFFFF  }
0x22f: {  	_ =	strace $0x90000047  }
0x230: {  	s0 =	stileid.u32;
	[bflag:$0x2] =	sbarrier.arrive $0xFFFF  }
0x231: {  	p0 =	sne.s32 s0, $0x0;
	s0 =	rddreg [dreg:$0x2]  }
0x232: {  	s0 =	sadd.s32 @!p0 $0x100000, s0  }
0x233: {  	[sflag:s0] =	ssyncadd.tile.s32 @!p0 $0x1;
	_ =	shalt  }
.Lfunc_end2:
_tile_overlayer_lowered:
.L_overlay_start_2:
0x234: {  	(tag) =	ssettag $0x2  }
0x235: {  	s0 =	rddreg [dreg:$0x0];
	s2 =	stileid.u32  }
0x236: {  	s1 =	rddreg [dreg:$0x1];
	p0 =	sne.s32 s2, $0x0  }
0x237: {  	s3 =	rddreg [dreg:$0x2];
	[bflag:$0x3] =	sbarrier.arrive $0xFFFF;
	s2 =	simm.s32 @!p0 $0x1C0A  }
0x238: {  	[timem:s3], [sflag:s2] =	dma.local @!p0 [hbm:s0], s1  }
0x239: {  	s0 =	simm.s32 @!p0 $0xA  }
0x23a: {  	_ =	swait.ge @!p0 [sflag:s0], s1  }
0x23b: {  	s1 =	ssub.s32 @!p0 $0x0, s1;
	[sflag:s0] =	ssyncset.done @!p0 $0x0  }
0x23c: {  	[sflag:s0] =	ssyncadd.s32 @!p0 s1  }
0x23d: {  	[bflag:$0x3] =	sbarrier.arrive $0xFFFF  }
0x23e: {  	_ =	shalt  }

</sc_bundles>
